<compile_context>
chip_gen: v7x
topology: tpu7x:2x2x1
jax: 0.10.2.dev20260603
libtpu: 0.0.44.dev20260713+nightly
codegen_flags: <defaults>
</compile_context>

<pallas_src>
import functools

import jax
import jax.numpy as jnp
from jax import lax
from jax.experimental import pallas as pl
from jax.experimental.pallas import tpu as pltpu
from jax.experimental.pallas import tpu_sc as plsc

NC = 2
NS = 16
NW = NC * NS

_mesh = functools.partial(
    plsc.VectorSubcoreMesh,
    core_axis_name="c", subcore_axis_name="s", num_cores=NC, num_subcores=NS,
)


def _pack16(v):
    half = v.shape[1] // 2
    bits = jax.lax.bitcast_convert_type(v, jnp.uint32) + jnp.uint32(0x8000)
    lo = bits[:, :half] & jnp.uint32(0xFFFF0000)
    hi = bits[:, half:] >> jnp.uint32(16)
    return jax.lax.bitcast_convert_type(lo | hi, jnp.int32)


def _unpack16(w):
    u = jax.lax.bitcast_convert_type(w, jnp.uint32)
    lo = jax.lax.bitcast_convert_type(u & jnp.uint32(0xFFFF0000), jnp.float32)
    hi = jax.lax.bitcast_convert_type(u << jnp.uint32(16), jnp.float32)
    return lo, hi


def _packx_body(x_ref, o_ref):
    o_ref[...] = _pack16(x_ref[...])


def _packx(x, bn=2000):
    n, d = x.shape
    return pl.pallas_call(
        _packx_body,
        grid=(n // bn,),
        in_specs=[pl.BlockSpec((bn, d), lambda i: (i, 0))],
        out_specs=pl.BlockSpec((bn, d // 2), lambda i: (i, 0)),
        out_shape=jax.ShapeDtypeStruct((n, d // 2), jnp.int32),
    )(x)


def _make_gather(e, n, d, c=40):
    per_w = e // NW
    n_chunks = per_w // c
    assert n_chunks % 3 == 2 and n_chunks >= 5
    n_trips = (n_chunks - 2) // 3
    w = d // 2

    @functools.partial(
        pl.kernel,
        out_type=(
            jax.ShapeDtypeStruct((e, w), jnp.int32),
            jax.ShapeDtypeStruct((e, w), jnp.int32),
        ),
        mesh=_mesh(),
        scratch_types=[
            pltpu.VMEM((per_w,), jnp.int32),
            pltpu.VMEM((per_w,), jnp.int32),
            pltpu.VMEM((3, c, w), jnp.int32),
            pltpu.VMEM((3, c, w), jnp.int32),
            ([pltpu.SemaphoreType.DMA] * 3),
            ([pltpu.SemaphoreType.DMA] * 3),
            ([pltpu.SemaphoreType.DMA] * 3),
            ([pltpu.SemaphoreType.DMA] * 3),
        ],
    )
    def k(p_hbm, q_hbm, src_hbm, dst_hbm, gp_hbm, gq_hbm,
          idx_s, idx_d, bufp, bufq, sgp, swp, sgq, swq):
        wid = lax.axis_index("s") * NC + lax.axis_index("c")
        base = wid * per_w
        pltpu.sync_copy(src_hbm.at[pl.ds(base, per_w)], idx_s)
        pltpu.sync_copy(dst_hbm.at[pl.ds(base, per_w)], idx_d)

        def g(s, j):
            pltpu.async_copy(
                p_hbm.at[idx_s.at[pl.ds(j * c, c)]], bufp.at[s], sgp[s])
            pltpu.async_copy(
                q_hbm.at[idx_d.at[pl.ds(j * c, c)]], bufq.at[s], sgq[s])

        def wg(s):
            pltpu.make_async_copy(
                p_hbm.at[idx_s.at[pl.ds(0, c)]], bufp.at[s], sgp[s]).wait()
            pltpu.make_async_copy(
                q_hbm.at[idx_d.at[pl.ds(0, c)]], bufq.at[s], sgq[s]).wait()

        def w(s, j):
            pltpu.async_copy(
                bufp.at[s], gp_hbm.at[pl.ds(base + j * c, c)], swp[s])
            pltpu.async_copy(
                bufq.at[s], gq_hbm.at[pl.ds(base + j * c, c)], swq[s])

        def ww(s):
            pltpu.make_async_copy(
                bufp.at[s], gp_hbm.at[pl.ds(base, c)], swp[s]).wait()
            pltpu.make_async_copy(
                bufq.at[s], gq_hbm.at[pl.ds(base, c)], swq[s]).wait()

        g(0, 0)

        def body(i, carry):
            j0 = 3 * i
            for b in range(3):
                jb = j0 + b
                nxt = (b + 1) % 3
                if b < 2:
                    @pl.when(i > 0)
                    def _(nxt=nxt):
                        ww(nxt)
                else:
                    ww(nxt)
                g(nxt, jb + 1)
                wg(b)
                w(b, jb)
            return carry

        lax.fori_loop(0, n_trips, body, 0)
        ww(1)
        g(1, n_chunks - 1)
        wg(0)
        w(0, n_chunks - 2)
        wg(1)
        w(1, n_chunks - 1)
        ww(2)
        ww(0)
        ww(1)

    return k


def _edge_body(ea_ref, xs_ref, xd_ref, w1a_ref, b1_ref, w1s_ref, w1d_ref,
               w2_ref, b2_ref, lo_ref, hi_ref):
    ea = ea_ref[...]
    dn = w2_ref.shape[1]
    qw = w1s_ref.shape[0] // 2
    pre = (jnp.dot(ea, w1a_ref[...], preferred_element_type=jnp.float32)
           + b1_ref[...])
    for ref, wref in ((xs_ref, w1s_ref), (xd_ref, w1d_ref)):
        vlo, vhi = _unpack16(ref[...])
        pre = pre + jnp.dot(
            vlo.astype(jnp.bfloat16), wref[:qw, :],
            preferred_element_type=jnp.float32)
        pre = pre + jnp.dot(
            vhi.astype(jnp.bfloat16), wref[qw:, :],
            preferred_element_type=jnp.float32)
    h = jnp.tanh(pre).astype(jnp.bfloat16)
    ne = jnp.tanh(
        jnp.dot(h, w2_ref[...], preferred_element_type=jnp.float32)
        + b2_ref[...])
    half = dn // 2
    lo_ref[...] = ne[:, :half]
    hi_ref[...] = ne[:, half:]


def _edge(ea, xs, xd, w1a, b1, w1s, w1d, w2, b2, be=2000):
    e, de = ea.shape
    d = w1s.shape[0]
    dh = w2.shape[0]
    dn = w2.shape[1]
    half = dn // 2
    return pl.pallas_call(
        _edge_body,
        grid=(e // be,),
        in_specs=[
            pl.BlockSpec((be, de), lambda i: (i, 0)),
            pl.BlockSpec((be, d // 2), lambda i: (i, 0)),
            pl.BlockSpec((be, d // 2), lambda i: (i, 0)),
            pl.BlockSpec((de, dh), lambda i: (0, 0)),
            pl.BlockSpec((1, dh), lambda i: (0, 0)),
            pl.BlockSpec((d, dh), lambda i: (0, 0)),
            pl.BlockSpec((d, dh), lambda i: (0, 0)),
            pl.BlockSpec((dh, dn), lambda i: (0, 0)),
            pl.BlockSpec((1, dn), lambda i: (0, 0)),
        ],
        out_specs=[
            pl.BlockSpec((be, half), lambda i: (i, 0)),
            pl.BlockSpec((be, half), lambda i: (i, 0)),
        ],
        out_shape=[
            jax.ShapeDtypeStruct((e, half), jnp.float32),
            jax.ShapeDtypeStruct((e, half), jnp.float32),
        ],
    )(ea, xs, xd, w1a, b1, w1s, w1d, w2, b2)


def _make_scatter(es, n, h, s_count, c=80, rz=80):
    per_t = es // NS
    n_chunks = per_t // c
    n_pairs = n_chunks // 2
    nz = n // rz

    @functools.partial(
        pl.kernel,
        out_type=(
            jax.ShapeDtypeStruct((n, h), jnp.float32),
            jax.ShapeDtypeStruct((n, h), jnp.float32),
        ),
        mesh=_mesh(),
        scratch_types=[
            pltpu.VMEM((s_count * n_chunks, c), jnp.int32),
            pltpu.VMEM((2, c, h), jnp.float32),
            pltpu.VMEM((rz, h), jnp.float32),
            pltpu.VMEM_SHARED((n, h), jnp.float32),
        ] + [pltpu.SemaphoreType.DMA] * 4,
    )
    def k(*refs):
        los = refs[0:s_count]
        his = refs[s_count:2 * s_count]
        dst4_hbm = refs[2 * s_count]
        alo_hbm, ahi_hbm = refs[2 * s_count + 1], refs[2 * s_count + 2]
        idx_all, buf, zbuf, acc, sl0, sl1, sa0, sa1 = refs[2 * s_count + 3:]
        cid = lax.axis_index("c")
        tid = lax.axis_index("s")
        my_nz = (nz - tid + NS - 1) // NS

        def zrow(r, carry):
            for j in range(h // 16):
                zbuf[r, pl.ds(j * 16, 16)] = jnp.zeros((16,), jnp.float32)
            return carry

        lax.fori_loop(0, rz, zrow, 0)

        def zchunk(kk, carry):
            pltpu.sync_copy(zbuf, acc.at[pl.ds((tid + kk * NS) * rz, rz)])
            return carry

        lax.fori_loop(0, my_nz, zchunk, 0)
        for si in range(s_count):
            pltpu.sync_copy(
                dst4_hbm.at[si, tid],
                idx_all.at[pl.ds(si * n_chunks, n_chunks)])
        plsc.subcore_barrier()

        for ci, srcs in enumerate((los, his)):
            @pl.when(cid == ci)
            def _(srcs=srcs):
                for si in range(s_count):
                    src_ref = srcs[si]
                    ib = si * n_chunks

                    def ld(buf_s, sem, j, src_ref=src_ref):
                        pltpu.async_copy(
                            src_ref.at[pl.ds(tid * per_t + j * c, c)],
                            buf_s, sem)

                    def wld(buf_s, sem, src_ref=src_ref):
                        pltpu.make_async_copy(
                            src_ref.at[pl.ds(tid * per_t, c)],
                            buf_s, sem).wait()

                    def sc(buf_s, sem, j, ib=ib):
                        pltpu.async_copy(
                            buf_s, acc.at[idx_all.at[ib + j]], sem, add=True)

                    def wsc(buf_s, sem):
                        pltpu.make_async_copy(
                            buf_s, acc.at[idx_all.at[0]], sem).wait()

                    ld(buf.at[0], sl0, 0)

                    def body(i, carry):
                        j0 = 2 * i
                        @pl.when(i > 0)
                        def _():
                            wsc(buf.at[1], sa1)

                        ld(buf.at[1], sl1, j0 + 1)
                        wld(buf.at[0], sl0)
                        sc(buf.at[0], sa0, j0)
                        wsc(buf.at[0], sa0)
                        ld(buf.at[0], sl0, j0 + 2)
                        wld(buf.at[1], sl1)
                        sc(buf.at[1], sa1, j0 + 1)
                        return carry

                    lax.fori_loop(0, n_pairs, body, 0)
                    wld(buf.at[0], sl0)
                    sc(buf.at[0], sa0, n_chunks - 1)
                    wsc(buf.at[0], sa0)
                    wsc(buf.at[1], sa1)

        plsc.subcore_barrier()
        for ci, out_ref in enumerate((alo_hbm, ahi_hbm)):
            @pl.when(cid == ci)
            def _(out_ref=out_ref):
                def ochunk(kk, carry):
                    row = (tid + kk * NS) * rz
                    pltpu.sync_copy(acc.at[pl.ds(row, rz)],
                                    out_ref.at[pl.ds(row, rz)])
                    return carry

                lax.fori_loop(0, my_nz, ochunk, 0)

    return k


def _node_body(x_ref, al_ref, ah_ref, w3_ref, b3_ref, w4_ref, b4_ref, o_ref):
    n_in = jnp.concatenate([x_ref[...], al_ref[...], ah_ref[...]], axis=1)
    h2 = jnp.tanh(
        jnp.dot(n_in, w3_ref[...], preferred_element_type=jnp.float32)
        + b3_ref[...])
    o_ref[...] = jnp.tanh(
        jnp.dot(h2, w4_ref[...], preferred_element_type=jnp.float32)
        + b4_ref[...])


def _node(x, alo, ahi, w3, b3, w4, b4, bn=2000):
    n, d = x.shape
    half = alo.shape[1]
    dh = w3.shape[1]
    dn = w4.shape[1]
    return pl.pallas_call(
        _node_body,
        grid=(n // bn,),
        in_specs=[
            pl.BlockSpec((bn, d), lambda i: (i, 0)),
            pl.BlockSpec((bn, half), lambda i: (i, 0)),
            pl.BlockSpec((bn, half), lambda i: (i, 0)),
            pl.BlockSpec((d + 2 * half, dh), lambda i: (0, 0)),
            pl.BlockSpec((1, dh), lambda i: (0, 0)),
            pl.BlockSpec((dh, dn), lambda i: (0, 0)),
            pl.BlockSpec((1, dn), lambda i: (0, 0)),
        ],
        out_specs=pl.BlockSpec((bn, dn), lambda i: (i, 0)),
        out_shape=jax.ShapeDtypeStruct((n, dn), jnp.float32),
    )(x, alo, ahi, w3, b3, w4, b4)


def kernel(x, edge_attr, edge_index, W1, b1, W2, b2, W3, b3, W4, b4):
    n, d_node = x.shape
    e, d_edge = edge_attr.shape
    d_hid = W1.shape[1]
    src = edge_index[0].astype(jnp.int32)
    dst = edge_index[1].astype(jnp.int32)

    w1a = W1[:d_edge]
    w1s = W1[d_edge:d_edge + d_node]
    w1d = W1[d_edge + d_node:]

    xp = _packx(x)

    s_count = 1
    es = e // s_count
    gath = _make_gather(es, n, d_node)
    b1r, b2r = b1.reshape(1, -1), b2.reshape(1, -1)
    w1s_b = w1s.astype(jnp.bfloat16)
    w1d_b = w1d.astype(jnp.bfloat16)
    w2_b = W2.astype(jnp.bfloat16)
    ne_los, ne_his = [], []
    for s in range(s_count):
        sl_ = slice(s * es, (s + 1) * es)
        gxs, gxd = gath(xp, xp, src[sl_], dst[sl_])
        lo, hi = _edge(edge_attr[sl_], gxs, gxd,
                       w1a, b1r, w1s_b, w1d_b, w2_b, b2r)
        ne_los.append(lo)
        ne_his.append(hi)

    dst4 = dst.reshape(s_count, NS, -1, 80)
    alo, ahi = _make_scatter(es, n, d_node // 2, s_count)(
        *ne_los, *ne_his, dst4)
    return _node(
        x, alo, ahi, W3, b3.reshape(1, -1), W4, b4.reshape(1, -1))

# --- scband reference (transcript-rebuilt; emitter-appended) ---
"""Pipeline reference for scband-message-passing-layer-16870631539467 (READ-ONLY COPY).

The authoritative reference and input builder live on the scoring server;
editing this copy changes nothing except your own understanding.
"""

import jax, jax.numpy as jnp
import numpy as np

N = 10000
E = 160000
D_NODE = 256
D_EDGE = 16
D_HID = 512


def setup_inputs(seed: int = 0) -> dict:
    key = jax.random.key(seed)
    ks = jax.random.split(key, 12)
    x = jax.random.normal(ks[0], (N, D_NODE), dtype=jnp.float32)
    edge_attr = jax.random.normal(ks[1], (E, D_EDGE), dtype=jnp.float32)
    edge_index = jax.random.randint(ks[2], (2, E), 0, N)

    d_msg_in = D_EDGE + 2 * D_NODE  # edge_attr ++ x[src] ++ x[dst]
    W1 = jax.random.normal(ks[3], (d_msg_in, D_HID), dtype=jnp.float32) / np.sqrt(d_msg_in)
    b1 = jnp.zeros((D_HID,), dtype=jnp.float32)
    W2 = jax.random.normal(ks[4], (D_HID, D_NODE), dtype=jnp.float32) / np.sqrt(D_HID)
    b2 = jnp.zeros((D_NODE,), dtype=jnp.float32)

    d_node_in = 2 * D_NODE  # x ++ aggregated messages
    W3 = jax.random.normal(ks[5], (d_node_in, D_HID), dtype=jnp.float32) / np.sqrt(d_node_in)
    b3 = jnp.zeros((D_HID,), dtype=jnp.float32)
    W4 = jax.random.normal(ks[6], (D_HID, D_NODE), dtype=jnp.float32) / np.sqrt(D_HID)
    b4 = jnp.zeros((D_NODE,), dtype=jnp.float32)

    return {
        "x": x,
        "edge_attr": edge_attr,
        "edge_index": edge_index,
        "W1": W1, "b1": b1, "W2": W2, "b2": b2,
        "W3": W3, "b3": b3, "W4": W4, "b4": b4,
    }


def reference(x, edge_attr, edge_index, W1, b1, W2, b2, W3, b3, W4, b4):
    # update_edges_fn: MLP over [edge_attr, x_src, x_dst]
    src = edge_index[0]
    dst = edge_index[1]
    x_src = jnp.take(x, src, axis=0)
    x_dst = jnp.take(x, dst, axis=0)
    m_in = jnp.concatenate([edge_attr, x_src, x_dst], axis=-1)
    h = jnp.tanh(m_in @ W1 + b1)
    new_edges = jnp.tanh(h @ W2 + b2)
    # aggregate_edges_for_nodes_fn: segment_sum over destination nodes
    agg = jax.ops.segment_sum(new_edges, dst, num_segments=x.shape[0])
    # update_nodes_fn: MLP over [x, aggregated messages]
    n_in = jnp.concatenate([x, agg], axis=-1)
    h2 = jnp.tanh(n_in @ W3 + b3)
    new_nodes = jnp.tanh(h2 @ W4 + b4)
    return new_nodes

if __name__ == "__main__":
    import jax
    _d = setup_inputs()
    print(jax.jit(kernel)(*tuple(_d.values())))

</pallas_src>

<mosaic_0001>
#map = affine_map<(d0, d1) -> (0, 0)>
#map1 = affine_map<(d0, d1) -> (0)>
module attributes {stable_mosaic.version = 14 : i64} {
  func.func @k(%arg0: i32, %arg1: i32, %arg2: memref<10000x128xi32, #tpu.memory_space<hbm>>, %arg3: memref<10000x128xi32, #tpu.memory_space<hbm>>, %arg4: memref<160000xi32, #tpu.memory_space<hbm>>, %arg5: memref<160000xi32, #tpu.memory_space<hbm>>, %arg6: memref<160000x128xi32, #tpu.memory_space<hbm>>, %arg7: memref<160000x128xi32, #tpu.memory_space<hbm>>, %arg8: memref<5000xi32, #tpu.memory_space<vmem>>, %arg9: memref<5000xi32, #tpu.memory_space<vmem>>, %arg10: memref<3x40x128xi32, #tpu.memory_space<vmem>>, %arg11: memref<3x40x128xi32, #tpu.memory_space<vmem>>, %arg12: memref<!tpu.dma_semaphore, #tpu.memory_space<semaphore_mem>>, %arg13: memref<!tpu.dma_semaphore, #tpu.memory_space<semaphore_mem>>, %arg14: memref<!tpu.dma_semaphore, #tpu.memory_space<semaphore_mem>>, %arg15: memref<!tpu.dma_semaphore, #tpu.memory_space<semaphore_mem>>, %arg16: memref<!tpu.dma_semaphore, #tpu.memory_space<semaphore_mem>>, %arg17: memref<!tpu.dma_semaphore, #tpu.memory_space<semaphore_mem>>, %arg18: memref<!tpu.dma_semaphore, #tpu.memory_space<semaphore_mem>>, %arg19: memref<!tpu.dma_semaphore, #tpu.memory_space<semaphore_mem>>, %arg20: memref<!tpu.dma_semaphore, #tpu.memory_space<semaphore_mem>>, %arg21: memref<!tpu.dma_semaphore, #tpu.memory_space<semaphore_mem>>, %arg22: memref<!tpu.dma_semaphore, #tpu.memory_space<semaphore_mem>>, %arg23: memref<!tpu.dma_semaphore, #tpu.memory_space<semaphore_mem>>) attributes {dimension_semantics = [#tpu.dimension_semantics<core_parallel>, #tpu.dimension_semantics<subcore_parallel>], iteration_bounds = array<i64: 2, 16>, scalar_prefetch = 0 : i64, scratch_operands = 16 : i64, tpu.core_type = #tpu.core_type<sc_vector_subcore>, window_params = [{transform_indices = #map}, {transform_indices = #map}, {transform_indices = #map1}, {transform_indices = #map1}, {transform_indices = #map}, {transform_indices = #map}]} {
    %mul3A = arith.constant 2 : i32
    %mul3A_0 = arith.muli %arg1, %mul3A : i32
    %add3A = arith.addi %mul3A_0, %arg0 : i32
    %mul3A_1 = arith.constant 5000 : i32
    %mul3A_2 = arith.muli %add3A, %mul3A_1 : i32
    "tpu.region"() ({
      %run_scoped3A = tpu.sem_alloc : memref<!tpu.dma_semaphore, #tpu.memory_space<semaphore_mem>>
      %dma_start3A_250 = tpu.memref_slice %arg4[%mul3A_2] : memref<160000xi32, #tpu.memory_space<hbm>> -> memref<5000xi32, #tpu.memory_space<hbm>>
      %dma_start3A_251 = tpu.memref_slice %arg4[%mul3A_2] : memref<160000xi32, #tpu.memory_space<hbm>> -> memref<5000xi32, #tpu.memory_space<hbm>>
      tpu.enqueue_dma source(%dma_start3A_251 : memref<5000xi32, #tpu.memory_space<hbm>>) target(%arg8 : memref<5000xi32, #tpu.memory_space<vmem>>) target_semaphore(%run_scoped3A : memref<!tpu.dma_semaphore, #tpu.memory_space<semaphore_mem>>)
      %dma_wait3A_252 = tpu.memref_slice %arg4[%mul3A_2] : memref<160000xi32, #tpu.memory_space<hbm>> -> memref<5000xi32, #tpu.memory_space<hbm>>
      %dma_wait3A_253 = tpu.memref_slice %arg4[%mul3A_2] : memref<160000xi32, #tpu.memory_space<hbm>> -> memref<5000xi32, #tpu.memory_space<hbm>>
      tpu.wait_dma2 semaphore(%run_scoped3A : memref<!tpu.dma_semaphore, #tpu.memory_space<semaphore_mem>>) src(%dma_wait3A_253 : memref<5000xi32, #tpu.memory_space<hbm>>) dst(%arg8 : memref<5000xi32, #tpu.memory_space<vmem>>)
      tpu.yield
    }) : () -> ()
    "tpu.region"() ({
      %run_scoped3A = tpu.sem_alloc : memref<!tpu.dma_semaphore, #tpu.memory_space<semaphore_mem>>
      %dma_start3A_250 = tpu.memref_slice %arg5[%mul3A_2] : memref<160000xi32, #tpu.memory_space<hbm>> -> memref<5000xi32, #tpu.memory_space<hbm>>
      %dma_start3A_251 = tpu.memref_slice %arg5[%mul3A_2] : memref<160000xi32, #tpu.memory_space<hbm>> -> memref<5000xi32, #tpu.memory_space<hbm>>
      tpu.enqueue_dma source(%dma_start3A_251 : memref<5000xi32, #tpu.memory_space<hbm>>) target(%arg9 : memref<5000xi32, #tpu.memory_space<vmem>>) target_semaphore(%run_scoped3A : memref<!tpu.dma_semaphore, #tpu.memory_space<semaphore_mem>>)
      %dma_wait3A_252 = tpu.memref_slice %arg5[%mul3A_2] : memref<160000xi32, #tpu.memory_space<hbm>> -> memref<5000xi32, #tpu.memory_space<hbm>>
      %dma_wait3A_253 = tpu.memref_slice %arg5[%mul3A_2] : memref<160000xi32, #tpu.memory_space<hbm>> -> memref<5000xi32, #tpu.memory_space<hbm>>
      tpu.wait_dma2 semaphore(%run_scoped3A : memref<!tpu.dma_semaphore, #tpu.memory_space<semaphore_mem>>) src(%dma_wait3A_253 : memref<5000xi32, #tpu.memory_space<hbm>>) dst(%arg9 : memref<5000xi32, #tpu.memory_space<vmem>>)
      tpu.yield
    }) : () -> ()
    %dma_start3A = arith.constant 0 : i32
    %dma_start3A_3 = arith.constant 0 : i32
    %dma_start3A_4 = arith.constant 0 : i32
    %dma_start3A_5 = tpu.memref_slice %arg10[%dma_start3A, %dma_start3A_3, %dma_start3A_4] : memref<3x40x128xi32, #tpu.memory_space<vmem>> -> memref<1x40x128xi32, #tpu.memory_space<vmem>>
    %dma_start3A_6 = tpu.memref_squeeze %dma_start3A_5 : memref<1x40x128xi32, #tpu.memory_space<vmem>> -> memref<40x128xi32, #tpu.memory_space<vmem>>
    %dma_start3A_7 = arith.constant 0 : i32
    %dma_start3A_8 = tpu.memref_slice %arg8[%dma_start3A_7] : memref<5000xi32, #tpu.memory_space<vmem>> -> memref<40xi32, #tpu.memory_space<vmem>>
    %dma_start3A_9 = arith.constant 0 : i32
    %dma_start3A_10 = arith.constant 0 : i32
    %dma_start3A_11 = tpu.memref_slice %arg2[%dma_start3A_9, %dma_start3A_10] : memref<10000x128xi32, #tpu.memory_space<hbm>> -> memref<10000x128xi32, #tpu.memory_space<hbm>>
    tpu.enqueue_indirect_dma source(%dma_start3A_11 : memref<10000x128xi32, #tpu.memory_space<hbm>>) target(%dma_start3A_6 : memref<40x128xi32, #tpu.memory_space<vmem>>) offsets(%dma_start3A_8 : memref<40xi32, #tpu.memory_space<vmem>>) semaphore(%arg12 : memref<!tpu.dma_semaphore, #tpu.memory_space<semaphore_mem>>)
    %dma_start3A_12 = arith.constant 0 : i32
    %dma_start3A_13 = arith.constant 0 : i32
    %dma_start3A_14 = arith.constant 0 : i32
    %dma_start3A_15 = tpu.memref_slice %arg11[%dma_start3A_12, %dma_start3A_13, %dma_start3A_14] : memref<3x40x128xi32, #tpu.memory_space<vmem>> -> memref<1x40x128xi32, #tpu.memory_space<vmem>>
    %dma_start3A_16 = tpu.memref_squeeze %dma_start3A_15 : memref<1x40x128xi32, #tpu.memory_space<vmem>> -> memref<40x128xi32, #tpu.memory_space<vmem>>
    %dma_start3A_17 = arith.constant 0 : i32
    %dma_start3A_18 = tpu.memref_slice %arg9[%dma_start3A_17] : memref<5000xi32, #tpu.memory_space<vmem>> -> memref<40xi32, #tpu.memory_space<vmem>>
    %dma_start3A_19 = arith.constant 0 : i32
    %dma_start3A_20 = arith.constant 0 : i32
    %dma_start3A_21 = tpu.memref_slice %arg3[%dma_start3A_19, %dma_start3A_20] : memref<10000x128xi32, #tpu.memory_space<hbm>> -> memref<10000x128xi32, #tpu.memory_space<hbm>>
    tpu.enqueue_indirect_dma source(%dma_start3A_21 : memref<10000x128xi32, #tpu.memory_space<hbm>>) target(%dma_start3A_16 : memref<40x128xi32, #tpu.memory_space<vmem>>) offsets(%dma_start3A_18 : memref<40xi32, #tpu.memory_space<vmem>>) semaphore(%arg18 : memref<!tpu.dma_semaphore, #tpu.memory_space<semaphore_mem>>)
    %scan3A = arith.constant 0 : i32
    %scan3A_22 = arith.constant 0 : i32
    %scan3A_23 = arith.constant 41 : i32
    %scan3A_24 = arith.addi %scan3A_22, %scan3A_23 : i32
    %scan3A_25 = arith.constant 1 : i32
    scf.for %scan3A_250 = %scan3A_22 to %scan3A_24 step %scan3A_25  : i32 {
      %mul3A_251 = arith.constant 3 : i32
      %mul3A_252 = arith.muli %mul3A_251, %scan3A_250 : i32
      %add3A_253 = arith.constant 0 : i32
      %add3A_254 = arith.addi %mul3A_252, %add3A_253 : i32
      %gt3A = arith.constant 0 : i32
      %gt3A_255 = arith.cmpi sgt, %scan3A_250, %gt3A : i32
      %convert_element_type3A = arith.extui %gt3A_255 : i1 to i32
      %cond3A = arith.constant 0 : i32
      %cond3A_256 = arith.cmpi ne, %convert_element_type3A, %cond3A : i32
      scf.if %cond3A_256 {
        %dma_wait3A_520 = arith.constant 1 : i32
        %dma_wait3A_521 = arith.constant 0 : i32
        %dma_wait3A_522 = arith.constant 0 : i32
        %dma_wait3A_523 = tpu.memref_slice %arg10[%dma_wait3A_520, %dma_wait3A_521, %dma_wait3A_522] : memref<3x40x128xi32, #tpu.memory_space<vmem>> -> memref<1x40x128xi32, #tpu.memory_space<vmem>>
        %dma_wait3A_524 = tpu.memref_squeeze %dma_wait3A_523 : memref<1x40x128xi32, #tpu.memory_space<vmem>> -> memref<40x128xi32, #tpu.memory_space<vmem>>
        %dma_wait3A_525 = arith.constant 0 : i32
        %dma_wait3A_526 = tpu.memref_slice %arg6[%mul3A_2, %dma_wait3A_525] : memref<160000x128xi32, #tpu.memory_space<hbm>> -> memref<40x128xi32, #tpu.memory_space<hbm>>
        %dma_wait3A_527 = arith.constant 0 : i32
        %dma_wait3A_528 = tpu.memref_slice %arg6[%mul3A_2, %dma_wait3A_527] : memref<160000x128xi32, #tpu.memory_space<hbm>> -> memref<40x128xi32, #tpu.memory_space<hbm>>
        %dma_wait3A_529 = arith.constant 0 : i32
        %dma_wait3A_530 = arith.constant 0 : i32
        %dma_wait3A_531 = tpu.memref_slice %arg10[%dma_wait3A_520, %dma_wait3A_529, %dma_wait3A_530] : memref<3x40x128xi32, #tpu.memory_space<vmem>> -> memref<1x40x128xi32, #tpu.memory_space<vmem>>
        %dma_wait3A_532 = tpu.memref_squeeze %dma_wait3A_531 : memref<1x40x128xi32, #tpu.memory_space<vmem>> -> memref<40x128xi32, #tpu.memory_space<vmem>>
        tpu.wait_dma2 semaphore(%arg16 : memref<!tpu.dma_semaphore, #tpu.memory_space<semaphore_mem>>) src(%dma_wait3A_532 : memref<40x128xi32, #tpu.memory_space<vmem>>) dst(%dma_wait3A_528 : memref<40x128xi32, #tpu.memory_space<hbm>>)
        %dma_wait3A_533 = arith.constant 1 : i32
        %dma_wait3A_534 = arith.constant 0 : i32
        %dma_wait3A_535 = arith.constant 0 : i32
        %dma_wait3A_536 = tpu.memref_slice %arg11[%dma_wait3A_533, %dma_wait3A_534, %dma_wait3A_535] : memref<3x40x128xi32, #tpu.memory_space<vmem>> -> memref<1x40x128xi32, #tpu.memory_space<vmem>>
        %dma_wait3A_537 = tpu.memref_squeeze %dma_wait3A_536 : memref<1x40x128xi32, #tpu.memory_space<vmem>> -> memref<40x128xi32, #tpu.memory_space<vmem>>
        %dma_wait3A_538 = arith.constant 0 : i32
        %dma_wait3A_539 = tpu.memref_slice %arg7[%mul3A_2, %dma_wait3A_538] : memref<160000x128xi32, #tpu.memory_space<hbm>> -> memref<40x128xi32, #tpu.memory_space<hbm>>
        %dma_wait3A_540 = arith.constant 0 : i32
        %dma_wait3A_541 = tpu.memref_slice %arg7[%mul3A_2, %dma_wait3A_540] : memref<160000x128xi32, #tpu.memory_space<hbm>> -> memref<40x128xi32, #tpu.memory_space<hbm>>
        %dma_wait3A_542 = arith.constant 0 : i32
        %dma_wait3A_543 = arith.constant 0 : i32
        %dma_wait3A_544 = tpu.memref_slice %arg11[%dma_wait3A_533, %dma_wait3A_542, %dma_wait3A_543] : memref<3x40x128xi32, #tpu.memory_space<vmem>> -> memref<1x40x128xi32, #tpu.memory_space<vmem>>
        %dma_wait3A_545 = tpu.memref_squeeze %dma_wait3A_544 : memref<1x40x128xi32, #tpu.memory_space<vmem>> -> memref<40x128xi32, #tpu.memory_space<vmem>>
        tpu.wait_dma2 semaphore(%arg22 : memref<!tpu.dma_semaphore, #tpu.memory_space<semaphore_mem>>) src(%dma_wait3A_545 : memref<40x128xi32, #tpu.memory_space<vmem>>) dst(%dma_wait3A_541 : memref<40x128xi32, #tpu.memory_space<hbm>>)
      } else {
      }
      %add3A_257 = arith.constant 1 : i32
      %add3A_258 = arith.addi %add3A_254, %add3A_257 : i32
      %mul3A_259 = arith.constant 40 : i32
      %mul3A_260 = arith.muli %add3A_258, %mul3A_259 : i32
      %dma_start3A_261 = arith.constant 1 : i32
      %dma_start3A_262 = arith.constant 0 : i32
      %dma_start3A_263 = arith.constant 0 : i32
      %dma_start3A_264 = tpu.memref_slice %arg10[%dma_start3A_261, %dma_start3A_262, %dma_start3A_263] : memref<3x40x128xi32, #tpu.memory_space<vmem>> -> memref<1x40x128xi32, #tpu.memory_space<vmem>>
      %dma_start3A_265 = tpu.memref_squeeze %dma_start3A_264 : memref<1x40x128xi32, #tpu.memory_space<vmem>> -> memref<40x128xi32, #tpu.memory_space<vmem>>
      %dma_start3A_266 = tpu.memref_slice %arg8[%mul3A_260] : memref<5000xi32, #tpu.memory_space<vmem>> -> memref<40xi32, #tpu.memory_space<vmem>>
      %dma_start3A_267 = arith.constant 0 : i32
      %dma_start3A_268 = arith.constant 0 : i32
      %dma_start3A_269 = tpu.memref_slice %arg2[%dma_start3A_267, %dma_start3A_268] : memref<10000x128xi32, #tpu.memory_space<hbm>> -> memref<10000x128xi32, #tpu.memory_space<hbm>>
      tpu.enqueue_indirect_dma source(%dma_start3A_269 : memref<10000x128xi32, #tpu.memory_space<hbm>>) target(%dma_start3A_265 : memref<40x128xi32, #tpu.memory_space<vmem>>) offsets(%dma_start3A_266 : memref<40xi32, #tpu.memory_space<vmem>>) semaphore(%arg13 : memref<!tpu.dma_semaphore, #tpu.memory_space<semaphore_mem>>)
      %mul3A_270 = arith.constant 40 : i32
      %mul3A_271 = arith.muli %add3A_258, %mul3A_270 : i32
      %dma_start3A_272 = arith.constant 1 : i32
      %dma_start3A_273 = arith.constant 0 : i32
      %dma_start3A_274 = arith.constant 0 : i32
      %dma_start3A_275 = tpu.memref_slice %arg11[%dma_start3A_272, %dma_start3A_273, %dma_start3A_274] : memref<3x40x128xi32, #tpu.memory_space<vmem>> -> memref<1x40x128xi32, #tpu.memory_space<vmem>>
      %dma_start3A_276 = tpu.memref_squeeze %dma_start3A_275 : memref<1x40x128xi32, #tpu.memory_space<vmem>> -> memref<40x128xi32, #tpu.memory_space<vmem>>
      %dma_start3A_277 = tpu.memref_slice %arg9[%mul3A_271] : memref<5000xi32, #tpu.memory_space<vmem>> -> memref<40xi32, #tpu.memory_space<vmem>>
      %dma_start3A_278 = arith.constant 0 : i32
      %dma_start3A_279 = arith.constant 0 : i32
      %dma_start3A_280 = tpu.memref_slice %arg3[%dma_start3A_278, %dma_start3A_279] : memref<10000x128xi32, #tpu.memory_space<hbm>> -> memref<10000x128xi32, #tpu.memory_space<hbm>>
      tpu.enqueue_indirect_dma source(%dma_start3A_280 : memref<10000x128xi32, #tpu.memory_space<hbm>>) target(%dma_start3A_276 : memref<40x128xi32, #tpu.memory_space<vmem>>) offsets(%dma_start3A_277 : memref<40xi32, #tpu.memory_space<vmem>>) semaphore(%arg19 : memref<!tpu.dma_semaphore, #tpu.memory_space<semaphore_mem>>)
      %dma_wait3A_281 = arith.constant 0 : i32
      %dma_wait3A_282 = arith.constant 0 : i32
      %dma_wait3A_283 = arith.constant 0 : i32
      %dma_wait3A_284 = tpu.memref_slice %arg10[%dma_wait3A_281, %dma_wait3A_282, %dma_wait3A_283] : memref<3x40x128xi32, #tpu.memory_space<vmem>> -> memref<1x40x128xi32, #tpu.memory_space<vmem>>
      %dma_wait3A_285 = tpu.memref_squeeze %dma_wait3A_284 : memref<1x40x128xi32, #tpu.memory_space<vmem>> -> memref<40x128xi32, #tpu.memory_space<vmem>>
      %dma_wait3A_286 = arith.constant 0 : i32
      %dma_wait3A_287 = tpu.memref_slice %arg8[%dma_wait3A_286] : memref<5000xi32, #tpu.memory_space<vmem>> -> memref<40xi32, #tpu.memory_space<vmem>>
      %dma_wait3A_288 = arith.constant 0 : i32
      %dma_wait3A_289 = arith.constant 0 : i32
      %dma_wait3A_290 = tpu.memref_slice %arg2[%dma_wait3A_288, %dma_wait3A_289] : memref<10000x128xi32, #tpu.memory_space<hbm>> -> memref<10000x128xi32, #tpu.memory_space<hbm>>
      tpu.wait_indirect_dma semaphore(%arg12 : memref<!tpu.dma_semaphore, #tpu.memory_space<semaphore_mem>>) src(%dma_wait3A_290 : memref<10000x128xi32, #tpu.memory_space<hbm>>) dst(%dma_wait3A_285 : memref<40x128xi32, #tpu.memory_space<vmem>>)
      %dma_wait3A_291 = arith.constant 0 : i32
      %dma_wait3A_292 = arith.constant 0 : i32
      %dma_wait3A_293 = arith.constant 0 : i32
      %dma_wait3A_294 = tpu.memref_slice %arg11[%dma_wait3A_291, %dma_wait3A_292, %dma_wait3A_293] : memref<3x40x128xi32, #tpu.memory_space<vmem>> -> memref<1x40x128xi32, #tpu.memory_space<vmem>>
      %dma_wait3A_295 = tpu.memref_squeeze %dma_wait3A_294 : memref<1x40x128xi32, #tpu.memory_space<vmem>> -> memref<40x128xi32, #tpu.memory_space<vmem>>
      %dma_wait3A_296 = arith.constant 0 : i32
      %dma_wait3A_297 = tpu.memref_slice %arg9[%dma_wait3A_296] : memref<5000xi32, #tpu.memory_space<vmem>> -> memref<40xi32, #tpu.memory_space<vmem>>
      %dma_wait3A_298 = arith.constant 0 : i32
      %dma_wait3A_299 = arith.constant 0 : i32
      %dma_wait3A_300 = tpu.memref_slice %arg3[%dma_wait3A_298, %dma_wait3A_299] : memref<10000x128xi32, #tpu.memory_space<hbm>> -> memref<10000x128xi32, #tpu.memory_space<hbm>>
      tpu.wait_indirect_dma semaphore(%arg18 : memref<!tpu.dma_semaphore, #tpu.memory_space<semaphore_mem>>) src(%dma_wait3A_300 : memref<10000x128xi32, #tpu.memory_space<hbm>>) dst(%dma_wait3A_295 : memref<40x128xi32, #tpu.memory_space<vmem>>)
      %mul3A_301 = arith.constant 40 : i32
      %mul3A_302 = arith.muli %add3A_254, %mul3A_301 : i32
      %add3A_303 = arith.addi %mul3A_2, %mul3A_302 : i32
      %dma_start3A_304 = arith.constant 0 : i32
      %dma_start3A_305 = arith.constant 0 : i32
      %dma_start3A_306 = arith.constant 0 : i32
      %dma_start3A_307 = tpu.memref_slice %arg10[%dma_start3A_304, %dma_start3A_305, %dma_start3A_306] : memref<3x40x128xi32, #tpu.memory_space<vmem>> -> memref<1x40x128xi32, #tpu.memory_space<vmem>>
      %dma_start3A_308 = tpu.memref_squeeze %dma_start3A_307 : memref<1x40x128xi32, #tpu.memory_space<vmem>> -> memref<40x128xi32, #tpu.memory_space<vmem>>
      %dma_start3A_309 = arith.constant 0 : i32
      %dma_start3A_310 = tpu.memref_slice %arg6[%add3A_303, %dma_start3A_309] : memref<160000x128xi32, #tpu.memory_space<hbm>> -> memref<40x128xi32, #tpu.memory_space<hbm>>
      %dma_start3A_311 = arith.constant 0 : i32
      %dma_start3A_312 = tpu.memref_slice %arg6[%add3A_303, %dma_start3A_311] : memref<160000x128xi32, #tpu.memory_space<hbm>> -> memref<40x128xi32, #tpu.memory_space<hbm>>
      %dma_start3A_313 = arith.constant 0 : i32
      %dma_start3A_314 = arith.constant 0 : i32
      %dma_start3A_315 = tpu.memref_slice %arg10[%dma_start3A_304, %dma_start3A_313, %dma_start3A_314] : memref<3x40x128xi32, #tpu.memory_space<vmem>> -> memref<1x40x128xi32, #tpu.memory_space<vmem>>
      %dma_start3A_316 = tpu.memref_squeeze %dma_start3A_315 : memref<1x40x128xi32, #tpu.memory_space<vmem>> -> memref<40x128xi32, #tpu.memory_space<vmem>>
      tpu.enqueue_dma source(%dma_start3A_316 : memref<40x128xi32, #tpu.memory_space<vmem>>) target(%dma_start3A_312 : memref<40x128xi32, #tpu.memory_space<hbm>>) target_semaphore(%arg15 : memref<!tpu.dma_semaphore, #tpu.memory_space<semaphore_mem>>)
      %mul3A_317 = arith.constant 40 : i32
      %mul3A_318 = arith.muli %add3A_254, %mul3A_317 : i32
      %add3A_319 = arith.addi %mul3A_2, %mul3A_318 : i32
      %dma_start3A_320 = arith.constant 0 : i32
      %dma_start3A_321 = arith.constant 0 : i32
      %dma_start3A_322 = arith.constant 0 : i32
      %dma_start3A_323 = tpu.memref_slice %arg11[%dma_start3A_320, %dma_start3A_321, %dma_start3A_322] : memref<3x40x128xi32, #tpu.memory_space<vmem>> -> memref<1x40x128xi32, #tpu.memory_space<vmem>>
      %dma_start3A_324 = tpu.memref_squeeze %dma_start3A_323 : memref<1x40x128xi32, #tpu.memory_space<vmem>> -> memref<40x128xi32, #tpu.memory_space<vmem>>
      %dma_start3A_325 = arith.constant 0 : i32
      %dma_start3A_326 = tpu.memref_slice %arg7[%add3A_319, %dma_start3A_325] : memref<160000x128xi32, #tpu.memory_space<hbm>> -> memref<40x128xi32, #tpu.memory_space<hbm>>
      %dma_start3A_327 = arith.constant 0 : i32
      %dma_start3A_328 = tpu.memref_slice %arg7[%add3A_319, %dma_start3A_327] : memref<160000x128xi32, #tpu.memory_space<hbm>> -> memref<40x128xi32, #tpu.memory_space<hbm>>
      %dma_start3A_329 = arith.constant 0 : i32
      %dma_start3A_330 = arith.constant 0 : i32
      %dma_start3A_331 = tpu.memref_slice %arg11[%dma_start3A_320, %dma_start3A_329, %dma_start3A_330] : memref<3x40x128xi32, #tpu.memory_space<vmem>> -> memref<1x40x128xi32, #tpu.memory_space<vmem>>
      %dma_start3A_332 = tpu.memref_squeeze %dma_start3A_331 : memref<1x40x128xi32, #tpu.memory_space<vmem>> -> memref<40x128xi32, #tpu.memory_space<vmem>>
      tpu.enqueue_dma source(%dma_start3A_332 : memref<40x128xi32, #tpu.memory_space<vmem>>) target(%dma_start3A_328 : memref<40x128xi32, #tpu.memory_space<hbm>>) target_semaphore(%arg21 : memref<!tpu.dma_semaphore, #tpu.memory_space<semaphore_mem>>)
      %add3A_333 = arith.constant 1 : i32
      %add3A_334 = arith.addi %mul3A_252, %add3A_333 : i32
      %gt3A_335 = arith.constant 0 : i32
      %gt3A_336 = arith.cmpi sgt, %scan3A_250, %gt3A_335 : i32
      %convert_element_type3A_337 = arith.extui %gt3A_336 : i1 to i32
      %cond3A_338 = arith.constant 0 : i32
      %cond3A_339 = arith.cmpi ne, %convert_element_type3A_337, %cond3A_338 : i32
      scf.if %cond3A_339 {
        %dma_wait3A_520 = arith.constant 2 : i32
        %dma_wait3A_521 = arith.constant 0 : i32
        %dma_wait3A_522 = arith.constant 0 : i32
        %dma_wait3A_523 = tpu.memref_slice %arg10[%dma_wait3A_520, %dma_wait3A_521, %dma_wait3A_522] : memref<3x40x128xi32, #tpu.memory_space<vmem>> -> memref<1x40x128xi32, #tpu.memory_space<vmem>>
        %dma_wait3A_524 = tpu.memref_squeeze %dma_wait3A_523 : memref<1x40x128xi32, #tpu.memory_space<vmem>> -> memref<40x128xi32, #tpu.memory_space<vmem>>
        %dma_wait3A_525 = arith.constant 0 : i32
        %dma_wait3A_526 = tpu.memref_slice %arg6[%mul3A_2, %dma_wait3A_525] : memref<160000x128xi32, #tpu.memory_space<hbm>> -> memref<40x128xi32, #tpu.memory_space<hbm>>
        %dma_wait3A_527 = arith.constant 0 : i32
        %dma_wait3A_528 = tpu.memref_slice %arg6[%mul3A_2, %dma_wait3A_527] : memref<160000x128xi32, #tpu.memory_space<hbm>> -> memref<40x128xi32, #tpu.memory_space<hbm>>
        %dma_wait3A_529 = arith.constant 0 : i32
        %dma_wait3A_530 = arith.constant 0 : i32
        %dma_wait3A_531 = tpu.memref_slice %arg10[%dma_wait3A_520, %dma_wait3A_529, %dma_wait3A_530] : memref<3x40x128xi32, #tpu.memory_space<vmem>> -> memref<1x40x128xi32, #tpu.memory_space<vmem>>
        %dma_wait3A_532 = tpu.memref_squeeze %dma_wait3A_531 : memref<1x40x128xi32, #tpu.memory_space<vmem>> -> memref<40x128xi32, #tpu.memory_space<vmem>>
        tpu.wait_dma2 semaphore(%arg17 : memref<!tpu.dma_semaphore, #tpu.memory_space<semaphore_mem>>) src(%dma_wait3A_532 : memref<40x128xi32, #tpu.memory_space<vmem>>) dst(%dma_wait3A_528 : memref<40x128xi32, #tpu.memory_space<hbm>>)
        %dma_wait3A_533 = arith.constant 2 : i32
        %dma_wait3A_534 = arith.constant 0 : i32
        %dma_wait3A_535 = arith.constant 0 : i32
        %dma_wait3A_536 = tpu.memref_slice %arg11[%dma_wait3A_533, %dma_wait3A_534, %dma_wait3A_535] : memref<3x40x128xi32, #tpu.memory_space<vmem>> -> memref<1x40x128xi32, #tpu.memory_space<vmem>>
        %dma_wait3A_537 = tpu.memref_squeeze %dma_wait3A_536 : memref<1x40x128xi32, #tpu.memory_space<vmem>> -> memref<40x128xi32, #tpu.memory_space<vmem>>
        %dma_wait3A_538 = arith.constant 0 : i32
        %dma_wait3A_539 = tpu.memref_slice %arg7[%mul3A_2, %dma_wait3A_538] : memref<160000x128xi32, #tpu.memory_space<hbm>> -> memref<40x128xi32, #tpu.memory_space<hbm>>
        %dma_wait3A_540 = arith.constant 0 : i32
        %dma_wait3A_541 = tpu.memref_slice %arg7[%mul3A_2, %dma_wait3A_540] : memref<160000x128xi32, #tpu.memory_space<hbm>> -> memref<40x128xi32, #tpu.memory_space<hbm>>
        %dma_wait3A_542 = arith.constant 0 : i32
        %dma_wait3A_543 = arith.constant 0 : i32
        %dma_wait3A_544 = tpu.memref_slice %arg11[%dma_wait3A_533, %dma_wait3A_542, %dma_wait3A_543] : memref<3x40x128xi32, #tpu.memory_space<vmem>> -> memref<1x40x128xi32, #tpu.memory_space<vmem>>
        %dma_wait3A_545 = tpu.memref_squeeze %dma_wait3A_544 : memref<1x40x128xi32, #tpu.memory_space<vmem>> -> memref<40x128xi32, #tpu.memory_space<vmem>>
        tpu.wait_dma2 semaphore(%arg23 : memref<!tpu.dma_semaphore, #tpu.memory_space<semaphore_mem>>) src(%dma_wait3A_545 : memref<40x128xi32, #tpu.memory_space<vmem>>) dst(%dma_wait3A_541 : memref<40x128xi32, #tpu.memory_space<hbm>>)
      } else {
      }
      %add3A_340 = arith.constant 1 : i32
      %add3A_341 = arith.addi %add3A_334, %add3A_340 : i32
      %mul3A_342 = arith.constant 40 : i32
      %mul3A_343 = arith.muli %add3A_341, %mul3A_342 : i32
      %dma_start3A_344 = arith.constant 2 : i32
      %dma_start3A_345 = arith.constant 0 : i32
      %dma_start3A_346 = arith.constant 0 : i32
      %dma_start3A_347 = tpu.memref_slice %arg10[%dma_start3A_344, %dma_start3A_345, %dma_start3A_346] : memref<3x40x128xi32, #tpu.memory_space<vmem>> -> memref<1x40x128xi32, #tpu.memory_space<vmem>>
      %dma_start3A_348 = tpu.memref_squeeze %dma_start3A_347 : memref<1x40x128xi32, #tpu.memory_space<vmem>> -> memref<40x128xi32, #tpu.memory_space<vmem>>
      %dma_start3A_349 = tpu.memref_slice %arg8[%mul3A_343] : memref<5000xi32, #tpu.memory_space<vmem>> -> memref<40xi32, #tpu.memory_space<vmem>>
      %dma_start3A_350 = arith.constant 0 : i32
      %dma_start3A_351 = arith.constant 0 : i32
      %dma_start3A_352 = tpu.memref_slice %arg2[%dma_start3A_350, %dma_start3A_351] : memref<10000x128xi32, #tpu.memory_space<hbm>> -> memref<10000x128xi32, #tpu.memory_space<hbm>>
      tpu.enqueue_indirect_dma source(%dma_start3A_352 : memref<10000x128xi32, #tpu.memory_space<hbm>>) target(%dma_start3A_348 : memref<40x128xi32, #tpu.memory_space<vmem>>) offsets(%dma_start3A_349 : memref<40xi32, #tpu.memory_space<vmem>>) semaphore(%arg14 : memref<!tpu.dma_semaphore, #tpu.memory_space<semaphore_mem>>)
      %mul3A_353 = arith.constant 40 : i32
      %mul3A_354 = arith.muli %add3A_341, %mul3A_353 : i32
      %dma_start3A_355 = arith.constant 2 : i32
      %dma_start3A_356 = arith.constant 0 : i32
      %dma_start3A_357 = arith.constant 0 : i32
      %dma_start3A_358 = tpu.memref_slice %arg11[%dma_start3A_355, %dma_start3A_356, %dma_start3A_357] : memref<3x40x128xi32, #tpu.memory_space<vmem>> -> memref<1x40x128xi32, #tpu.memory_space<vmem>>
      %dma_start3A_359 = tpu.memref_squeeze %dma_start3A_358 : memref<1x40x128xi32, #tpu.memory_space<vmem>> -> memref<40x128xi32, #tpu.memory_space<vmem>>
      %dma_start3A_360 = tpu.memref_slice %arg9[%mul3A_354] : memref<5000xi32, #tpu.memory_space<vmem>> -> memref<40xi32, #tpu.memory_space<vmem>>
      %dma_start3A_361 = arith.constant 0 : i32
      %dma_start3A_362 = arith.constant 0 : i32
      %dma_start3A_363 = tpu.memref_slice %arg3[%dma_start3A_361, %dma_start3A_362] : memref<10000x128xi32, #tpu.memory_space<hbm>> -> memref<10000x128xi32, #tpu.memory_space<hbm>>
      tpu.enqueue_indirect_dma source(%dma_start3A_363 : memref<10000x128xi32, #tpu.memory_space<hbm>>) target(%dma_start3A_359 : memref<40x128xi32, #tpu.memory_space<vmem>>) offsets(%dma_start3A_360 : memref<40xi32, #tpu.memory_space<vmem>>) semaphore(%arg20 : memref<!tpu.dma_semaphore, #tpu.memory_space<semaphore_mem>>)
      %dma_wait3A_364 = arith.constant 1 : i32
      %dma_wait3A_365 = arith.constant 0 : i32
      %dma_wait3A_366 = arith.constant 0 : i32
      %dma_wait3A_367 = tpu.memref_slice %arg10[%dma_wait3A_364, %dma_wait3A_365, %dma_wait3A_366] : memref<3x40x128xi32, #tpu.memory_space<vmem>> -> memref<1x40x128xi32, #tpu.memory_space<vmem>>
      %dma_wait3A_368 = tpu.memref_squeeze %dma_wait3A_367 : memref<1x40x128xi32, #tpu.memory_space<vmem>> -> memref<40x128xi32, #tpu.memory_space<vmem>>
      %dma_wait3A_369 = arith.constant 0 : i32
      %dma_wait3A_370 = tpu.memref_slice %arg8[%dma_wait3A_369] : memref<5000xi32, #tpu.memory_space<vmem>> -> memref<40xi32, #tpu.memory_space<vmem>>
      %dma_wait3A_371 = arith.constant 0 : i32
      %dma_wait3A_372 = arith.constant 0 : i32
      %dma_wait3A_373 = tpu.memref_slice %arg2[%dma_wait3A_371, %dma_wait3A_372] : memref<10000x128xi32, #tpu.memory_space<hbm>> -> memref<10000x128xi32, #tpu.memory_space<hbm>>
      tpu.wait_indirect_dma semaphore(%arg13 : memref<!tpu.dma_semaphore, #tpu.memory_space<semaphore_mem>>) src(%dma_wait3A_373 : memref<10000x128xi32, #tpu.memory_space<hbm>>) dst(%dma_wait3A_368 : memref<40x128xi32, #tpu.memory_space<vmem>>)
      %dma_wait3A_374 = arith.constant 1 : i32
      %dma_wait3A_375 = arith.constant 0 : i32
      %dma_wait3A_376 = arith.constant 0 : i32
      %dma_wait3A_377 = tpu.memref_slice %arg11[%dma_wait3A_374, %dma_wait3A_375, %dma_wait3A_376] : memref<3x40x128xi32, #tpu.memory_space<vmem>> -> memref<1x40x128xi32, #tpu.memory_space<vmem>>
      %dma_wait3A_378 = tpu.memref_squeeze %dma_wait3A_377 : memref<1x40x128xi32, #tpu.memory_space<vmem>> -> memref<40x128xi32, #tpu.memory_space<vmem>>
      %dma_wait3A_379 = arith.constant 0 : i32
      %dma_wait3A_380 = tpu.memref_slice %arg9[%dma_wait3A_379] : memref<5000xi32, #tpu.memory_space<vmem>> -> memref<40xi32, #tpu.memory_space<vmem>>
      %dma_wait3A_381 = arith.constant 0 : i32
      %dma_wait3A_382 = arith.constant 0 : i32
      %dma_wait3A_383 = tpu.memref_slice %arg3[%dma_wait3A_381, %dma_wait3A_382] : memref<10000x128xi32, #tpu.memory_space<hbm>> -> memref<10000x128xi32, #tpu.memory_space<hbm>>
      tpu.wait_indirect_dma semaphore(%arg19 : memref<!tpu.dma_semaphore, #tpu.memory_space<semaphore_mem>>) src(%dma_wait3A_383 : memref<10000x128xi32, #tpu.memory_space<hbm>>) dst(%dma_wait3A_378 : memref<40x128xi32, #tpu.memory_space<vmem>>)
      %mul3A_384 = arith.constant 40 : i32
      %mul3A_385 = arith.muli %add3A_334, %mul3A_384 : i32
      %add3A_386 = arith.addi %mul3A_2, %mul3A_385 : i32
      %dma_start3A_387 = arith.constant 1 : i32
      %dma_start3A_388 = arith.constant 0 : i32
      %dma_start3A_389 = arith.constant 0 : i32
      %dma_start3A_390 = tpu.memref_slice %arg10[%dma_start3A_387, %dma_start3A_388, %dma_start3A_389] : memref<3x40x128xi32, #tpu.memory_space<vmem>> -> memref<1x40x128xi32, #tpu.memory_space<vmem>>
      %dma_start3A_391 = tpu.memref_squeeze %dma_start3A_390 : memref<1x40x128xi32, #tpu.memory_space<vmem>> -> memref<40x128xi32, #tpu.memory_space<vmem>>
      %dma_start3A_392 = arith.constant 0 : i32
      %dma_start3A_393 = tpu.memref_slice %arg6[%add3A_386, %dma_start3A_392] : memref<160000x128xi32, #tpu.memory_space<hbm>> -> memref<40x128xi32, #tpu.memory_space<hbm>>
      %dma_start3A_394 = arith.constant 0 : i32
      %dma_start3A_395 = tpu.memref_slice %arg6[%add3A_386, %dma_start3A_394] : memref<160000x128xi32, #tpu.memory_space<hbm>> -> memref<40x128xi32, #tpu.memory_space<hbm>>
      %dma_start3A_396 = arith.constant 0 : i32
      %dma_start3A_397 = arith.constant 0 : i32
      %dma_start3A_398 = tpu.memref_slice %arg10[%dma_start3A_387, %dma_start3A_396, %dma_start3A_397] : memref<3x40x128xi32, #tpu.memory_space<vmem>> -> memref<1x40x128xi32, #tpu.memory_space<vmem>>
      %dma_start3A_399 = tpu.memref_squeeze %dma_start3A_398 : memref<1x40x128xi32, #tpu.memory_space<vmem>> -> memref<40x128xi32, #tpu.memory_space<vmem>>
      tpu.enqueue_dma source(%dma_start3A_399 : memref<40x128xi32, #tpu.memory_space<vmem>>) target(%dma_start3A_395 : memref<40x128xi32, #tpu.memory_space<hbm>>) target_semaphore(%arg16 : memref<!tpu.dma_semaphore, #tpu.memory_space<semaphore_mem>>)
      %mul3A_400 = arith.constant 40 : i32
      %mul3A_401 = arith.muli %add3A_334, %mul3A_400 : i32
      %add3A_402 = arith.addi %mul3A_2, %mul3A_401 : i32
      %dma_start3A_403 = arith.constant 1 : i32
      %dma_start3A_404 = arith.constant 0 : i32
      %dma_start3A_405 = arith.constant 0 : i32
      %dma_start3A_406 = tpu.memref_slice %arg11[%dma_start3A_403, %dma_start3A_404, %dma_start3A_405] : memref<3x40x128xi32, #tpu.memory_space<vmem>> -> memref<1x40x128xi32, #tpu.memory_space<vmem>>
      %dma_start3A_407 = tpu.memref_squeeze %dma_start3A_406 : memref<1x40x128xi32, #tpu.memory_space<vmem>> -> memref<40x128xi32, #tpu.memory_space<vmem>>
      %dma_start3A_408 = arith.constant 0 : i32
      %dma_start3A_409 = tpu.memref_slice %arg7[%add3A_402, %dma_start3A_408] : memref<160000x128xi32, #tpu.memory_space<hbm>> -> memref<40x128xi32, #tpu.memory_space<hbm>>
      %dma_start3A_410 = arith.constant 0 : i32
      %dma_start3A_411 = tpu.memref_slice %arg7[%add3A_402, %dma_start3A_410] : memref<160000x128xi32, #tpu.memory_space<hbm>> -> memref<40x128xi32, #tpu.memory_space<hbm>>
      %dma_start3A_412 = arith.constant 0 : i32
      %dma_start3A_413 = arith.constant 0 : i32
      %dma_start3A_414 = tpu.memref_slice %arg11[%dma_start3A_403, %dma_start3A_412, %dma_start3A_413] : memref<3x40x128xi32, #tpu.memory_space<vmem>> -> memref<1x40x128xi32, #tpu.memory_space<vmem>>
      %dma_start3A_415 = tpu.memref_squeeze %dma_start3A_414 : memref<1x40x128xi32, #tpu.memory_space<vmem>> -> memref<40x128xi32, #tpu.memory_space<vmem>>
      tpu.enqueue_dma source(%dma_start3A_415 : memref<40x128xi32, #tpu.memory_space<vmem>>) target(%dma_start3A_411 : memref<40x128xi32, #tpu.memory_space<hbm>>) target_semaphore(%arg22 : memref<!tpu.dma_semaphore, #tpu.memory_space<semaphore_mem>>)
      %add3A_416 = arith.constant 2 : i32
      %add3A_417 = arith.addi %mul3A_252, %add3A_416 : i32
      %dma_wait3A_418 = arith.constant 0 : i32
      %dma_wait3A_419 = arith.constant 0 : i32
      %dma_wait3A_420 = arith.constant 0 : i32
      %dma_wait3A_421 = tpu.memref_slice %arg10[%dma_wait3A_418, %dma_wait3A_419, %dma_wait3A_420] : memref<3x40x128xi32, #tpu.memory_space<vmem>> -> memref<1x40x128xi32, #tpu.memory_space<vmem>>
      %dma_wait3A_422 = tpu.memref_squeeze %dma_wait3A_421 : memref<1x40x128xi32, #tpu.memory_space<vmem>> -> memref<40x128xi32, #tpu.memory_space<vmem>>
      %dma_wait3A_423 = arith.constant 0 : i32
      %dma_wait3A_424 = tpu.memref_slice %arg6[%mul3A_2, %dma_wait3A_423] : memref<160000x128xi32, #tpu.memory_space<hbm>> -> memref<40x128xi32, #tpu.memory_space<hbm>>
      %dma_wait3A_425 = arith.constant 0 : i32
      %dma_wait3A_426 = tpu.memref_slice %arg6[%mul3A_2, %dma_wait3A_425] : memref<160000x128xi32, #tpu.memory_space<hbm>> -> memref<40x128xi32, #tpu.memory_space<hbm>>
      %dma_wait3A_427 = arith.constant 0 : i32
      %dma_wait3A_428 = arith.constant 0 : i32
      %dma_wait3A_429 = tpu.memref_slice %arg10[%dma_wait3A_418, %dma_wait3A_427, %dma_wait3A_428] : memref<3x40x128xi32, #tpu.memory_space<vmem>> -> memref<1x40x128xi32, #tpu.memory_space<vmem>>
      %dma_wait3A_430 = tpu.memref_squeeze %dma_wait3A_429 : memref<1x40x128xi32, #tpu.memory_space<vmem>> -> memref<40x128xi32, #tpu.memory_space<vmem>>
      tpu.wait_dma2 semaphore(%arg15 : memref<!tpu.dma_semaphore, #tpu.memory_space<semaphore_mem>>) src(%dma_wait3A_430 : memref<40x128xi32, #tpu.memory_space<vmem>>) dst(%dma_wait3A_426 : memref<40x128xi32, #tpu.memory_space<hbm>>)
      %dma_wait3A_431 = arith.constant 0 : i32
      %dma_wait3A_432 = arith.constant 0 : i32
      %dma_wait3A_433 = arith.constant 0 : i32
      %dma_wait3A_434 = tpu.memref_slice %arg11[%dma_wait3A_431, %dma_wait3A_432, %dma_wait3A_433] : memref<3x40x128xi32, #tpu.memory_space<vmem>> -> memref<1x40x128xi32, #tpu.memory_space<vmem>>
      %dma_wait3A_435 = tpu.memref_squeeze %dma_wait3A_434 : memref<1x40x128xi32, #tpu.memory_space<vmem>> -> memref<40x128xi32, #tpu.memory_space<vmem>>
      %dma_wait3A_436 = arith.constant 0 : i32
      %dma_wait3A_437 = tpu.memref_slice %arg7[%mul3A_2, %dma_wait3A_436] : memref<160000x128xi32, #tpu.memory_space<hbm>> -> memref<40x128xi32, #tpu.memory_space<hbm>>
      %dma_wait3A_438 = arith.constant 0 : i32
      %dma_wait3A_439 = tpu.memref_slice %arg7[%mul3A_2, %dma_wait3A_438] : memref<160000x128xi32, #tpu.memory_space<hbm>> -> memref<40x128xi32, #tpu.memory_space<hbm>>
      %dma_wait3A_440 = arith.constant 0 : i32
      %dma_wait3A_441 = arith.constant 0 : i32
      %dma_wait3A_442 = tpu.memref_slice %arg11[%dma_wait3A_431, %dma_wait3A_440, %dma_wait3A_441] : memref<3x40x128xi32, #tpu.memory_space<vmem>> -> memref<1x40x128xi32, #tpu.memory_space<vmem>>
      %dma_wait3A_443 = tpu.memref_squeeze %dma_wait3A_442 : memref<1x40x128xi32, #tpu.memory_space<vmem>> -> memref<40x128xi32, #tpu.memory_space<vmem>>
      tpu.wait_dma2 semaphore(%arg21 : memref<!tpu.dma_semaphore, #tpu.memory_space<semaphore_mem>>) src(%dma_wait3A_443 : memref<40x128xi32, #tpu.memory_space<vmem>>) dst(%dma_wait3A_439 : memref<40x128xi32, #tpu.memory_space<hbm>>)
      %add3A_444 = arith.constant 1 : i32
      %add3A_445 = arith.addi %add3A_417, %add3A_444 : i32
      %mul3A_446 = arith.constant 40 : i32
      %mul3A_447 = arith.muli %add3A_445, %mul3A_446 : i32
      %dma_start3A_448 = arith.constant 0 : i32
      %dma_start3A_449 = arith.constant 0 : i32
      %dma_start3A_450 = arith.constant 0 : i32
      %dma_start3A_451 = tpu.memref_slice %arg10[%dma_start3A_448, %dma_start3A_449, %dma_start3A_450] : memref<3x40x128xi32, #tpu.memory_space<vmem>> -> memref<1x40x128xi32, #tpu.memory_space<vmem>>
      %dma_start3A_452 = tpu.memref_squeeze %dma_start3A_451 : memref<1x40x128xi32, #tpu.memory_space<vmem>> -> memref<40x128xi32, #tpu.memory_space<vmem>>
      %dma_start3A_453 = tpu.memref_slice %arg8[%mul3A_447] : memref<5000xi32, #tpu.memory_space<vmem>> -> memref<40xi32, #tpu.memory_space<vmem>>
      %dma_start3A_454 = arith.constant 0 : i32
      %dma_start3A_455 = arith.constant 0 : i32
      %dma_start3A_456 = tpu.memref_slice %arg2[%dma_start3A_454, %dma_start3A_455] : memref<10000x128xi32, #tpu.memory_space<hbm>> -> memref<10000x128xi32, #tpu.memory_space<hbm>>
      tpu.enqueue_indirect_dma source(%dma_start3A_456 : memref<10000x128xi32, #tpu.memory_space<hbm>>) target(%dma_start3A_452 : memref<40x128xi32, #tpu.memory_space<vmem>>) offsets(%dma_start3A_453 : memref<40xi32, #tpu.memory_space<vmem>>) semaphore(%arg12 : memref<!tpu.dma_semaphore, #tpu.memory_space<semaphore_mem>>)
      %mul3A_457 = arith.constant 40 : i32
      %mul3A_458 = arith.muli %add3A_445, %mul3A_457 : i32
      %dma_start3A_459 = arith.constant 0 : i32
      %dma_start3A_460 = arith.constant 0 : i32
      %dma_start3A_461 = arith.constant 0 : i32
      %dma_start3A_462 = tpu.memref_slice %arg11[%dma_start3A_459, %dma_start3A_460, %dma_start3A_461] : memref<3x40x128xi32, #tpu.memory_space<vmem>> -> memref<1x40x128xi32, #tpu.memory_space<vmem>>
      %dma_start3A_463 = tpu.memref_squeeze %dma_start3A_462 : memref<1x40x128xi32, #tpu.memory_space<vmem>> -> memref<40x128xi32, #tpu.memory_space<vmem>>
      %dma_start3A_464 = tpu.memref_slice %arg9[%mul3A_458] : memref<5000xi32, #tpu.memory_space<vmem>> -> memref<40xi32, #tpu.memory_space<vmem>>
      %dma_start3A_465 = arith.constant 0 : i32
      %dma_start3A_466 = arith.constant 0 : i32
      %dma_start3A_467 = tpu.memref_slice %arg3[%dma_start3A_465, %dma_start3A_466] : memref<10000x128xi32, #tpu.memory_space<hbm>> -> memref<10000x128xi32, #tpu.memory_space<hbm>>
      tpu.enqueue_indirect_dma source(%dma_start3A_467 : memref<10000x128xi32, #tpu.memory_space<hbm>>) target(%dma_start3A_463 : memref<40x128xi32, #tpu.memory_space<vmem>>) offsets(%dma_start3A_464 : memref<40xi32, #tpu.memory_space<vmem>>) semaphore(%arg18 : memref<!tpu.dma_semaphore, #tpu.memory_space<semaphore_mem>>)
      %dma_wait3A_468 = arith.constant 2 : i32
      %dma_wait3A_469 = arith.constant 0 : i32
      %dma_wait3A_470 = arith.constant 0 : i32
      %dma_wait3A_471 = tpu.memref_slice %arg10[%dma_wait3A_468, %dma_wait3A_469, %dma_wait3A_470] : memref<3x40x128xi32, #tpu.memory_space<vmem>> -> memref<1x40x128xi32, #tpu.memory_space<vmem>>
      %dma_wait3A_472 = tpu.memref_squeeze %dma_wait3A_471 : memref<1x40x128xi32, #tpu.memory_space<vmem>> -> memref<40x128xi32, #tpu.memory_space<vmem>>
      %dma_wait3A_473 = arith.constant 0 : i32
      %dma_wait3A_474 = tpu.memref_slice %arg8[%dma_wait3A_473] : memref<5000xi32, #tpu.memory_space<vmem>> -> memref<40xi32, #tpu.memory_space<vmem>>
      %dma_wait3A_475 = arith.constant 0 : i32
      %dma_wait3A_476 = arith.constant 0 : i32
      %dma_wait3A_477 = tpu.memref_slice %arg2[%dma_wait3A_475, %dma_wait3A_476] : memref<10000x128xi32, #tpu.memory_space<hbm>> -> memref<10000x128xi32, #tpu.memory_space<hbm>>
      tpu.wait_indirect_dma semaphore(%arg14 : memref<!tpu.dma_semaphore, #tpu.memory_space<semaphore_mem>>) src(%dma_wait3A_477 : memref<10000x128xi32, #tpu.memory_space<hbm>>) dst(%dma_wait3A_472 : memref<40x128xi32, #tpu.memory_space<vmem>>)
      %dma_wait3A_478 = arith.constant 2 : i32
      %dma_wait3A_479 = arith.constant 0 : i32
      %dma_wait3A_480 = arith.constant 0 : i32
      %dma_wait3A_481 = tpu.memref_slice %arg11[%dma_wait3A_478, %dma_wait3A_479, %dma_wait3A_480] : memref<3x40x128xi32, #tpu.memory_space<vmem>> -> memref<1x40x128xi32, #tpu.memory_space<vmem>>
      %dma_wait3A_482 = tpu.memref_squeeze %dma_wait3A_481 : memref<1x40x128xi32, #tpu.memory_space<vmem>> -> memref<40x128xi32, #tpu.memory_space<vmem>>
      %dma_wait3A_483 = arith.constant 0 : i32
      %dma_wait3A_484 = tpu.memref_slice %arg9[%dma_wait3A_483] : memref<5000xi32, #tpu.memory_space<vmem>> -> memref<40xi32, #tpu.memory_space<vmem>>
      %dma_wait3A_485 = arith.constant 0 : i32
      %dma_wait3A_486 = arith.constant 0 : i32
      %dma_wait3A_487 = tpu.memref_slice %arg3[%dma_wait3A_485, %dma_wait3A_486] : memref<10000x128xi32, #tpu.memory_space<hbm>> -> memref<10000x128xi32, #tpu.memory_space<hbm>>
      tpu.wait_indirect_dma semaphore(%arg20 : memref<!tpu.dma_semaphore, #tpu.memory_space<semaphore_mem>>) src(%dma_wait3A_487 : memref<10000x128xi32, #tpu.memory_space<hbm>>) dst(%dma_wait3A_482 : memref<40x128xi32, #tpu.memory_space<vmem>>)
      %mul3A_488 = arith.constant 40 : i32
      %mul3A_489 = arith.muli %add3A_417, %mul3A_488 : i32
      %add3A_490 = arith.addi %mul3A_2, %mul3A_489 : i32
      %dma_start3A_491 = arith.constant 2 : i32
      %dma_start3A_492 = arith.constant 0 : i32
      %dma_start3A_493 = arith.constant 0 : i32
      %dma_start3A_494 = tpu.memref_slice %arg10[%dma_start3A_491, %dma_start3A_492, %dma_start3A_493] : memref<3x40x128xi32, #tpu.memory_space<vmem>> -> memref<1x40x128xi32, #tpu.memory_space<vmem>>
      %dma_start3A_495 = tpu.memref_squeeze %dma_start3A_494 : memref<1x40x128xi32, #tpu.memory_space<vmem>> -> memref<40x128xi32, #tpu.memory_space<vmem>>
      %dma_start3A_496 = arith.constant 0 : i32
      %dma_start3A_497 = tpu.memref_slice %arg6[%add3A_490, %dma_start3A_496] : memref<160000x128xi32, #tpu.memory_space<hbm>> -> memref<40x128xi32, #tpu.memory_space<hbm>>
      %dma_start3A_498 = arith.constant 0 : i32
      %dma_start3A_499 = tpu.memref_slice %arg6[%add3A_490, %dma_start3A_498] : memref<160000x128xi32, #tpu.memory_space<hbm>> -> memref<40x128xi32, #tpu.memory_space<hbm>>
      %dma_start3A_500 = arith.constant 0 : i32
      %dma_start3A_501 = arith.constant 0 : i32
      %dma_start3A_502 = tpu.memref_slice %arg10[%dma_start3A_491, %dma_start3A_500, %dma_start3A_501] : memref<3x40x128xi32, #tpu.memory_space<vmem>> -> memref<1x40x128xi32, #tpu.memory_space<vmem>>
      %dma_start3A_503 = tpu.memref_squeeze %dma_start3A_502 : memref<1x40x128xi32, #tpu.memory_space<vmem>> -> memref<40x128xi32, #tpu.memory_space<vmem>>
      tpu.enqueue_dma source(%dma_start3A_503 : memref<40x128xi32, #tpu.memory_space<vmem>>) target(%dma_start3A_499 : memref<40x128xi32, #tpu.memory_space<hbm>>) target_semaphore(%arg17 : memref<!tpu.dma_semaphore, #tpu.memory_space<semaphore_mem>>)
      %mul3A_504 = arith.constant 40 : i32
      %mul3A_505 = arith.muli %add3A_417, %mul3A_504 : i32
      %add3A_506 = arith.addi %mul3A_2, %mul3A_505 : i32
      %dma_start3A_507 = arith.constant 2 : i32
      %dma_start3A_508 = arith.constant 0 : i32
      %dma_start3A_509 = arith.constant 0 : i32
      %dma_start3A_510 = tpu.memref_slice %arg11[%dma_start3A_507, %dma_start3A_508, %dma_start3A_509] : memref<3x40x128xi32, #tpu.memory_space<vmem>> -> memref<1x40x128xi32, #tpu.memory_space<vmem>>
      %dma_start3A_511 = tpu.memref_squeeze %dma_start3A_510 : memref<1x40x128xi32, #tpu.memory_space<vmem>> -> memref<40x128xi32, #tpu.memory_space<vmem>>
      %dma_start3A_512 = arith.constant 0 : i32
      %dma_start3A_513 = tpu.memref_slice %arg7[%add3A_506, %dma_start3A_512] : memref<160000x128xi32, #tpu.memory_space<hbm>> -> memref<40x128xi32, #tpu.memory_space<hbm>>
      %dma_start3A_514 = arith.constant 0 : i32
      %dma_start3A_515 = tpu.memref_slice %arg7[%add3A_506, %dma_start3A_514] : memref<160000x128xi32, #tpu.memory_space<hbm>> -> memref<40x128xi32, #tpu.memory_space<hbm>>
      %dma_start3A_516 = arith.constant 0 : i32
      %dma_start3A_517 = arith.constant 0 : i32
      %dma_start3A_518 = tpu.memref_slice %arg11[%dma_start3A_507, %dma_start3A_516, %dma_start3A_517] : memref<3x40x128xi32, #tpu.memory_space<vmem>> -> memref<1x40x128xi32, #tpu.memory_space<vmem>>
      %dma_start3A_519 = tpu.memref_squeeze %dma_start3A_518 : memref<1x40x128xi32, #tpu.memory_space<vmem>> -> memref<40x128xi32, #tpu.memory_space<vmem>>
      tpu.enqueue_dma source(%dma_start3A_519 : memref<40x128xi32, #tpu.memory_space<vmem>>) target(%dma_start3A_515 : memref<40x128xi32, #tpu.memory_space<hbm>>) target_semaphore(%arg23 : memref<!tpu.dma_semaphore, #tpu.memory_space<semaphore_mem>>)
    }
    %scan3A_26 = arith.constant 41 : i32
    %dma_wait3A = arith.constant 1 : i32
    %dma_wait3A_27 = arith.constant 0 : i32
    %dma_wait3A_28 = arith.constant 0 : i32
    %dma_wait3A_29 = tpu.memref_slice %arg10[%dma_wait3A, %dma_wait3A_27, %dma_wait3A_28] : memref<3x40x128xi32, #tpu.memory_space<vmem>> -> memref<1x40x128xi32, #tpu.memory_space<vmem>>
    %dma_wait3A_30 = tpu.memref_squeeze %dma_wait3A_29 : memref<1x40x128xi32, #tpu.memory_space<vmem>> -> memref<40x128xi32, #tpu.memory_space<vmem>>
    %dma_wait3A_31 = arith.constant 0 : i32
    %dma_wait3A_32 = tpu.memref_slice %arg6[%mul3A_2, %dma_wait3A_31] : memref<160000x128xi32, #tpu.memory_space<hbm>> -> memref<40x128xi32, #tpu.memory_space<hbm>>
    %dma_wait3A_33 = arith.constant 0 : i32
    %dma_wait3A_34 = tpu.memref_slice %arg6[%mul3A_2, %dma_wait3A_33] : memref<160000x128xi32, #tpu.memory_space<hbm>> -> memref<40x128xi32, #tpu.memory_space<hbm>>
    %dma_wait3A_35 = arith.constant 0 : i32
    %dma_wait3A_36 = arith.constant 0 : i32
    %dma_wait3A_37 = tpu.memref_slice %arg10[%dma_wait3A, %dma_wait3A_35, %dma_wait3A_36] : memref<3x40x128xi32, #tpu.memory_space<vmem>> -> memref<1x40x128xi32, #tpu.memory_space<vmem>>
    %dma_wait3A_38 = tpu.memref_squeeze %dma_wait3A_37 : memref<1x40x128xi32, #tpu.memory_space<vmem>> -> memref<40x128xi32, #tpu.memory_space<vmem>>
    tpu.wait_dma2 semaphore(%arg16 : memref<!tpu.dma_semaphore, #tpu.memory_space<semaphore_mem>>) src(%dma_wait3A_38 : memref<40x128xi32, #tpu.memory_space<vmem>>) dst(%dma_wait3A_34 : memref<40x128xi32, #tpu.memory_space<hbm>>)
    %dma_wait3A_39 = arith.constant 1 : i32
    %dma_wait3A_40 = arith.constant 0 : i32
    %dma_wait3A_41 = arith.constant 0 : i32
    %dma_wait3A_42 = tpu.memref_slice %arg11[%dma_wait3A_39, %dma_wait3A_40, %dma_wait3A_41] : memref<3x40x128xi32, #tpu.memory_space<vmem>> -> memref<1x40x128xi32, #tpu.memory_space<vmem>>
    %dma_wait3A_43 = tpu.memref_squeeze %dma_wait3A_42 : memref<1x40x128xi32, #tpu.memory_space<vmem>> -> memref<40x128xi32, #tpu.memory_space<vmem>>
    %dma_wait3A_44 = arith.constant 0 : i32
    %dma_wait3A_45 = tpu.memref_slice %arg7[%mul3A_2, %dma_wait3A_44] : memref<160000x128xi32, #tpu.memory_space<hbm>> -> memref<40x128xi32, #tpu.memory_space<hbm>>
    %dma_wait3A_46 = arith.constant 0 : i32
    %dma_wait3A_47 = tpu.memref_slice %arg7[%mul3A_2, %dma_wait3A_46] : memref<160000x128xi32, #tpu.memory_space<hbm>> -> memref<40x128xi32, #tpu.memory_space<hbm>>
    %dma_wait3A_48 = arith.constant 0 : i32
    %dma_wait3A_49 = arith.constant 0 : i32
    %dma_wait3A_50 = tpu.memref_slice %arg11[%dma_wait3A_39, %dma_wait3A_48, %dma_wait3A_49] : memref<3x40x128xi32, #tpu.memory_space<vmem>> -> memref<1x40x128xi32, #tpu.memory_space<vmem>>
    %dma_wait3A_51 = tpu.memref_squeeze %dma_wait3A_50 : memref<1x40x128xi32, #tpu.memory_space<vmem>> -> memref<40x128xi32, #tpu.memory_space<vmem>>
    tpu.wait_dma2 semaphore(%arg22 : memref<!tpu.dma_semaphore, #tpu.memory_space<semaphore_mem>>) src(%dma_wait3A_51 : memref<40x128xi32, #tpu.memory_space<vmem>>) dst(%dma_wait3A_47 : memref<40x128xi32, #tpu.memory_space<hbm>>)
    %dma_start3A_52 = arith.constant 1 : i32
    %dma_start3A_53 = arith.constant 0 : i32
    %dma_start3A_54 = arith.constant 0 : i32
    %dma_start3A_55 = tpu.memref_slice %arg10[%dma_start3A_52, %dma_start3A_53, %dma_start3A_54] : memref<3x40x128xi32, #tpu.memory_space<vmem>> -> memref<1x40x128xi32, #tpu.memory_space<vmem>>
    %dma_start3A_56 = tpu.memref_squeeze %dma_start3A_55 : memref<1x40x128xi32, #tpu.memory_space<vmem>> -> memref<40x128xi32, #tpu.memory_space<vmem>>
    %dma_start3A_57 = arith.constant 4960 : i32
    %dma_start3A_58 = tpu.memref_slice %arg8[%dma_start3A_57] : memref<5000xi32, #tpu.memory_space<vmem>> -> memref<40xi32, #tpu.memory_space<vmem>>
    %dma_start3A_59 = arith.constant 0 : i32
    %dma_start3A_60 = arith.constant 0 : i32
    %dma_start3A_61 = tpu.memref_slice %arg2[%dma_start3A_59, %dma_start3A_60] : memref<10000x128xi32, #tpu.memory_space<hbm>> -> memref<10000x128xi32, #tpu.memory_space<hbm>>
    tpu.enqueue_indirect_dma source(%dma_start3A_61 : memref<10000x128xi32, #tpu.memory_space<hbm>>) target(%dma_start3A_56 : memref<40x128xi32, #tpu.memory_space<vmem>>) offsets(%dma_start3A_58 : memref<40xi32, #tpu.memory_space<vmem>>) semaphore(%arg13 : memref<!tpu.dma_semaphore, #tpu.memory_space<semaphore_mem>>)
    %dma_start3A_62 = arith.constant 1 : i32
    %dma_start3A_63 = arith.constant 0 : i32
    %dma_start3A_64 = arith.constant 0 : i32
    %dma_start3A_65 = tpu.memref_slice %arg11[%dma_start3A_62, %dma_start3A_63, %dma_start3A_64] : memref<3x40x128xi32, #tpu.memory_space<vmem>> -> memref<1x40x128xi32, #tpu.memory_space<vmem>>
    %dma_start3A_66 = tpu.memref_squeeze %dma_start3A_65 : memref<1x40x128xi32, #tpu.memory_space<vmem>> -> memref<40x128xi32, #tpu.memory_space<vmem>>
    %dma_start3A_67 = arith.constant 4960 : i32
    %dma_start3A_68 = tpu.memref_slice %arg9[%dma_start3A_67] : memref<5000xi32, #tpu.memory_space<vmem>> -> memref<40xi32, #tpu.memory_space<vmem>>
    %dma_start3A_69 = arith.constant 0 : i32
    %dma_start3A_70 = arith.constant 0 : i32
    %dma_start3A_71 = tpu.memref_slice %arg3[%dma_start3A_69, %dma_start3A_70] : memref<10000x128xi32, #tpu.memory_space<hbm>> -> memref<10000x128xi32, #tpu.memory_space<hbm>>
    tpu.enqueue_indirect_dma source(%dma_start3A_71 : memref<10000x128xi32, #tpu.memory_space<hbm>>) target(%dma_start3A_66 : memref<40x128xi32, #tpu.memory_space<vmem>>) offsets(%dma_start3A_68 : memref<40xi32, #tpu.memory_space<vmem>>) semaphore(%arg19 : memref<!tpu.dma_semaphore, #tpu.memory_space<semaphore_mem>>)
    %dma_wait3A_72 = arith.constant 0 : i32
    %dma_wait3A_73 = arith.constant 0 : i32
    %dma_wait3A_74 = arith.constant 0 : i32
    %dma_wait3A_75 = tpu.memref_slice %arg10[%dma_wait3A_72, %dma_wait3A_73, %dma_wait3A_74] : memref<3x40x128xi32, #tpu.memory_space<vmem>> -> memref<1x40x128xi32, #tpu.memory_space<vmem>>
    %dma_wait3A_76 = tpu.memref_squeeze %dma_wait3A_75 : memref<1x40x128xi32, #tpu.memory_space<vmem>> -> memref<40x128xi32, #tpu.memory_space<vmem>>
    %dma_wait3A_77 = arith.constant 0 : i32
    %dma_wait3A_78 = tpu.memref_slice %arg8[%dma_wait3A_77] : memref<5000xi32, #tpu.memory_space<vmem>> -> memref<40xi32, #tpu.memory_space<vmem>>
    %dma_wait3A_79 = arith.constant 0 : i32
    %dma_wait3A_80 = arith.constant 0 : i32
    %dma_wait3A_81 = tpu.memref_slice %arg2[%dma_wait3A_79, %dma_wait3A_80] : memref<10000x128xi32, #tpu.memory_space<hbm>> -> memref<10000x128xi32, #tpu.memory_space<hbm>>
    tpu.wait_indirect_dma semaphore(%arg12 : memref<!tpu.dma_semaphore, #tpu.memory_space<semaphore_mem>>) src(%dma_wait3A_81 : memref<10000x128xi32, #tpu.memory_space<hbm>>) dst(%dma_wait3A_76 : memref<40x128xi32, #tpu.memory_space<vmem>>)
    %dma_wait3A_82 = arith.constant 0 : i32
    %dma_wait3A_83 = arith.constant 0 : i32
    %dma_wait3A_84 = arith.constant 0 : i32
    %dma_wait3A_85 = tpu.memref_slice %arg11[%dma_wait3A_82, %dma_wait3A_83, %dma_wait3A_84] : memref<3x40x128xi32, #tpu.memory_space<vmem>> -> memref<1x40x128xi32, #tpu.memory_space<vmem>>
    %dma_wait3A_86 = tpu.memref_squeeze %dma_wait3A_85 : memref<1x40x128xi32, #tpu.memory_space<vmem>> -> memref<40x128xi32, #tpu.memory_space<vmem>>
    %dma_wait3A_87 = arith.constant 0 : i32
    %dma_wait3A_88 = tpu.memref_slice %arg9[%dma_wait3A_87] : memref<5000xi32, #tpu.memory_space<vmem>> -> memref<40xi32, #tpu.memory_space<vmem>>
    %dma_wait3A_89 = arith.constant 0 : i32
    %dma_wait3A_90 = arith.constant 0 : i32
    %dma_wait3A_91 = tpu.memref_slice %arg3[%dma_wait3A_89, %dma_wait3A_90] : memref<10000x128xi32, #tpu.memory_space<hbm>> -> memref<10000x128xi32, #tpu.memory_space<hbm>>
    tpu.wait_indirect_dma semaphore(%arg18 : memref<!tpu.dma_semaphore, #tpu.memory_space<semaphore_mem>>) src(%dma_wait3A_91 : memref<10000x128xi32, #tpu.memory_space<hbm>>) dst(%dma_wait3A_86 : memref<40x128xi32, #tpu.memory_space<vmem>>)
    %add3A_92 = arith.constant 4920 : i32
    %add3A_93 = arith.addi %mul3A_2, %add3A_92 : i32
    %dma_start3A_94 = arith.constant 0 : i32
    %dma_start3A_95 = arith.constant 0 : i32
    %dma_start3A_96 = arith.constant 0 : i32
    %dma_start3A_97 = tpu.memref_slice %arg10[%dma_start3A_94, %dma_start3A_95, %dma_start3A_96] : memref<3x40x128xi32, #tpu.memory_space<vmem>> -> memref<1x40x128xi32, #tpu.memory_space<vmem>>
    %dma_start3A_98 = tpu.memref_squeeze %dma_start3A_97 : memref<1x40x128xi32, #tpu.memory_space<vmem>> -> memref<40x128xi32, #tpu.memory_space<vmem>>
    %dma_start3A_99 = arith.constant 0 : i32
    %dma_start3A_100 = tpu.memref_slice %arg6[%add3A_93, %dma_start3A_99] : memref<160000x128xi32, #tpu.memory_space<hbm>> -> memref<40x128xi32, #tpu.memory_space<hbm>>
    %dma_start3A_101 = arith.constant 0 : i32
    %dma_start3A_102 = tpu.memref_slice %arg6[%add3A_93, %dma_start3A_101] : memref<160000x128xi32, #tpu.memory_space<hbm>> -> memref<40x128xi32, #tpu.memory_space<hbm>>
    %dma_start3A_103 = arith.constant 0 : i32
    %dma_start3A_104 = arith.constant 0 : i32
    %dma_start3A_105 = tpu.memref_slice %arg10[%dma_start3A_94, %dma_start3A_103, %dma_start3A_104] : memref<3x40x128xi32, #tpu.memory_space<vmem>> -> memref<1x40x128xi32, #tpu.memory_space<vmem>>
    %dma_start3A_106 = tpu.memref_squeeze %dma_start3A_105 : memref<1x40x128xi32, #tpu.memory_space<vmem>> -> memref<40x128xi32, #tpu.memory_space<vmem>>
    tpu.enqueue_dma source(%dma_start3A_106 : memref<40x128xi32, #tpu.memory_space<vmem>>) target(%dma_start3A_102 : memref<40x128xi32, #tpu.memory_space<hbm>>) target_semaphore(%arg15 : memref<!tpu.dma_semaphore, #tpu.memory_space<semaphore_mem>>)
    %add3A_107 = arith.constant 4920 : i32
    %add3A_108 = arith.addi %mul3A_2, %add3A_107 : i32
    %dma_start3A_109 = arith.constant 0 : i32
    %dma_start3A_110 = arith.constant 0 : i32
    %dma_start3A_111 = arith.constant 0 : i32
    %dma_start3A_112 = tpu.memref_slice %arg11[%dma_start3A_109, %dma_start3A_110, %dma_start3A_111] : memref<3x40x128xi32, #tpu.memory_space<vmem>> -> memref<1x40x128xi32, #tpu.memory_space<vmem>>
    %dma_start3A_113 = tpu.memref_squeeze %dma_start3A_112 : memref<1x40x128xi32, #tpu.memory_space<vmem>> -> memref<40x128xi32, #tpu.memory_space<vmem>>
    %dma_start3A_114 = arith.constant 0 : i32
    %dma_start3A_115 = tpu.memref_slice %arg7[%add3A_108, %dma_start3A_114] : memref<160000x128xi32, #tpu.memory_space<hbm>> -> memref<40x128xi32, #tpu.memory_space<hbm>>
    %dma_start3A_116 = arith.constant 0 : i32
    %dma_start3A_117 = tpu.memref_slice %arg7[%add3A_108, %dma_start3A_116] : memref<160000x128xi32, #tpu.memory_space<hbm>> -> memref<40x128xi32, #tpu.memory_space<hbm>>
    %dma_start3A_118 = arith.constant 0 : i32
    %dma_start3A_119 = arith.constant 0 : i32
    %dma_start3A_120 = tpu.memref_slice %arg11[%dma_start3A_109, %dma_start3A_118, %dma_start3A_119] : memref<3x40x128xi32, #tpu.memory_space<vmem>> -> memref<1x40x128xi32, #tpu.memory_space<vmem>>
    %dma_start3A_121 = tpu.memref_squeeze %dma_start3A_120 : memref<1x40x128xi32, #tpu.memory_space<vmem>> -> memref<40x128xi32, #tpu.memory_space<vmem>>
    tpu.enqueue_dma source(%dma_start3A_121 : memref<40x128xi32, #tpu.memory_space<vmem>>) target(%dma_start3A_117 : memref<40x128xi32, #tpu.memory_space<hbm>>) target_semaphore(%arg21 : memref<!tpu.dma_semaphore, #tpu.memory_space<semaphore_mem>>)
    %dma_wait3A_122 = arith.constant 1 : i32
    %dma_wait3A_123 = arith.constant 0 : i32
    %dma_wait3A_124 = arith.constant 0 : i32
    %dma_wait3A_125 = tpu.memref_slice %arg10[%dma_wait3A_122, %dma_wait3A_123, %dma_wait3A_124] : memref<3x40x128xi32, #tpu.memory_space<vmem>> -> memref<1x40x128xi32, #tpu.memory_space<vmem>>
    %dma_wait3A_126 = tpu.memref_squeeze %dma_wait3A_125 : memref<1x40x128xi32, #tpu.memory_space<vmem>> -> memref<40x128xi32, #tpu.memory_space<vmem>>
    %dma_wait3A_127 = arith.constant 0 : i32
    %dma_wait3A_128 = tpu.memref_slice %arg8[%dma_wait3A_127] : memref<5000xi32, #tpu.memory_space<vmem>> -> memref<40xi32, #tpu.memory_space<vmem>>
    %dma_wait3A_129 = arith.constant 0 : i32
    %dma_wait3A_130 = arith.constant 0 : i32
    %dma_wait3A_131 = tpu.memref_slice %arg2[%dma_wait3A_129, %dma_wait3A_130] : memref<10000x128xi32, #tpu.memory_space<hbm>> -> memref<10000x128xi32, #tpu.memory_space<hbm>>
    tpu.wait_indirect_dma semaphore(%arg13 : memref<!tpu.dma_semaphore, #tpu.memory_space<semaphore_mem>>) src(%dma_wait3A_131 : memref<10000x128xi32, #tpu.memory_space<hbm>>) dst(%dma_wait3A_126 : memref<40x128xi32, #tpu.memory_space<vmem>>)
    %dma_wait3A_132 = arith.constant 1 : i32
    %dma_wait3A_133 = arith.constant 0 : i32
    %dma_wait3A_134 = arith.constant 0 : i32
    %dma_wait3A_135 = tpu.memref_slice %arg11[%dma_wait3A_132, %dma_wait3A_133, %dma_wait3A_134] : memref<3x40x128xi32, #tpu.memory_space<vmem>> -> memref<1x40x128xi32, #tpu.memory_space<vmem>>
    %dma_wait3A_136 = tpu.memref_squeeze %dma_wait3A_135 : memref<1x40x128xi32, #tpu.memory_space<vmem>> -> memref<40x128xi32, #tpu.memory_space<vmem>>
    %dma_wait3A_137 = arith.constant 0 : i32
    %dma_wait3A_138 = tpu.memref_slice %arg9[%dma_wait3A_137] : memref<5000xi32, #tpu.memory_space<vmem>> -> memref<40xi32, #tpu.memory_space<vmem>>
    %dma_wait3A_139 = arith.constant 0 : i32
    %dma_wait3A_140 = arith.constant 0 : i32
    %dma_wait3A_141 = tpu.memref_slice %arg3[%dma_wait3A_139, %dma_wait3A_140] : memref<10000x128xi32, #tpu.memory_space<hbm>> -> memref<10000x128xi32, #tpu.memory_space<hbm>>
    tpu.wait_indirect_dma semaphore(%arg19 : memref<!tpu.dma_semaphore, #tpu.memory_space<semaphore_mem>>) src(%dma_wait3A_141 : memref<10000x128xi32, #tpu.memory_space<hbm>>) dst(%dma_wait3A_136 : memref<40x128xi32, #tpu.memory_space<vmem>>)
    %add3A_142 = arith.constant 4960 : i32
    %add3A_143 = arith.addi %mul3A_2, %add3A_142 : i32
    %dma_start3A_144 = arith.constant 1 : i32
    %dma_start3A_145 = arith.constant 0 : i32
    %dma_start3A_146 = arith.constant 0 : i32
    %dma_start3A_147 = tpu.memref_slice %arg10[%dma_start3A_144, %dma_start3A_145, %dma_start3A_146] : memref<3x40x128xi32, #tpu.memory_space<vmem>> -> memref<1x40x128xi32, #tpu.memory_space<vmem>>
    %dma_start3A_148 = tpu.memref_squeeze %dma_start3A_147 : memref<1x40x128xi32, #tpu.memory_space<vmem>> -> memref<40x128xi32, #tpu.memory_space<vmem>>
    %dma_start3A_149 = arith.constant 0 : i32
    %dma_start3A_150 = tpu.memref_slice %arg6[%add3A_143, %dma_start3A_149] : memref<160000x128xi32, #tpu.memory_space<hbm>> -> memref<40x128xi32, #tpu.memory_space<hbm>>
    %dma_start3A_151 = arith.constant 0 : i32
    %dma_start3A_152 = tpu.memref_slice %arg6[%add3A_143, %dma_start3A_151] : memref<160000x128xi32, #tpu.memory_space<hbm>> -> memref<40x128xi32, #tpu.memory_space<hbm>>
    %dma_start3A_153 = arith.constant 0 : i32
    %dma_start3A_154 = arith.constant 0 : i32
    %dma_start3A_155 = tpu.memref_slice %arg10[%dma_start3A_144, %dma_start3A_153, %dma_start3A_154] : memref<3x40x128xi32, #tpu.memory_space<vmem>> -> memref<1x40x128xi32, #tpu.memory_space<vmem>>
    %dma_start3A_156 = tpu.memref_squeeze %dma_start3A_155 : memref<1x40x128xi32, #tpu.memory_space<vmem>> -> memref<40x128xi32, #tpu.memory_space<vmem>>
    tpu.enqueue_dma source(%dma_start3A_156 : memref<40x128xi32, #tpu.memory_space<vmem>>) target(%dma_start3A_152 : memref<40x128xi32, #tpu.memory_space<hbm>>) target_semaphore(%arg16 : memref<!tpu.dma_semaphore, #tpu.memory_space<semaphore_mem>>)
    %add3A_157 = arith.constant 4960 : i32
    %add3A_158 = arith.addi %mul3A_2, %add3A_157 : i32
    %dma_start3A_159 = arith.constant 1 : i32
    %dma_start3A_160 = arith.constant 0 : i32
    %dma_start3A_161 = arith.constant 0 : i32
    %dma_start3A_162 = tpu.memref_slice %arg11[%dma_start3A_159, %dma_start3A_160, %dma_start3A_161] : memref<3x40x128xi32, #tpu.memory_space<vmem>> -> memref<1x40x128xi32, #tpu.memory_space<vmem>>
    %dma_start3A_163 = tpu.memref_squeeze %dma_start3A_162 : memref<1x40x128xi32, #tpu.memory_space<vmem>> -> memref<40x128xi32, #tpu.memory_space<vmem>>
    %dma_start3A_164 = arith.constant 0 : i32
    %dma_start3A_165 = tpu.memref_slice %arg7[%add3A_158, %dma_start3A_164] : memref<160000x128xi32, #tpu.memory_space<hbm>> -> memref<40x128xi32, #tpu.memory_space<hbm>>
    %dma_start3A_166 = arith.constant 0 : i32
    %dma_start3A_167 = tpu.memref_slice %arg7[%add3A_158, %dma_start3A_166] : memref<160000x128xi32, #tpu.memory_space<hbm>> -> memref<40x128xi32, #tpu.memory_space<hbm>>
    %dma_start3A_168 = arith.constant 0 : i32
    %dma_start3A_169 = arith.constant 0 : i32
    %dma_start3A_170 = tpu.memref_slice %arg11[%dma_start3A_159, %dma_start3A_168, %dma_start3A_169] : memref<3x40x128xi32, #tpu.memory_space<vmem>> -> memref<1x40x128xi32, #tpu.memory_space<vmem>>
    %dma_start3A_171 = tpu.memref_squeeze %dma_start3A_170 : memref<1x40x128xi32, #tpu.memory_space<vmem>> -> memref<40x128xi32, #tpu.memory_space<vmem>>
    tpu.enqueue_dma source(%dma_start3A_171 : memref<40x128xi32, #tpu.memory_space<vmem>>) target(%dma_start3A_167 : memref<40x128xi32, #tpu.memory_space<hbm>>) target_semaphore(%arg22 : memref<!tpu.dma_semaphore, #tpu.memory_space<semaphore_mem>>)
    %dma_wait3A_172 = arith.constant 2 : i32
    %dma_wait3A_173 = arith.constant 0 : i32
    %dma_wait3A_174 = arith.constant 0 : i32
    %dma_wait3A_175 = tpu.memref_slice %arg10[%dma_wait3A_172, %dma_wait3A_173, %dma_wait3A_174] : memref<3x40x128xi32, #tpu.memory_space<vmem>> -> memref<1x40x128xi32, #tpu.memory_space<vmem>>
    %dma_wait3A_176 = tpu.memref_squeeze %dma_wait3A_175 : memref<1x40x128xi32, #tpu.memory_space<vmem>> -> memref<40x128xi32, #tpu.memory_space<vmem>>
    %dma_wait3A_177 = arith.constant 0 : i32
    %dma_wait3A_178 = tpu.memref_slice %arg6[%mul3A_2, %dma_wait3A_177] : memref<160000x128xi32, #tpu.memory_space<hbm>> -> memref<40x128xi32, #tpu.memory_space<hbm>>
    %dma_wait3A_179 = arith.constant 0 : i32
    %dma_wait3A_180 = tpu.memref_slice %arg6[%mul3A_2, %dma_wait3A_179] : memref<160000x128xi32, #tpu.memory_space<hbm>> -> memref<40x128xi32, #tpu.memory_space<hbm>>
    %dma_wait3A_181 = arith.constant 0 : i32
    %dma_wait3A_182 = arith.constant 0 : i32
    %dma_wait3A_183 = tpu.memref_slice %arg10[%dma_wait3A_172, %dma_wait3A_181, %dma_wait3A_182] : memref<3x40x128xi32, #tpu.memory_space<vmem>> -> memref<1x40x128xi32, #tpu.memory_space<vmem>>
    %dma_wait3A_184 = tpu.memref_squeeze %dma_wait3A_183 : memref<1x40x128xi32, #tpu.memory_space<vmem>> -> memref<40x128xi32, #tpu.memory_space<vmem>>
    tpu.wait_dma2 semaphore(%arg17 : memref<!tpu.dma_semaphore, #tpu.memory_space<semaphore_mem>>) src(%dma_wait3A_184 : memref<40x128xi32, #tpu.memory_space<vmem>>) dst(%dma_wait3A_180 : memref<40x128xi32, #tpu.memory_space<hbm>>)
    %dma_wait3A_185 = arith.constant 2 : i32
    %dma_wait3A_186 = arith.constant 0 : i32
    %dma_wait3A_187 = arith.constant 0 : i32
    %dma_wait3A_188 = tpu.memref_slice %arg11[%dma_wait3A_185, %dma_wait3A_186, %dma_wait3A_187] : memref<3x40x128xi32, #tpu.memory_space<vmem>> -> memref<1x40x128xi32, #tpu.memory_space<vmem>>
    %dma_wait3A_189 = tpu.memref_squeeze %dma_wait3A_188 : memref<1x40x128xi32, #tpu.memory_space<vmem>> -> memref<40x128xi32, #tpu.memory_space<vmem>>
    %dma_wait3A_190 = arith.constant 0 : i32
    %dma_wait3A_191 = tpu.memref_slice %arg7[%mul3A_2, %dma_wait3A_190] : memref<160000x128xi32, #tpu.memory_space<hbm>> -> memref<40x128xi32, #tpu.memory_space<hbm>>
    %dma_wait3A_192 = arith.constant 0 : i32
    %dma_wait3A_193 = tpu.memref_slice %arg7[%mul3A_2, %dma_wait3A_192] : memref<160000x128xi32, #tpu.memory_space<hbm>> -> memref<40x128xi32, #tpu.memory_space<hbm>>
    %dma_wait3A_194 = arith.constant 0 : i32
    %dma_wait3A_195 = arith.constant 0 : i32
    %dma_wait3A_196 = tpu.memref_slice %arg11[%dma_wait3A_185, %dma_wait3A_194, %dma_wait3A_195] : memref<3x40x128xi32, #tpu.memory_space<vmem>> -> memref<1x40x128xi32, #tpu.memory_space<vmem>>
    %dma_wait3A_197 = tpu.memref_squeeze %dma_wait3A_196 : memref<1x40x128xi32, #tpu.memory_space<vmem>> -> memref<40x128xi32, #tpu.memory_space<vmem>>
    tpu.wait_dma2 semaphore(%arg23 : memref<!tpu.dma_semaphore, #tpu.memory_space<semaphore_mem>>) src(%dma_wait3A_197 : memref<40x128xi32, #tpu.memory_space<vmem>>) dst(%dma_wait3A_193 : memref<40x128xi32, #tpu.memory_space<hbm>>)
    %dma_wait3A_198 = arith.constant 0 : i32
    %dma_wait3A_199 = arith.constant 0 : i32
    %dma_wait3A_200 = arith.constant 0 : i32
    %dma_wait3A_201 = tpu.memref_slice %arg10[%dma_wait3A_198, %dma_wait3A_199, %dma_wait3A_200] : memref<3x40x128xi32, #tpu.memory_space<vmem>> -> memref<1x40x128xi32, #tpu.memory_space<vmem>>
    %dma_wait3A_202 = tpu.memref_squeeze %dma_wait3A_201 : memref<1x40x128xi32, #tpu.memory_space<vmem>> -> memref<40x128xi32, #tpu.memory_space<vmem>>
    %dma_wait3A_203 = arith.constant 0 : i32
    %dma_wait3A_204 = tpu.memref_slice %arg6[%mul3A_2, %dma_wait3A_203] : memref<160000x128xi32, #tpu.memory_space<hbm>> -> memref<40x128xi32, #tpu.memory_space<hbm>>
    %dma_wait3A_205 = arith.constant 0 : i32
    %dma_wait3A_206 = tpu.memref_slice %arg6[%mul3A_2, %dma_wait3A_205] : memref<160000x128xi32, #tpu.memory_space<hbm>> -> memref<40x128xi32, #tpu.memory_space<hbm>>
    %dma_wait3A_207 = arith.constant 0 : i32
    %dma_wait3A_208 = arith.constant 0 : i32
    %dma_wait3A_209 = tpu.memref_slice %arg10[%dma_wait3A_198, %dma_wait3A_207, %dma_wait3A_208] : memref<3x40x128xi32, #tpu.memory_space<vmem>> -> memref<1x40x128xi32, #tpu.memory_space<vmem>>
    %dma_wait3A_210 = tpu.memref_squeeze %dma_wait3A_209 : memref<1x40x128xi32, #tpu.memory_space<vmem>> -> memref<40x128xi32, #tpu.memory_space<vmem>>
    tpu.wait_dma2 semaphore(%arg15 : memref<!tpu.dma_semaphore, #tpu.memory_space<semaphore_mem>>) src(%dma_wait3A_210 : memref<40x128xi32, #tpu.memory_space<vmem>>) dst(%dma_wait3A_206 : memref<40x128xi32, #tpu.memory_space<hbm>>)
    %dma_wait3A_211 = arith.constant 0 : i32
    %dma_wait3A_212 = arith.constant 0 : i32
    %dma_wait3A_213 = arith.constant 0 : i32
    %dma_wait3A_214 = tpu.memref_slice %arg11[%dma_wait3A_211, %dma_wait3A_212, %dma_wait3A_213] : memref<3x40x128xi32, #tpu.memory_space<vmem>> -> memref<1x40x128xi32, #tpu.memory_space<vmem>>
    %dma_wait3A_215 = tpu.memref_squeeze %dma_wait3A_214 : memref<1x40x128xi32, #tpu.memory_space<vmem>> -> memref<40x128xi32, #tpu.memory_space<vmem>>
    %dma_wait3A_216 = arith.constant 0 : i32
    %dma_wait3A_217 = tpu.memref_slice %arg7[%mul3A_2, %dma_wait3A_216] : memref<160000x128xi32, #tpu.memory_space<hbm>> -> memref<40x128xi32, #tpu.memory_space<hbm>>
    %dma_wait3A_218 = arith.constant 0 : i32
    %dma_wait3A_219 = tpu.memref_slice %arg7[%mul3A_2, %dma_wait3A_218] : memref<160000x128xi32, #tpu.memory_space<hbm>> -> memref<40x128xi32, #tpu.memory_space<hbm>>
    %dma_wait3A_220 = arith.constant 0 : i32
    %dma_wait3A_221 = arith.constant 0 : i32
    %dma_wait3A_222 = tpu.memref_slice %arg11[%dma_wait3A_211, %dma_wait3A_220, %dma_wait3A_221] : memref<3x40x128xi32, #tpu.memory_space<vmem>> -> memref<1x40x128xi32, #tpu.memory_space<vmem>>
    %dma_wait3A_223 = tpu.memref_squeeze %dma_wait3A_222 : memref<1x40x128xi32, #tpu.memory_space<vmem>> -> memref<40x128xi32, #tpu.memory_space<vmem>>
    tpu.wait_dma2 semaphore(%arg21 : memref<!tpu.dma_semaphore, #tpu.memory_space<semaphore_mem>>) src(%dma_wait3A_223 : memref<40x128xi32, #tpu.memory_space<vmem>>) dst(%dma_wait3A_219 : memref<40x128xi32, #tpu.memory_space<hbm>>)
    %dma_wait3A_224 = arith.constant 1 : i32
    %dma_wait3A_225 = arith.constant 0 : i32
    %dma_wait3A_226 = arith.constant 0 : i32
    %dma_wait3A_227 = tpu.memref_slice %arg10[%dma_wait3A_224, %dma_wait3A_225, %dma_wait3A_226] : memref<3x40x128xi32, #tpu.memory_space<vmem>> -> memref<1x40x128xi32, #tpu.memory_space<vmem>>
    %dma_wait3A_228 = tpu.memref_squeeze %dma_wait3A_227 : memref<1x40x128xi32, #tpu.memory_space<vmem>> -> memref<40x128xi32, #tpu.memory_space<vmem>>
    %dma_wait3A_229 = arith.constant 0 : i32
    %dma_wait3A_230 = tpu.memref_slice %arg6[%mul3A_2, %dma_wait3A_229] : memref<160000x128xi32, #tpu.memory_space<hbm>> -> memref<40x128xi32, #tpu.memory_space<hbm>>
    %dma_wait3A_231 = arith.constant 0 : i32
    %dma_wait3A_232 = tpu.memref_slice %arg6[%mul3A_2, %dma_wait3A_231] : memref<160000x128xi32, #tpu.memory_space<hbm>> -> memref<40x128xi32, #tpu.memory_space<hbm>>
    %dma_wait3A_233 = arith.constant 0 : i32
    %dma_wait3A_234 = arith.constant 0 : i32
    %dma_wait3A_235 = tpu.memref_slice %arg10[%dma_wait3A_224, %dma_wait3A_233, %dma_wait3A_234] : memref<3x40x128xi32, #tpu.memory_space<vmem>> -> memref<1x40x128xi32, #tpu.memory_space<vmem>>
    %dma_wait3A_236 = tpu.memref_squeeze %dma_wait3A_235 : memref<1x40x128xi32, #tpu.memory_space<vmem>> -> memref<40x128xi32, #tpu.memory_space<vmem>>
    tpu.wait_dma2 semaphore(%arg16 : memref<!tpu.dma_semaphore, #tpu.memory_space<semaphore_mem>>) src(%dma_wait3A_236 : memref<40x128xi32, #tpu.memory_space<vmem>>) dst(%dma_wait3A_232 : memref<40x128xi32, #tpu.memory_space<hbm>>)
    %dma_wait3A_237 = arith.constant 1 : i32
    %dma_wait3A_238 = arith.constant 0 : i32
    %dma_wait3A_239 = arith.constant 0 : i32
    %dma_wait3A_240 = tpu.memref_slice %arg11[%dma_wait3A_237, %dma_wait3A_238, %dma_wait3A_239] : memref<3x40x128xi32, #tpu.memory_space<vmem>> -> memref<1x40x128xi32, #tpu.memory_space<vmem>>
    %dma_wait3A_241 = tpu.memref_squeeze %dma_wait3A_240 : memref<1x40x128xi32, #tpu.memory_space<vmem>> -> memref<40x128xi32, #tpu.memory_space<vmem>>
    %dma_wait3A_242 = arith.constant 0 : i32
    %dma_wait3A_243 = tpu.memref_slice %arg7[%mul3A_2, %dma_wait3A_242] : memref<160000x128xi32, #tpu.memory_space<hbm>> -> memref<40x128xi32, #tpu.memory_space<hbm>>
    %dma_wait3A_244 = arith.constant 0 : i32
    %dma_wait3A_245 = tpu.memref_slice %arg7[%mul3A_2, %dma_wait3A_244] : memref<160000x128xi32, #tpu.memory_space<hbm>> -> memref<40x128xi32, #tpu.memory_space<hbm>>
    %dma_wait3A_246 = arith.constant 0 : i32
    %dma_wait3A_247 = arith.constant 0 : i32
    %dma_wait3A_248 = tpu.memref_slice %arg11[%dma_wait3A_237, %dma_wait3A_246, %dma_wait3A_247] : memref<3x40x128xi32, #tpu.memory_space<vmem>> -> memref<1x40x128xi32, #tpu.memory_space<vmem>>
    %dma_wait3A_249 = tpu.memref_squeeze %dma_wait3A_248 : memref<1x40x128xi32, #tpu.memory_space<vmem>> -> memref<40x128xi32, #tpu.memory_space<vmem>>
    tpu.wait_dma2 semaphore(%arg22 : memref<!tpu.dma_semaphore, #tpu.memory_space<semaphore_mem>>) src(%dma_wait3A_249 : memref<40x128xi32, #tpu.memory_space<vmem>>) dst(%dma_wait3A_245 : memref<40x128xi32, #tpu.memory_space<hbm>>)
    return
  }
}

#map = affine_map<(d0, d1) -> (0, 0)>
#map1 = affine_map<(d0, d1) -> (0, 0, 0, 0)>
module attributes {stable_mosaic.version = 14 : i64} {
  func.func @k(%arg0: i32, %arg1: i32, %arg2: memref<160000x128xf32, #tpu.memory_space<hbm>>, %arg3: memref<160000x128xf32, #tpu.memory_space<hbm>>, %arg4: memref<1x16x125x80xi32, #tpu.memory_space<hbm>>, %arg5: memref<10000x128xf32, #tpu.memory_space<hbm>>, %arg6: memref<10000x128xf32, #tpu.memory_space<hbm>>, %arg7: memref<125x80xi32, #tpu.memory_space<vmem>>, %arg8: memref<2x80x128xf32, #tpu.memory_space<vmem>>, %arg9: memref<80x128xf32, #tpu.memory_space<vmem>>, %arg10: memref<10000x128xf32, #tpu.memory_space<vmem_shared>>, %arg11: memref<!tpu.dma_semaphore, #tpu.memory_space<semaphore_mem>>, %arg12: memref<!tpu.dma_semaphore, #tpu.memory_space<semaphore_mem>>, %arg13: memref<!tpu.dma_semaphore, #tpu.memory_space<semaphore_mem>>, %arg14: memref<!tpu.dma_semaphore, #tpu.memory_space<semaphore_mem>>) attributes {dimension_semantics = [#tpu.dimension_semantics<core_parallel>, #tpu.dimension_semantics<subcore_parallel>], iteration_bounds = array<i64: 2, 16>, scalar_prefetch = 0 : i64, scratch_operands = 8 : i64, tpu.core_type = #tpu.core_type<sc_vector_subcore>, window_params = [{transform_indices = #map}, {transform_indices = #map}, {transform_indices = #map1}, {transform_indices = #map}, {transform_indices = #map}]} {
    %sub3A = arith.constant 125 : i32
    %sub3A_0 = arith.subi %sub3A, %arg1 : i32
    %add3A = arith.constant 16 : i32
    %add3A_1 = arith.addi %sub3A_0, %add3A : i32
    %sub3A_2 = arith.constant 1 : i32
    %sub3A_3 = arith.subi %add3A_1, %sub3A_2 : i32
    %jit3A = arith.constant 16 : i32
    %div3A = arith.divsi %sub3A_3, %jit3A : i32
    %sign3A = arith.constant 0 : i32
    %sign3A_4 = arith.cmpi sgt, %sub3A_3, %sign3A : i32
    %sign3A_5 = arith.extui %sign3A_4 : i1 to i32
    %sign3A_6 = arith.constant 0 : i32
    %sign3A_7 = arith.cmpi slt, %sub3A_3, %sign3A_6 : i32
    %sign3A_8 = arith.extui %sign3A_7 : i1 to i32
    %sign3A_9 = arith.subi %sign3A_5, %sign3A_8 : i32
    %sign3A_10 = arith.constant 0 : i32
    %sign3A_11 = arith.cmpi sgt, %jit3A, %sign3A_10 : i32
    %sign3A_12 = arith.extui %sign3A_11 : i1 to i32
    %sign3A_13 = arith.constant 0 : i32
    %sign3A_14 = arith.cmpi slt, %jit3A, %sign3A_13 : i32
    %sign3A_15 = arith.extui %sign3A_14 : i1 to i32
    %sign3A_16 = arith.subi %sign3A_12, %sign3A_15 : i32
    %ne3A = arith.cmpi ne, %sign3A_9, %sign3A_16 : i32
    %rem3A = arith.remsi %sub3A_3, %jit3A : i32
    %ne3A_17 = arith.constant 0 : i32
    %ne3A_18 = arith.cmpi ne, %rem3A, %ne3A_17 : i32
    %and3A = arith.andi %ne3A, %ne3A_18 : i1
    %sub3A_19 = arith.constant 1 : i32
    %sub3A_20 = arith.subi %div3A, %sub3A_19 : i32
    %select_n3A = arith.select %and3A, %sub3A_20, %div3A : i32
    %scan3A = arith.constant 0 : i32
    %scan3A_21 = arith.constant 0 : i32
    %scan3A_22 = arith.constant 80 : i32
    %scan3A_23 = arith.addi %scan3A_21, %scan3A_22 : i32
    %scan3A_24 = arith.constant 1 : i32
    scf.for %scan3A_53 = %scan3A_21 to %scan3A_23 step %scan3A_24  : i32 {
      %broadcast_in_dim3A = arith.constant 0.000000e+00 : f32
      %broadcast_in_dim3A_54 = vector.broadcast %broadcast_in_dim3A : f32 to vector<16xf32>
      %swap3A = arith.index_cast %scan3A_53 : i32 to index
      %swap3A_55 = arith.constant 0 : index
      %swap3A_56 = tpu.vector_load %arg9[%swap3A, %swap3A_55] {strides = array<i32>} : memref<80x128xf32, #tpu.memory_space<vmem>>, vector<1x16xf32>,
      %swap3A_57 = vector.shape_cast %swap3A_56 : vector<1x16xf32> to vector<16xf32>
      %swap3A_58 = vector.shape_cast %broadcast_in_dim3A_54 : vector<16xf32> to vector<1x16xf32>
      tpu.vector_store %arg9[%swap3A, %swap3A_55], %swap3A_58 {strides = array<i32>} : memref<80x128xf32, #tpu.memory_space<vmem>>, vector<1x16xf32>,
      %broadcast_in_dim3A_59 = arith.constant 0.000000e+00 : f32
      %broadcast_in_dim3A_60 = vector.broadcast %broadcast_in_dim3A_59 : f32 to vector<16xf32>
      %swap3A_61 = arith.index_cast %scan3A_53 : i32 to index
      %swap3A_62 = arith.constant 16 : index
      %swap3A_63 = tpu.vector_load %arg9[%swap3A_61, %swap3A_62] {strides = array<i32>} : memref<80x128xf32, #tpu.memory_space<vmem>>, vector<1x16xf32>,
      %swap3A_64 = vector.shape_cast %swap3A_63 : vector<1x16xf32> to vector<16xf32>
      %swap3A_65 = vector.shape_cast %broadcast_in_dim3A_60 : vector<16xf32> to vector<1x16xf32>
      tpu.vector_store %arg9[%swap3A_61, %swap3A_62], %swap3A_65 {strides = array<i32>} : memref<80x128xf32, #tpu.memory_space<vmem>>, vector<1x16xf32>,
      %broadcast_in_dim3A_66 = arith.constant 0.000000e+00 : f32
      %broadcast_in_dim3A_67 = vector.broadcast %broadcast_in_dim3A_66 : f32 to vector<16xf32>
      %swap3A_68 = arith.index_cast %scan3A_53 : i32 to index
      %swap3A_69 = arith.constant 32 : index
      %swap3A_70 = tpu.vector_load %arg9[%swap3A_68, %swap3A_69] {strides = array<i32>} : memref<80x128xf32, #tpu.memory_space<vmem>>, vector<1x16xf32>,
      %swap3A_71 = vector.shape_cast %swap3A_70 : vector<1x16xf32> to vector<16xf32>
      %swap3A_72 = vector.shape_cast %broadcast_in_dim3A_67 : vector<16xf32> to vector<1x16xf32>
      tpu.vector_store %arg9[%swap3A_68, %swap3A_69], %swap3A_72 {strides = array<i32>} : memref<80x128xf32, #tpu.memory_space<vmem>>, vector<1x16xf32>,
      %broadcast_in_dim3A_73 = arith.constant 0.000000e+00 : f32
      %broadcast_in_dim3A_74 = vector.broadcast %broadcast_in_dim3A_73 : f32 to vector<16xf32>
      %swap3A_75 = arith.index_cast %scan3A_53 : i32 to index
      %swap3A_76 = arith.constant 48 : index
      %swap3A_77 = tpu.vector_load %arg9[%swap3A_75, %swap3A_76] {strides = array<i32>} : memref<80x128xf32, #tpu.memory_space<vmem>>, vector<1x16xf32>,
      %swap3A_78 = vector.shape_cast %swap3A_77 : vector<1x16xf32> to vector<16xf32>
      %swap3A_79 = vector.shape_cast %broadcast_in_dim3A_74 : vector<16xf32> to vector<1x16xf32>
      tpu.vector_store %arg9[%swap3A_75, %swap3A_76], %swap3A_79 {strides = array<i32>} : memref<80x128xf32, #tpu.memory_space<vmem>>, vector<1x16xf32>,
      %broadcast_in_dim3A_80 = arith.constant 0.000000e+00 : f32
      %broadcast_in_dim3A_81 = vector.broadcast %broadcast_in_dim3A_80 : f32 to vector<16xf32>
      %swap3A_82 = arith.index_cast %scan3A_53 : i32 to index
      %swap3A_83 = arith.constant 64 : index
      %swap3A_84 = tpu.vector_load %arg9[%swap3A_82, %swap3A_83] {strides = array<i32>} : memref<80x128xf32, #tpu.memory_space<vmem>>, vector<1x16xf32>,
      %swap3A_85 = vector.shape_cast %swap3A_84 : vector<1x16xf32> to vector<16xf32>
      %swap3A_86 = vector.shape_cast %broadcast_in_dim3A_81 : vector<16xf32> to vector<1x16xf32>
      tpu.vector_store %arg9[%swap3A_82, %swap3A_83], %swap3A_86 {strides = array<i32>} : memref<80x128xf32, #tpu.memory_space<vmem>>, vector<1x16xf32>,
      %broadcast_in_dim3A_87 = arith.constant 0.000000e+00 : f32
      %broadcast_in_dim3A_88 = vector.broadcast %broadcast_in_dim3A_87 : f32 to vector<16xf32>
      %swap3A_89 = arith.index_cast %scan3A_53 : i32 to index
      %swap3A_90 = arith.constant 80 : index
      %swap3A_91 = tpu.vector_load %arg9[%swap3A_89, %swap3A_90] {strides = array<i32>} : memref<80x128xf32, #tpu.memory_space<vmem>>, vector<1x16xf32>,
      %swap3A_92 = vector.shape_cast %swap3A_91 : vector<1x16xf32> to vector<16xf32>
      %swap3A_93 = vector.shape_cast %broadcast_in_dim3A_88 : vector<16xf32> to vector<1x16xf32>
      tpu.vector_store %arg9[%swap3A_89, %swap3A_90], %swap3A_93 {strides = array<i32>} : memref<80x128xf32, #tpu.memory_space<vmem>>, vector<1x16xf32>,
      %broadcast_in_dim3A_94 = arith.constant 0.000000e+00 : f32
      %broadcast_in_dim3A_95 = vector.broadcast %broadcast_in_dim3A_94 : f32 to vector<16xf32>
      %swap3A_96 = arith.index_cast %scan3A_53 : i32 to index
      %swap3A_97 = arith.constant 96 : index
      %swap3A_98 = tpu.vector_load %arg9[%swap3A_96, %swap3A_97] {strides = array<i32>} : memref<80x128xf32, #tpu.memory_space<vmem>>, vector<1x16xf32>,
      %swap3A_99 = vector.shape_cast %swap3A_98 : vector<1x16xf32> to vector<16xf32>
      %swap3A_100 = vector.shape_cast %broadcast_in_dim3A_95 : vector<16xf32> to vector<1x16xf32>
      tpu.vector_store %arg9[%swap3A_96, %swap3A_97], %swap3A_100 {strides = array<i32>} : memref<80x128xf32, #tpu.memory_space<vmem>>, vector<1x16xf32>,
      %broadcast_in_dim3A_101 = arith.constant 0.000000e+00 : f32
      %broadcast_in_dim3A_102 = vector.broadcast %broadcast_in_dim3A_101 : f32 to vector<16xf32>
      %swap3A_103 = arith.index_cast %scan3A_53 : i32 to index
      %swap3A_104 = arith.constant 112 : index
      %swap3A_105 = tpu.vector_load %arg9[%swap3A_103, %swap3A_104] {strides = array<i32>} : memref<80x128xf32, #tpu.memory_space<vmem>>, vector<1x16xf32>,
      %swap3A_106 = vector.shape_cast %swap3A_105 : vector<1x16xf32> to vector<16xf32>
      %swap3A_107 = vector.shape_cast %broadcast_in_dim3A_102 : vector<16xf32> to vector<1x16xf32>
      tpu.vector_store %arg9[%swap3A_103, %swap3A_104], %swap3A_107 {strides = array<i32>} : memref<80x128xf32, #tpu.memory_space<vmem>>, vector<1x16xf32>,
    }
    %scan3A_25 = arith.constant 80 : i32
    %while3A = arith.constant 0 : i32
    %while3A_26 = arith.constant 0 : i32
    %while3A_27 = arith.subi %select_n3A, %while3A_26 : i32
    %while3A_28 = arith.addi %while3A_26, %while3A_27 : i32
    %while3A_29 = arith.constant 1 : i32
    %while3A_30 = arith.divsi %while3A_27, %while3A_29 : i32
    %while3A_31 = arith.muli %while3A_30, %while3A_29 : i32
    %while3A_32 = arith.addi %while3A_26, %while3A_31 : i32
    %while3A_33 = arith.constant 1 : i32
    scf.for %while3A_53 = %while3A_26 to %while3A_32 step %while3A_33  : i32 {
      %mul3A = arith.constant 16 : i32
      %mul3A_54 = arith.muli %while3A_53, %mul3A : i32
      %add3A_55 = arith.addi %arg1, %mul3A_54 : i32
      %mul3A_56 = arith.constant 80 : i32
      %mul3A_57 = arith.muli %add3A_55, %mul3A_56 : i32
      "tpu.region"() ({
        %run_scoped3A_58 = tpu.sem_alloc : memref<!tpu.dma_semaphore, #tpu.memory_space<semaphore_mem>>
        %dma_start3A = arith.constant 0 : i32
        %dma_start3A_59 = tpu.memref_slice %arg10[%mul3A_57, %dma_start3A] : memref<10000x128xf32, #tpu.memory_space<vmem_shared>> -> memref<80x128xf32, #tpu.memory_space<vmem_shared>>
        %dma_start3A_60 = arith.constant 0 : i32
        %dma_start3A_61 = tpu.memref_slice %arg10[%mul3A_57, %dma_start3A_60] : memref<10000x128xf32, #tpu.memory_space<vmem_shared>> -> memref<80x128xf32, #tpu.memory_space<vmem_shared>>
        tpu.enqueue_dma source(%arg9 : memref<80x128xf32, #tpu.memory_space<vmem>>) target(%dma_start3A_61 : memref<80x128xf32, #tpu.memory_space<vmem_shared>>) target_semaphore(%run_scoped3A_58 : memref<!tpu.dma_semaphore, #tpu.memory_space<semaphore_mem>>)
        %dma_wait3A = arith.constant 0 : i32
        %dma_wait3A_62 = tpu.memref_slice %arg10[%mul3A_57, %dma_wait3A] : memref<10000x128xf32, #tpu.memory_space<vmem_shared>> -> memref<80x128xf32, #tpu.memory_space<vmem_shared>>
        %dma_wait3A_63 = arith.constant 0 : i32
        %dma_wait3A_64 = tpu.memref_slice %arg10[%mul3A_57, %dma_wait3A_63] : memref<10000x128xf32, #tpu.memory_space<vmem_shared>> -> memref<80x128xf32, #tpu.memory_space<vmem_shared>>
        tpu.wait_dma2 semaphore(%run_scoped3A_58 : memref<!tpu.dma_semaphore, #tpu.memory_space<semaphore_mem>>) src(%arg9 : memref<80x128xf32, #tpu.memory_space<vmem>>) dst(%dma_wait3A_64 : memref<80x128xf32, #tpu.memory_space<vmem_shared>>)
        tpu.yield
      }) : () -> ()
    }
    %while3A_34 = arith.constant 1 : i32
    scf.for %while3A_53 = %while3A_32 to %while3A_28 step %while3A_34  : i32 {
      %mul3A = arith.constant 16 : i32
      %mul3A_54 = arith.muli %while3A_53, %mul3A : i32
      %add3A_55 = arith.addi %arg1, %mul3A_54 : i32
      %mul3A_56 = arith.constant 80 : i32
      %mul3A_57 = arith.muli %add3A_55, %mul3A_56 : i32
      "tpu.region"() ({
        %run_scoped3A_58 = tpu.sem_alloc : memref<!tpu.dma_semaphore, #tpu.memory_space<semaphore_mem>>
        %dma_start3A = arith.constant 0 : i32
        %dma_start3A_59 = tpu.memref_slice %arg10[%mul3A_57, %dma_start3A] : memref<10000x128xf32, #tpu.memory_space<vmem_shared>> -> memref<80x128xf32, #tpu.memory_space<vmem_shared>>
        %dma_start3A_60 = arith.constant 0 : i32
        %dma_start3A_61 = tpu.memref_slice %arg10[%mul3A_57, %dma_start3A_60] : memref<10000x128xf32, #tpu.memory_space<vmem_shared>> -> memref<80x128xf32, #tpu.memory_space<vmem_shared>>
        tpu.enqueue_dma source(%arg9 : memref<80x128xf32, #tpu.memory_space<vmem>>) target(%dma_start3A_61 : memref<80x128xf32, #tpu.memory_space<vmem_shared>>) target_semaphore(%run_scoped3A_58 : memref<!tpu.dma_semaphore, #tpu.memory_space<semaphore_mem>>)
        %dma_wait3A = arith.constant 0 : i32
        %dma_wait3A_62 = tpu.memref_slice %arg10[%mul3A_57, %dma_wait3A] : memref<10000x128xf32, #tpu.memory_space<vmem_shared>> -> memref<80x128xf32, #tpu.memory_space<vmem_shared>>
        %dma_wait3A_63 = arith.constant 0 : i32
        %dma_wait3A_64 = tpu.memref_slice %arg10[%mul3A_57, %dma_wait3A_63] : memref<10000x128xf32, #tpu.memory_space<vmem_shared>> -> memref<80x128xf32, #tpu.memory_space<vmem_shared>>
        tpu.wait_dma2 semaphore(%run_scoped3A_58 : memref<!tpu.dma_semaphore, #tpu.memory_space<semaphore_mem>>) src(%arg9 : memref<80x128xf32, #tpu.memory_space<vmem>>) dst(%dma_wait3A_64 : memref<80x128xf32, #tpu.memory_space<vmem_shared>>)
        tpu.yield
      }) : () -> ()
    }
    %run_scoped3A = arith.constant 0 : i32
    "tpu.region"() ({
      %run_scoped3A_53 = tpu.sem_alloc : memref<!tpu.dma_semaphore, #tpu.memory_space<semaphore_mem>>
      %dma_start3A = arith.constant 0 : i32
      %dma_start3A_54 = arith.constant 0 : i32
      %dma_start3A_55 = tpu.memref_slice %arg7[%dma_start3A, %dma_start3A_54] : memref<125x80xi32, #tpu.memory_space<vmem>> -> memref<125x80xi32, #tpu.memory_space<vmem>>
      %dma_start3A_56 = arith.constant 0 : i32
      %dma_start3A_57 = arith.constant 0 : i32
      %dma_start3A_58 = tpu.memref_slice %arg4[%run_scoped3A, %arg1, %dma_start3A_56, %dma_start3A_57] : memref<1x16x125x80xi32, #tpu.memory_space<hbm>> -> memref<1x1x125x80xi32, #tpu.memory_space<hbm>>
      %dma_start3A_59 = tpu.memref_squeeze %dma_start3A_58 : memref<1x1x125x80xi32, #tpu.memory_space<hbm>> -> memref<125x80xi32, #tpu.memory_space<hbm>>
      %dma_start3A_60 = arith.constant 0 : i32
      %dma_start3A_61 = arith.constant 0 : i32
      %dma_start3A_62 = tpu.memref_slice %arg7[%dma_start3A_60, %dma_start3A_61] : memref<125x80xi32, #tpu.memory_space<vmem>> -> memref<125x80xi32, #tpu.memory_space<vmem>>
      %dma_start3A_63 = arith.constant 0 : i32
      %dma_start3A_64 = arith.constant 0 : i32
      %dma_start3A_65 = tpu.memref_slice %arg4[%run_scoped3A, %arg1, %dma_start3A_63, %dma_start3A_64] : memref<1x16x125x80xi32, #tpu.memory_space<hbm>> -> memref<1x1x125x80xi32, #tpu.memory_space<hbm>>
      %dma_start3A_66 = tpu.memref_squeeze %dma_start3A_65 : memref<1x1x125x80xi32, #tpu.memory_space<hbm>> -> memref<125x80xi32, #tpu.memory_space<hbm>>
      tpu.enqueue_dma source(%dma_start3A_66 : memref<125x80xi32, #tpu.memory_space<hbm>>) target(%dma_start3A_62 : memref<125x80xi32, #tpu.memory_space<vmem>>) target_semaphore(%run_scoped3A_53 : memref<!tpu.dma_semaphore, #tpu.memory_space<semaphore_mem>>)
      %dma_wait3A = arith.constant 0 : i32
      %dma_wait3A_67 = arith.constant 0 : i32
      %dma_wait3A_68 = tpu.memref_slice %arg7[%dma_wait3A, %dma_wait3A_67] : memref<125x80xi32, #tpu.memory_space<vmem>> -> memref<125x80xi32, #tpu.memory_space<vmem>>
      %dma_wait3A_69 = arith.constant 0 : i32
      %dma_wait3A_70 = arith.constant 0 : i32
      %dma_wait3A_71 = tpu.memref_slice %arg4[%run_scoped3A, %arg1, %dma_wait3A_69, %dma_wait3A_70] : memref<1x16x125x80xi32, #tpu.memory_space<hbm>> -> memref<1x1x125x80xi32, #tpu.memory_space<hbm>>
      %dma_wait3A_72 = tpu.memref_squeeze %dma_wait3A_71 : memref<1x1x125x80xi32, #tpu.memory_space<hbm>> -> memref<125x80xi32, #tpu.memory_space<hbm>>
      %dma_wait3A_73 = arith.constant 0 : i32
      %dma_wait3A_74 = arith.constant 0 : i32
      %dma_wait3A_75 = tpu.memref_slice %arg7[%dma_wait3A_73, %dma_wait3A_74] : memref<125x80xi32, #tpu.memory_space<vmem>> -> memref<125x80xi32, #tpu.memory_space<vmem>>
      %dma_wait3A_76 = arith.constant 0 : i32
      %dma_wait3A_77 = arith.constant 0 : i32
      %dma_wait3A_78 = tpu.memref_slice %arg4[%run_scoped3A, %arg1, %dma_wait3A_76, %dma_wait3A_77] : memref<1x16x125x80xi32, #tpu.memory_space<hbm>> -> memref<1x1x125x80xi32, #tpu.memory_space<hbm>>
      %dma_wait3A_79 = tpu.memref_squeeze %dma_wait3A_78 : memref<1x1x125x80xi32, #tpu.memory_space<hbm>> -> memref<125x80xi32, #tpu.memory_space<hbm>>
      tpu.wait_dma2 semaphore(%run_scoped3A_53 : memref<!tpu.dma_semaphore, #tpu.memory_space<semaphore_mem>>) src(%dma_wait3A_79 : memref<125x80xi32, #tpu.memory_space<hbm>>) dst(%dma_wait3A_75 : memref<125x80xi32, #tpu.memory_space<vmem>>)
      tpu.yield
    }) : () -> ()
    %barrier3A = arith.constant 0 : index
    tpu.barrier barrier_id(%barrier3A)
    %eq3A = arith.constant 0 : i32
    %eq3A_35 = arith.cmpi eq, %arg0, %eq3A : i32
    %convert_element_type3A = arith.extui %eq3A_35 : i1 to i32
    %cond3A = arith.constant 0 : i32
    %cond3A_36 = arith.cmpi ne, %convert_element_type3A, %cond3A : i32
    scf.if %cond3A_36 {
      %mul3A = arith.constant 10000 : i32
      %mul3A_53 = arith.muli %arg1, %mul3A : i32
      %add3A_54 = arith.constant 0 : i32
      %add3A_55 = arith.addi %mul3A_53, %add3A_54 : i32
      %dma_start3A = arith.constant 0 : i32
      %dma_start3A_56 = arith.constant 0 : i32
      %dma_start3A_57 = arith.constant 0 : i32
      %dma_start3A_58 = tpu.memref_slice %arg8[%dma_start3A, %dma_start3A_56, %dma_start3A_57] : memref<2x80x128xf32, #tpu.memory_space<vmem>> -> memref<1x80x128xf32, #tpu.memory_space<vmem>>
      %dma_start3A_59 = tpu.memref_squeeze %dma_start3A_58 : memref<1x80x128xf32, #tpu.memory_space<vmem>> -> memref<80x128xf32, #tpu.memory_space<vmem>>
      %dma_start3A_60 = arith.constant 0 : i32
      %dma_start3A_61 = tpu.memref_slice %arg2[%add3A_55, %dma_start3A_60] : memref<160000x128xf32, #tpu.memory_space<hbm>> -> memref<80x128xf32, #tpu.memory_space<hbm>>
      %dma_start3A_62 = arith.constant 0 : i32
      %dma_start3A_63 = arith.constant 0 : i32
      %dma_start3A_64 = tpu.memref_slice %arg8[%dma_start3A, %dma_start3A_62, %dma_start3A_63] : memref<2x80x128xf32, #tpu.memory_space<vmem>> -> memref<1x80x128xf32, #tpu.memory_space<vmem>>
      %dma_start3A_65 = tpu.memref_squeeze %dma_start3A_64 : memref<1x80x128xf32, #tpu.memory_space<vmem>> -> memref<80x128xf32, #tpu.memory_space<vmem>>
      %dma_start3A_66 = arith.constant 0 : i32
      %dma_start3A_67 = tpu.memref_slice %arg2[%add3A_55, %dma_start3A_66] : memref<160000x128xf32, #tpu.memory_space<hbm>> -> memref<80x128xf32, #tpu.memory_space<hbm>>
      tpu.enqueue_dma source(%dma_start3A_67 : memref<80x128xf32, #tpu.memory_space<hbm>>) target(%dma_start3A_65 : memref<80x128xf32, #tpu.memory_space<vmem>>) target_semaphore(%arg11 : memref<!tpu.dma_semaphore, #tpu.memory_space<semaphore_mem>>)
      %scan3A_68 = arith.constant 0 : i32
      %scan3A_69 = arith.constant 0 : i32
      %scan3A_70 = arith.constant 62 : i32
      %scan3A_71 = arith.addi %scan3A_69, %scan3A_70 : i32
      %scan3A_72 = arith.constant 1 : i32
      scf.for %scan3A_124 = %scan3A_69 to %scan3A_71 step %scan3A_72  : i32 {
        %mul3A_125 = arith.constant 2 : i32
        %mul3A_126 = arith.muli %mul3A_125, %scan3A_124 : i32
        %gt3A = arith.constant 0 : i32
        %gt3A_127 = arith.cmpi sgt, %scan3A_124, %gt3A : i32
        %convert_element_type3A_128 = arith.extui %gt3A_127 : i1 to i32
        %cond3A_129 = arith.constant 0 : i32
        %cond3A_130 = arith.cmpi ne, %convert_element_type3A_128, %cond3A_129 : i32
        scf.if %cond3A_130 {
          %dma_wait3A_241 = arith.constant 1 : i32
          %dma_wait3A_242 = arith.constant 0 : i32
          %dma_wait3A_243 = arith.constant 0 : i32
          %dma_wait3A_244 = arith.constant 0 : i32
          %dma_wait3A_245 = tpu.memref_slice %arg8[%dma_wait3A_241, %dma_wait3A_243, %dma_wait3A_244] : memref<2x80x128xf32, #tpu.memory_space<vmem>> -> memref<1x80x128xf32, #tpu.memory_space<vmem>>
          %dma_wait3A_246 = tpu.memref_squeeze %dma_wait3A_245 : memref<1x80x128xf32, #tpu.memory_space<vmem>> -> memref<80x128xf32, #tpu.memory_space<vmem>>
          %dma_wait3A_247 = arith.constant 0 : i32
          %dma_wait3A_248 = tpu.memref_slice %arg7[%dma_wait3A_242, %dma_wait3A_247] : memref<125x80xi32, #tpu.memory_space<vmem>> -> memref<1x80xi32, #tpu.memory_space<vmem>>
          %dma_wait3A_249 = tpu.memref_squeeze %dma_wait3A_248 : memref<1x80xi32, #tpu.memory_space<vmem>> -> memref<80xi32, #tpu.memory_space<vmem>>
          %dma_wait3A_250 = arith.constant 0 : i32
          %dma_wait3A_251 = arith.constant 0 : i32
          %dma_wait3A_252 = tpu.memref_slice %arg10[%dma_wait3A_250, %dma_wait3A_251] : memref<10000x128xf32, #tpu.memory_space<vmem_shared>> -> memref<10000x128xf32, #tpu.memory_space<vmem_shared>>
          tpu.wait_indirect_dma semaphore(%arg14 : memref<!tpu.dma_semaphore, #tpu.memory_space<semaphore_mem>>) src(%dma_wait3A_246 : memref<80x128xf32, #tpu.memory_space<vmem>>) dst(%dma_wait3A_252 : memref<10000x128xf32, #tpu.memory_space<vmem_shared>>)
        } else {
        }
        %add3A_131 = arith.constant 1 : i32
        %add3A_132 = arith.addi %mul3A_126, %add3A_131 : i32
        %mul3A_133 = arith.constant 10000 : i32
        %mul3A_134 = arith.muli %arg1, %mul3A_133 : i32
        %mul3A_135 = arith.constant 80 : i32
        %mul3A_136 = arith.muli %add3A_132, %mul3A_135 : i32
        %add3A_137 = arith.addi %mul3A_134, %mul3A_136 : i32
        %dma_start3A_138 = arith.constant 1 : i32
        %dma_start3A_139 = arith.constant 0 : i32
        %dma_start3A_140 = arith.constant 0 : i32
        %dma_start3A_141 = tpu.memref_slice %arg8[%dma_start3A_138, %dma_start3A_139, %dma_start3A_140] : memref<2x80x128xf32, #tpu.memory_space<vmem>> -> memref<1x80x128xf32, #tpu.memory_space<vmem>>
        %dma_start3A_142 = tpu.memref_squeeze %dma_start3A_141 : memref<1x80x128xf32, #tpu.memory_space<vmem>> -> memref<80x128xf32, #tpu.memory_space<vmem>>
        %dma_start3A_143 = arith.constant 0 : i32
        %dma_start3A_144 = tpu.memref_slice %arg2[%add3A_137, %dma_start3A_143] : memref<160000x128xf32, #tpu.memory_space<hbm>> -> memref<80x128xf32, #tpu.memory_space<hbm>>
        %dma_start3A_145 = arith.constant 0 : i32
        %dma_start3A_146 = arith.constant 0 : i32
        %dma_start3A_147 = tpu.memref_slice %arg8[%dma_start3A_138, %dma_start3A_145, %dma_start3A_146] : memref<2x80x128xf32, #tpu.memory_space<vmem>> -> memref<1x80x128xf32, #tpu.memory_space<vmem>>
        %dma_start3A_148 = tpu.memref_squeeze %dma_start3A_147 : memref<1x80x128xf32, #tpu.memory_space<vmem>> -> memref<80x128xf32, #tpu.memory_space<vmem>>
        %dma_start3A_149 = arith.constant 0 : i32
        %dma_start3A_150 = tpu.memref_slice %arg2[%add3A_137, %dma_start3A_149] : memref<160000x128xf32, #tpu.memory_space<hbm>> -> memref<80x128xf32, #tpu.memory_space<hbm>>
        tpu.enqueue_dma source(%dma_start3A_150 : memref<80x128xf32, #tpu.memory_space<hbm>>) target(%dma_start3A_148 : memref<80x128xf32, #tpu.memory_space<vmem>>) target_semaphore(%arg12 : memref<!tpu.dma_semaphore, #tpu.memory_space<semaphore_mem>>)
        %mul3A_151 = arith.constant 10000 : i32
        %mul3A_152 = arith.muli %arg1, %mul3A_151 : i32
        %dma_wait3A_153 = arith.constant 0 : i32
        %dma_wait3A_154 = arith.constant 0 : i32
        %dma_wait3A_155 = arith.constant 0 : i32
        %dma_wait3A_156 = tpu.memref_slice %arg8[%dma_wait3A_153, %dma_wait3A_154, %dma_wait3A_155] : memref<2x80x128xf32, #tpu.memory_space<vmem>> -> memref<1x80x128xf32, #tpu.memory_space<vmem>>
        %dma_wait3A_157 = tpu.memref_squeeze %dma_wait3A_156 : memref<1x80x128xf32, #tpu.memory_space<vmem>> -> memref<80x128xf32, #tpu.memory_space<vmem>>
        %dma_wait3A_158 = arith.constant 0 : i32
        %dma_wait3A_159 = tpu.memref_slice %arg2[%mul3A_152, %dma_wait3A_158] : memref<160000x128xf32, #tpu.memory_space<hbm>> -> memref<80x128xf32, #tpu.memory_space<hbm>>
        %dma_wait3A_160 = arith.constant 0 : i32
        %dma_wait3A_161 = arith.constant 0 : i32
        %dma_wait3A_162 = tpu.memref_slice %arg8[%dma_wait3A_153, %dma_wait3A_160, %dma_wait3A_161] : memref<2x80x128xf32, #tpu.memory_space<vmem>> -> memref<1x80x128xf32, #tpu.memory_space<vmem>>
        %dma_wait3A_163 = tpu.memref_squeeze %dma_wait3A_162 : memref<1x80x128xf32, #tpu.memory_space<vmem>> -> memref<80x128xf32, #tpu.memory_space<vmem>>
        %dma_wait3A_164 = arith.constant 0 : i32
        %dma_wait3A_165 = tpu.memref_slice %arg2[%mul3A_152, %dma_wait3A_164] : memref<160000x128xf32, #tpu.memory_space<hbm>> -> memref<80x128xf32, #tpu.memory_space<hbm>>
        tpu.wait_dma2 semaphore(%arg11 : memref<!tpu.dma_semaphore, #tpu.memory_space<semaphore_mem>>) src(%dma_wait3A_165 : memref<80x128xf32, #tpu.memory_space<hbm>>) dst(%dma_wait3A_163 : memref<80x128xf32, #tpu.memory_space<vmem>>)
        %add3A_166 = arith.constant 0 : i32
        %add3A_167 = arith.addi %add3A_166, %mul3A_126 : i32
        %dma_start3A_168 = arith.constant 0 : i32
        %dma_start3A_169 = arith.constant 0 : i32
        %dma_start3A_170 = arith.constant 0 : i32
        %dma_start3A_171 = tpu.memref_slice %arg8[%dma_start3A_168, %dma_start3A_169, %dma_start3A_170] : memref<2x80x128xf32, #tpu.memory_space<vmem>> -> memref<1x80x128xf32, #tpu.memory_space<vmem>>
        %dma_start3A_172 = tpu.memref_squeeze %dma_start3A_171 : memref<1x80x128xf32, #tpu.memory_space<vmem>> -> memref<80x128xf32, #tpu.memory_space<vmem>>
        %dma_start3A_173 = arith.constant 0 : i32
        %dma_start3A_174 = tpu.memref_slice %arg7[%add3A_167, %dma_start3A_173] : memref<125x80xi32, #tpu.memory_space<vmem>> -> memref<1x80xi32, #tpu.memory_space<vmem>>
        %dma_start3A_175 = tpu.memref_squeeze %dma_start3A_174 : memref<1x80xi32, #tpu.memory_space<vmem>> -> memref<80xi32, #tpu.memory_space<vmem>>
        %dma_start3A_176 = arith.constant 0 : i32
        %dma_start3A_177 = arith.constant 0 : i32
        %dma_start3A_178 = tpu.memref_slice %arg10[%dma_start3A_176, %dma_start3A_177] : memref<10000x128xf32, #tpu.memory_space<vmem_shared>> -> memref<10000x128xf32, #tpu.memory_space<vmem_shared>>
        tpu.enqueue_indirect_dma source(%dma_start3A_172 : memref<80x128xf32, #tpu.memory_space<vmem>>) target(%dma_start3A_178 : memref<10000x128xf32, #tpu.memory_space<vmem_shared>>) offsets(%dma_start3A_175 : memref<80xi32, #tpu.memory_space<vmem>>) semaphore(%arg13 : memref<!tpu.dma_semaphore, #tpu.memory_space<semaphore_mem>>) {add = true}
        %dma_wait3A_179 = arith.constant 0 : i32
        %dma_wait3A_180 = arith.constant 0 : i32
        %dma_wait3A_181 = arith.constant 0 : i32
        %dma_wait3A_182 = arith.constant 0 : i32
        %dma_wait3A_183 = tpu.memref_slice %arg8[%dma_wait3A_179, %dma_wait3A_181, %dma_wait3A_182] : memref<2x80x128xf32, #tpu.memory_space<vmem>> -> memref<1x80x128xf32, #tpu.memory_space<vmem>>
        %dma_wait3A_184 = tpu.memref_squeeze %dma_wait3A_183 : memref<1x80x128xf32, #tpu.memory_space<vmem>> -> memref<80x128xf32, #tpu.memory_space<vmem>>
        %dma_wait3A_185 = arith.constant 0 : i32
        %dma_wait3A_186 = tpu.memref_slice %arg7[%dma_wait3A_180, %dma_wait3A_185] : memref<125x80xi32, #tpu.memory_space<vmem>> -> memref<1x80xi32, #tpu.memory_space<vmem>>
        %dma_wait3A_187 = tpu.memref_squeeze %dma_wait3A_186 : memref<1x80xi32, #tpu.memory_space<vmem>> -> memref<80xi32, #tpu.memory_space<vmem>>
        %dma_wait3A_188 = arith.constant 0 : i32
        %dma_wait3A_189 = arith.constant 0 : i32
        %dma_wait3A_190 = tpu.memref_slice %arg10[%dma_wait3A_188, %dma_wait3A_189] : memref<10000x128xf32, #tpu.memory_space<vmem_shared>> -> memref<10000x128xf32, #tpu.memory_space<vmem_shared>>
        tpu.wait_indirect_dma semaphore(%arg13 : memref<!tpu.dma_semaphore, #tpu.memory_space<semaphore_mem>>) src(%dma_wait3A_184 : memref<80x128xf32, #tpu.memory_space<vmem>>) dst(%dma_wait3A_190 : memref<10000x128xf32, #tpu.memory_space<vmem_shared>>)
        %add3A_191 = arith.constant 2 : i32
        %add3A_192 = arith.addi %mul3A_126, %add3A_191 : i32
        %mul3A_193 = arith.constant 10000 : i32
        %mul3A_194 = arith.muli %arg1, %mul3A_193 : i32
        %mul3A_195 = arith.constant 80 : i32
        %mul3A_196 = arith.muli %add3A_192, %mul3A_195 : i32
        %add3A_197 = arith.addi %mul3A_194, %mul3A_196 : i32
        %dma_start3A_198 = arith.constant 0 : i32
        %dma_start3A_199 = arith.constant 0 : i32
        %dma_start3A_200 = arith.constant 0 : i32
        %dma_start3A_201 = tpu.memref_slice %arg8[%dma_start3A_198, %dma_start3A_199, %dma_start3A_200] : memref<2x80x128xf32, #tpu.memory_space<vmem>> -> memref<1x80x128xf32, #tpu.memory_space<vmem>>
        %dma_start3A_202 = tpu.memref_squeeze %dma_start3A_201 : memref<1x80x128xf32, #tpu.memory_space<vmem>> -> memref<80x128xf32, #tpu.memory_space<vmem>>
        %dma_start3A_203 = arith.constant 0 : i32
        %dma_start3A_204 = tpu.memref_slice %arg2[%add3A_197, %dma_start3A_203] : memref<160000x128xf32, #tpu.memory_space<hbm>> -> memref<80x128xf32, #tpu.memory_space<hbm>>
        %dma_start3A_205 = arith.constant 0 : i32
        %dma_start3A_206 = arith.constant 0 : i32
        %dma_start3A_207 = tpu.memref_slice %arg8[%dma_start3A_198, %dma_start3A_205, %dma_start3A_206] : memref<2x80x128xf32, #tpu.memory_space<vmem>> -> memref<1x80x128xf32, #tpu.memory_space<vmem>>
        %dma_start3A_208 = tpu.memref_squeeze %dma_start3A_207 : memref<1x80x128xf32, #tpu.memory_space<vmem>> -> memref<80x128xf32, #tpu.memory_space<vmem>>
        %dma_start3A_209 = arith.constant 0 : i32
        %dma_start3A_210 = tpu.memref_slice %arg2[%add3A_197, %dma_start3A_209] : memref<160000x128xf32, #tpu.memory_space<hbm>> -> memref<80x128xf32, #tpu.memory_space<hbm>>
        tpu.enqueue_dma source(%dma_start3A_210 : memref<80x128xf32, #tpu.memory_space<hbm>>) target(%dma_start3A_208 : memref<80x128xf32, #tpu.memory_space<vmem>>) target_semaphore(%arg11 : memref<!tpu.dma_semaphore, #tpu.memory_space<semaphore_mem>>)
        %mul3A_211 = arith.constant 10000 : i32
        %mul3A_212 = arith.muli %arg1, %mul3A_211 : i32
        %dma_wait3A_213 = arith.constant 1 : i32
        %dma_wait3A_214 = arith.constant 0 : i32
        %dma_wait3A_215 = arith.constant 0 : i32
        %dma_wait3A_216 = tpu.memref_slice %arg8[%dma_wait3A_213, %dma_wait3A_214, %dma_wait3A_215] : memref<2x80x128xf32, #tpu.memory_space<vmem>> -> memref<1x80x128xf32, #tpu.memory_space<vmem>>
        %dma_wait3A_217 = tpu.memref_squeeze %dma_wait3A_216 : memref<1x80x128xf32, #tpu.memory_space<vmem>> -> memref<80x128xf32, #tpu.memory_space<vmem>>
        %dma_wait3A_218 = arith.constant 0 : i32
        %dma_wait3A_219 = tpu.memref_slice %arg2[%mul3A_212, %dma_wait3A_218] : memref<160000x128xf32, #tpu.memory_space<hbm>> -> memref<80x128xf32, #tpu.memory_space<hbm>>
        %dma_wait3A_220 = arith.constant 0 : i32
        %dma_wait3A_221 = arith.constant 0 : i32
        %dma_wait3A_222 = tpu.memref_slice %arg8[%dma_wait3A_213, %dma_wait3A_220, %dma_wait3A_221] : memref<2x80x128xf32, #tpu.memory_space<vmem>> -> memref<1x80x128xf32, #tpu.memory_space<vmem>>
        %dma_wait3A_223 = tpu.memref_squeeze %dma_wait3A_222 : memref<1x80x128xf32, #tpu.memory_space<vmem>> -> memref<80x128xf32, #tpu.memory_space<vmem>>
        %dma_wait3A_224 = arith.constant 0 : i32
        %dma_wait3A_225 = tpu.memref_slice %arg2[%mul3A_212, %dma_wait3A_224] : memref<160000x128xf32, #tpu.memory_space<hbm>> -> memref<80x128xf32, #tpu.memory_space<hbm>>
        tpu.wait_dma2 semaphore(%arg12 : memref<!tpu.dma_semaphore, #tpu.memory_space<semaphore_mem>>) src(%dma_wait3A_225 : memref<80x128xf32, #tpu.memory_space<hbm>>) dst(%dma_wait3A_223 : memref<80x128xf32, #tpu.memory_space<vmem>>)
        %add3A_226 = arith.constant 1 : i32
        %add3A_227 = arith.addi %mul3A_126, %add3A_226 : i32
        %add3A_228 = arith.constant 0 : i32
        %add3A_229 = arith.addi %add3A_228, %add3A_227 : i32
        %dma_start3A_230 = arith.constant 1 : i32
        %dma_start3A_231 = arith.constant 0 : i32
        %dma_start3A_232 = arith.constant 0 : i32
        %dma_start3A_233 = tpu.memref_slice %arg8[%dma_start3A_230, %dma_start3A_231, %dma_start3A_232] : memref<2x80x128xf32, #tpu.memory_space<vmem>> -> memref<1x80x128xf32, #tpu.memory_space<vmem>>
        %dma_start3A_234 = tpu.memref_squeeze %dma_start3A_233 : memref<1x80x128xf32, #tpu.memory_space<vmem>> -> memref<80x128xf32, #tpu.memory_space<vmem>>
        %dma_start3A_235 = arith.constant 0 : i32
        %dma_start3A_236 = tpu.memref_slice %arg7[%add3A_229, %dma_start3A_235] : memref<125x80xi32, #tpu.memory_space<vmem>> -> memref<1x80xi32, #tpu.memory_space<vmem>>
        %dma_start3A_237 = tpu.memref_squeeze %dma_start3A_236 : memref<1x80xi32, #tpu.memory_space<vmem>> -> memref<80xi32, #tpu.memory_space<vmem>>
        %dma_start3A_238 = arith.constant 0 : i32
        %dma_start3A_239 = arith.constant 0 : i32
        %dma_start3A_240 = tpu.memref_slice %arg10[%dma_start3A_238, %dma_start3A_239] : memref<10000x128xf32, #tpu.memory_space<vmem_shared>> -> memref<10000x128xf32, #tpu.memory_space<vmem_shared>>
        tpu.enqueue_indirect_dma source(%dma_start3A_234 : memref<80x128xf32, #tpu.memory_space<vmem>>) target(%dma_start3A_240 : memref<10000x128xf32, #tpu.memory_space<vmem_shared>>) offsets(%dma_start3A_237 : memref<80xi32, #tpu.memory_space<vmem>>) semaphore(%arg14 : memref<!tpu.dma_semaphore, #tpu.memory_space<semaphore_mem>>) {add = true}
      }
      %scan3A_73 = arith.constant 62 : i32
      %mul3A_74 = arith.constant 10000 : i32
      %mul3A_75 = arith.muli %arg1, %mul3A_74 : i32
      %dma_wait3A = arith.constant 0 : i32
      %dma_wait3A_76 = arith.constant 0 : i32
      %dma_wait3A_77 = arith.constant 0 : i32
      %dma_wait3A_78 = tpu.memref_slice %arg8[%dma_wait3A, %dma_wait3A_76, %dma_wait3A_77] : memref<2x80x128xf32, #tpu.memory_space<vmem>> -> memref<1x80x128xf32, #tpu.memory_space<vmem>>
      %dma_wait3A_79 = tpu.memref_squeeze %dma_wait3A_78 : memref<1x80x128xf32, #tpu.memory_space<vmem>> -> memref<80x128xf32, #tpu.memory_space<vmem>>
      %dma_wait3A_80 = arith.constant 0 : i32
      %dma_wait3A_81 = tpu.memref_slice %arg2[%mul3A_75, %dma_wait3A_80] : memref<160000x128xf32, #tpu.memory_space<hbm>> -> memref<80x128xf32, #tpu.memory_space<hbm>>
      %dma_wait3A_82 = arith.constant 0 : i32
      %dma_wait3A_83 = arith.constant 0 : i32
      %dma_wait3A_84 = tpu.memref_slice %arg8[%dma_wait3A, %dma_wait3A_82, %dma_wait3A_83] : memref<2x80x128xf32, #tpu.memory_space<vmem>> -> memref<1x80x128xf32, #tpu.memory_space<vmem>>
      %dma_wait3A_85 = tpu.memref_squeeze %dma_wait3A_84 : memref<1x80x128xf32, #tpu.memory_space<vmem>> -> memref<80x128xf32, #tpu.memory_space<vmem>>
      %dma_wait3A_86 = arith.constant 0 : i32
      %dma_wait3A_87 = tpu.memref_slice %arg2[%mul3A_75, %dma_wait3A_86] : memref<160000x128xf32, #tpu.memory_space<hbm>> -> memref<80x128xf32, #tpu.memory_space<hbm>>
      tpu.wait_dma2 semaphore(%arg11 : memref<!tpu.dma_semaphore, #tpu.memory_space<semaphore_mem>>) src(%dma_wait3A_87 : memref<80x128xf32, #tpu.memory_space<hbm>>) dst(%dma_wait3A_85 : memref<80x128xf32, #tpu.memory_space<vmem>>)
      %dma_start3A_88 = arith.constant 0 : i32
      %dma_start3A_89 = arith.constant 124 : i32
      %dma_start3A_90 = arith.constant 0 : i32
      %dma_start3A_91 = arith.constant 0 : i32
      %dma_start3A_92 = tpu.memref_slice %arg8[%dma_start3A_88, %dma_start3A_90, %dma_start3A_91] : memref<2x80x128xf32, #tpu.memory_space<vmem>> -> memref<1x80x128xf32, #tpu.memory_space<vmem>>
      %dma_start3A_93 = tpu.memref_squeeze %dma_start3A_92 : memref<1x80x128xf32, #tpu.memory_space<vmem>> -> memref<80x128xf32, #tpu.memory_space<vmem>>
      %dma_start3A_94 = arith.constant 0 : i32
      %dma_start3A_95 = tpu.memref_slice %arg7[%dma_start3A_89, %dma_start3A_94] : memref<125x80xi32, #tpu.memory_space<vmem>> -> memref<1x80xi32, #tpu.memory_space<vmem>>
      %dma_start3A_96 = tpu.memref_squeeze %dma_start3A_95 : memref<1x80xi32, #tpu.memory_space<vmem>> -> memref<80xi32, #tpu.memory_space<vmem>>
      %dma_start3A_97 = arith.constant 0 : i32
      %dma_start3A_98 = arith.constant 0 : i32
      %dma_start3A_99 = tpu.memref_slice %arg10[%dma_start3A_97, %dma_start3A_98] : memref<10000x128xf32, #tpu.memory_space<vmem_shared>> -> memref<10000x128xf32, #tpu.memory_space<vmem_shared>>
      tpu.enqueue_indirect_dma source(%dma_start3A_93 : memref<80x128xf32, #tpu.memory_space<vmem>>) target(%dma_start3A_99 : memref<10000x128xf32, #tpu.memory_space<vmem_shared>>) offsets(%dma_start3A_96 : memref<80xi32, #tpu.memory_space<vmem>>) semaphore(%arg13 : memref<!tpu.dma_semaphore, #tpu.memory_space<semaphore_mem>>) {add = true}
      %dma_wait3A_100 = arith.constant 0 : i32
      %dma_wait3A_101 = arith.constant 0 : i32
      %dma_wait3A_102 = arith.constant 0 : i32
      %dma_wait3A_103 = arith.constant 0 : i32
      %dma_wait3A_104 = tpu.memref_slice %arg8[%dma_wait3A_100, %dma_wait3A_102, %dma_wait3A_103] : memref<2x80x128xf32, #tpu.memory_space<vmem>> -> memref<1x80x128xf32, #tpu.memory_space<vmem>>
      %dma_wait3A_105 = tpu.memref_squeeze %dma_wait3A_104 : memref<1x80x128xf32, #tpu.memory_space<vmem>> -> memref<80x128xf32, #tpu.memory_space<vmem>>
      %dma_wait3A_106 = arith.constant 0 : i32
      %dma_wait3A_107 = tpu.memref_slice %arg7[%dma_wait3A_101, %dma_wait3A_106] : memref<125x80xi32, #tpu.memory_space<vmem>> -> memref<1x80xi32, #tpu.memory_space<vmem>>
      %dma_wait3A_108 = tpu.memref_squeeze %dma_wait3A_107 : memref<1x80xi32, #tpu.memory_space<vmem>> -> memref<80xi32, #tpu.memory_space<vmem>>
      %dma_wait3A_109 = arith.constant 0 : i32
      %dma_wait3A_110 = arith.constant 0 : i32
      %dma_wait3A_111 = tpu.memref_slice %arg10[%dma_wait3A_109, %dma_wait3A_110] : memref<10000x128xf32, #tpu.memory_space<vmem_shared>> -> memref<10000x128xf32, #tpu.memory_space<vmem_shared>>
      tpu.wait_indirect_dma semaphore(%arg13 : memref<!tpu.dma_semaphore, #tpu.memory_space<semaphore_mem>>) src(%dma_wait3A_105 : memref<80x128xf32, #tpu.memory_space<vmem>>) dst(%dma_wait3A_111 : memref<10000x128xf32, #tpu.memory_space<vmem_shared>>)
      %dma_wait3A_112 = arith.constant 1 : i32
      %dma_wait3A_113 = arith.constant 0 : i32
      %dma_wait3A_114 = arith.constant 0 : i32
      %dma_wait3A_115 = arith.constant 0 : i32
      %dma_wait3A_116 = tpu.memref_slice %arg8[%dma_wait3A_112, %dma_wait3A_114, %dma_wait3A_115] : memref<2x80x128xf32, #tpu.memory_space<vmem>> -> memref<1x80x128xf32, #tpu.memory_space<vmem>>
      %dma_wait3A_117 = tpu.memref_squeeze %dma_wait3A_116 : memref<1x80x128xf32, #tpu.memory_space<vmem>> -> memref<80x128xf32, #tpu.memory_space<vmem>>
      %dma_wait3A_118 = arith.constant 0 : i32
      %dma_wait3A_119 = tpu.memref_slice %arg7[%dma_wait3A_113, %dma_wait3A_118] : memref<125x80xi32, #tpu.memory_space<vmem>> -> memref<1x80xi32, #tpu.memory_space<vmem>>
      %dma_wait3A_120 = tpu.memref_squeeze %dma_wait3A_119 : memref<1x80xi32, #tpu.memory_space<vmem>> -> memref<80xi32, #tpu.memory_space<vmem>>
      %dma_wait3A_121 = arith.constant 0 : i32
      %dma_wait3A_122 = arith.constant 0 : i32
      %dma_wait3A_123 = tpu.memref_slice %arg10[%dma_wait3A_121, %dma_wait3A_122] : memref<10000x128xf32, #tpu.memory_space<vmem_shared>> -> memref<10000x128xf32, #tpu.memory_space<vmem_shared>>
      tpu.wait_indirect_dma semaphore(%arg14 : memref<!tpu.dma_semaphore, #tpu.memory_space<semaphore_mem>>) src(%dma_wait3A_117 : memref<80x128xf32, #tpu.memory_space<vmem>>) dst(%dma_wait3A_123 : memref<10000x128xf32, #tpu.memory_space<vmem_shared>>)
    } else {
    }
    %eq3A_37 = arith.constant 1 : i32
    %eq3A_38 = arith.cmpi eq, %arg0, %eq3A_37 : i32
    %convert_element_type3A_39 = arith.extui %eq3A_38 : i1 to i32
    %cond3A_40 = arith.constant 0 : i32
    %cond3A_41 = arith.cmpi ne, %convert_element_type3A_39, %cond3A_40 : i32
    scf.if %cond3A_41 {
      %mul3A = arith.constant 10000 : i32
      %mul3A_53 = arith.muli %arg1, %mul3A : i32
      %add3A_54 = arith.constant 0 : i32
      %add3A_55 = arith.addi %mul3A_53, %add3A_54 : i32
      %dma_start3A = arith.constant 0 : i32
      %dma_start3A_56 = arith.constant 0 : i32
      %dma_start3A_57 = arith.constant 0 : i32
      %dma_start3A_58 = tpu.memref_slice %arg8[%dma_start3A, %dma_start3A_56, %dma_start3A_57] : memref<2x80x128xf32, #tpu.memory_space<vmem>> -> memref<1x80x128xf32, #tpu.memory_space<vmem>>
      %dma_start3A_59 = tpu.memref_squeeze %dma_start3A_58 : memref<1x80x128xf32, #tpu.memory_space<vmem>> -> memref<80x128xf32, #tpu.memory_space<vmem>>
      %dma_start3A_60 = arith.constant 0 : i32
      %dma_start3A_61 = tpu.memref_slice %arg3[%add3A_55, %dma_start3A_60] : memref<160000x128xf32, #tpu.memory_space<hbm>> -> memref<80x128xf32, #tpu.memory_space<hbm>>
      %dma_start3A_62 = arith.constant 0 : i32
      %dma_start3A_63 = arith.constant 0 : i32
      %dma_start3A_64 = tpu.memref_slice %arg8[%dma_start3A, %dma_start3A_62, %dma_start3A_63] : memref<2x80x128xf32, #tpu.memory_space<vmem>> -> memref<1x80x128xf32, #tpu.memory_space<vmem>>
      %dma_start3A_65 = tpu.memref_squeeze %dma_start3A_64 : memref<1x80x128xf32, #tpu.memory_space<vmem>> -> memref<80x128xf32, #tpu.memory_space<vmem>>
      %dma_start3A_66 = arith.constant 0 : i32
      %dma_start3A_67 = tpu.memref_slice %arg3[%add3A_55, %dma_start3A_66] : memref<160000x128xf32, #tpu.memory_space<hbm>> -> memref<80x128xf32, #tpu.memory_space<hbm>>
      tpu.enqueue_dma source(%dma_start3A_67 : memref<80x128xf32, #tpu.memory_space<hbm>>) target(%dma_start3A_65 : memref<80x128xf32, #tpu.memory_space<vmem>>) target_semaphore(%arg11 : memref<!tpu.dma_semaphore, #tpu.memory_space<semaphore_mem>>)
      %scan3A_68 = arith.constant 0 : i32
      %scan3A_69 = arith.constant 0 : i32
      %scan3A_70 = arith.constant 62 : i32
      %scan3A_71 = arith.addi %scan3A_69, %scan3A_70 : i32
      %scan3A_72 = arith.constant 1 : i32
      scf.for %scan3A_124 = %scan3A_69 to %scan3A_71 step %scan3A_72  : i32 {
        %mul3A_125 = arith.constant 2 : i32
        %mul3A_126 = arith.muli %mul3A_125, %scan3A_124 : i32
        %gt3A = arith.constant 0 : i32
        %gt3A_127 = arith.cmpi sgt, %scan3A_124, %gt3A : i32
        %convert_element_type3A_128 = arith.extui %gt3A_127 : i1 to i32
        %cond3A_129 = arith.constant 0 : i32
        %cond3A_130 = arith.cmpi ne, %convert_element_type3A_128, %cond3A_129 : i32
        scf.if %cond3A_130 {
          %dma_wait3A_241 = arith.constant 1 : i32
          %dma_wait3A_242 = arith.constant 0 : i32
          %dma_wait3A_243 = arith.constant 0 : i32
          %dma_wait3A_244 = arith.constant 0 : i32
          %dma_wait3A_245 = tpu.memref_slice %arg8[%dma_wait3A_241, %dma_wait3A_243, %dma_wait3A_244] : memref<2x80x128xf32, #tpu.memory_space<vmem>> -> memref<1x80x128xf32, #tpu.memory_space<vmem>>
          %dma_wait3A_246 = tpu.memref_squeeze %dma_wait3A_245 : memref<1x80x128xf32, #tpu.memory_space<vmem>> -> memref<80x128xf32, #tpu.memory_space<vmem>>
          %dma_wait3A_247 = arith.constant 0 : i32
          %dma_wait3A_248 = tpu.memref_slice %arg7[%dma_wait3A_242, %dma_wait3A_247] : memref<125x80xi32, #tpu.memory_space<vmem>> -> memref<1x80xi32, #tpu.memory_space<vmem>>
          %dma_wait3A_249 = tpu.memref_squeeze %dma_wait3A_248 : memref<1x80xi32, #tpu.memory_space<vmem>> -> memref<80xi32, #tpu.memory_space<vmem>>
          %dma_wait3A_250 = arith.constant 0 : i32
          %dma_wait3A_251 = arith.constant 0 : i32
          %dma_wait3A_252 = tpu.memref_slice %arg10[%dma_wait3A_250, %dma_wait3A_251] : memref<10000x128xf32, #tpu.memory_space<vmem_shared>> -> memref<10000x128xf32, #tpu.memory_space<vmem_shared>>
          tpu.wait_indirect_dma semaphore(%arg14 : memref<!tpu.dma_semaphore, #tpu.memory_space<semaphore_mem>>) src(%dma_wait3A_246 : memref<80x128xf32, #tpu.memory_space<vmem>>) dst(%dma_wait3A_252 : memref<10000x128xf32, #tpu.memory_space<vmem_shared>>)
        } else {
        }
        %add3A_131 = arith.constant 1 : i32
        %add3A_132 = arith.addi %mul3A_126, %add3A_131 : i32
        %mul3A_133 = arith.constant 10000 : i32
        %mul3A_134 = arith.muli %arg1, %mul3A_133 : i32
        %mul3A_135 = arith.constant 80 : i32
        %mul3A_136 = arith.muli %add3A_132, %mul3A_135 : i32
        %add3A_137 = arith.addi %mul3A_134, %mul3A_136 : i32
        %dma_start3A_138 = arith.constant 1 : i32
        %dma_start3A_139 = arith.constant 0 : i32
        %dma_start3A_140 = arith.constant 0 : i32
        %dma_start3A_141 = tpu.memref_slice %arg8[%dma_start3A_138, %dma_start3A_139, %dma_start3A_140] : memref<2x80x128xf32, #tpu.memory_space<vmem>> -> memref<1x80x128xf32, #tpu.memory_space<vmem>>
        %dma_start3A_142 = tpu.memref_squeeze %dma_start3A_141 : memref<1x80x128xf32, #tpu.memory_space<vmem>> -> memref<80x128xf32, #tpu.memory_space<vmem>>
        %dma_start3A_143 = arith.constant 0 : i32
        %dma_start3A_144 = tpu.memref_slice %arg3[%add3A_137, %dma_start3A_143] : memref<160000x128xf32, #tpu.memory_space<hbm>> -> memref<80x128xf32, #tpu.memory_space<hbm>>
        %dma_start3A_145 = arith.constant 0 : i32
        %dma_start3A_146 = arith.constant 0 : i32
        %dma_start3A_147 = tpu.memref_slice %arg8[%dma_start3A_138, %dma_start3A_145, %dma_start3A_146] : memref<2x80x128xf32, #tpu.memory_space<vmem>> -> memref<1x80x128xf32, #tpu.memory_space<vmem>>
        %dma_start3A_148 = tpu.memref_squeeze %dma_start3A_147 : memref<1x80x128xf32, #tpu.memory_space<vmem>> -> memref<80x128xf32, #tpu.memory_space<vmem>>
        %dma_start3A_149 = arith.constant 0 : i32
        %dma_start3A_150 = tpu.memref_slice %arg3[%add3A_137, %dma_start3A_149] : memref<160000x128xf32, #tpu.memory_space<hbm>> -> memref<80x128xf32, #tpu.memory_space<hbm>>
        tpu.enqueue_dma source(%dma_start3A_150 : memref<80x128xf32, #tpu.memory_space<hbm>>) target(%dma_start3A_148 : memref<80x128xf32, #tpu.memory_space<vmem>>) target_semaphore(%arg12 : memref<!tpu.dma_semaphore, #tpu.memory_space<semaphore_mem>>)
        %mul3A_151 = arith.constant 10000 : i32
        %mul3A_152 = arith.muli %arg1, %mul3A_151 : i32
        %dma_wait3A_153 = arith.constant 0 : i32
        %dma_wait3A_154 = arith.constant 0 : i32
        %dma_wait3A_155 = arith.constant 0 : i32
        %dma_wait3A_156 = tpu.memref_slice %arg8[%dma_wait3A_153, %dma_wait3A_154, %dma_wait3A_155] : memref<2x80x128xf32, #tpu.memory_space<vmem>> -> memref<1x80x128xf32, #tpu.memory_space<vmem>>
        %dma_wait3A_157 = tpu.memref_squeeze %dma_wait3A_156 : memref<1x80x128xf32, #tpu.memory_space<vmem>> -> memref<80x128xf32, #tpu.memory_space<vmem>>
        %dma_wait3A_158 = arith.constant 0 : i32
        %dma_wait3A_159 = tpu.memref_slice %arg3[%mul3A_152, %dma_wait3A_158] : memref<160000x128xf32, #tpu.memory_space<hbm>> -> memref<80x128xf32, #tpu.memory_space<hbm>>
        %dma_wait3A_160 = arith.constant 0 : i32
        %dma_wait3A_161 = arith.constant 0 : i32
        %dma_wait3A_162 = tpu.memref_slice %arg8[%dma_wait3A_153, %dma_wait3A_160, %dma_wait3A_161] : memref<2x80x128xf32, #tpu.memory_space<vmem>> -> memref<1x80x128xf32, #tpu.memory_space<vmem>>
        %dma_wait3A_163 = tpu.memref_squeeze %dma_wait3A_162 : memref<1x80x128xf32, #tpu.memory_space<vmem>> -> memref<80x128xf32, #tpu.memory_space<vmem>>
        %dma_wait3A_164 = arith.constant 0 : i32
        %dma_wait3A_165 = tpu.memref_slice %arg3[%mul3A_152, %dma_wait3A_164] : memref<160000x128xf32, #tpu.memory_space<hbm>> -> memref<80x128xf32, #tpu.memory_space<hbm>>
        tpu.wait_dma2 semaphore(%arg11 : memref<!tpu.dma_semaphore, #tpu.memory_space<semaphore_mem>>) src(%dma_wait3A_165 : memref<80x128xf32, #tpu.memory_space<hbm>>) dst(%dma_wait3A_163 : memref<80x128xf32, #tpu.memory_space<vmem>>)
        %add3A_166 = arith.constant 0 : i32
        %add3A_167 = arith.addi %add3A_166, %mul3A_126 : i32
        %dma_start3A_168 = arith.constant 0 : i32
        %dma_start3A_169 = arith.constant 0 : i32
        %dma_start3A_170 = arith.constant 0 : i32
        %dma_start3A_171 = tpu.memref_slice %arg8[%dma_start3A_168, %dma_start3A_169, %dma_start3A_170] : memref<2x80x128xf32, #tpu.memory_space<vmem>> -> memref<1x80x128xf32, #tpu.memory_space<vmem>>
        %dma_start3A_172 = tpu.memref_squeeze %dma_start3A_171 : memref<1x80x128xf32, #tpu.memory_space<vmem>> -> memref<80x128xf32, #tpu.memory_space<vmem>>
        %dma_start3A_173 = arith.constant 0 : i32
        %dma_start3A_174 = tpu.memref_slice %arg7[%add3A_167, %dma_start3A_173] : memref<125x80xi32, #tpu.memory_space<vmem>> -> memref<1x80xi32, #tpu.memory_space<vmem>>
        %dma_start3A_175 = tpu.memref_squeeze %dma_start3A_174 : memref<1x80xi32, #tpu.memory_space<vmem>> -> memref<80xi32, #tpu.memory_space<vmem>>
        %dma_start3A_176 = arith.constant 0 : i32
        %dma_start3A_177 = arith.constant 0 : i32
        %dma_start3A_178 = tpu.memref_slice %arg10[%dma_start3A_176, %dma_start3A_177] : memref<10000x128xf32, #tpu.memory_space<vmem_shared>> -> memref<10000x128xf32, #tpu.memory_space<vmem_shared>>
        tpu.enqueue_indirect_dma source(%dma_start3A_172 : memref<80x128xf32, #tpu.memory_space<vmem>>) target(%dma_start3A_178 : memref<10000x128xf32, #tpu.memory_space<vmem_shared>>) offsets(%dma_start3A_175 : memref<80xi32, #tpu.memory_space<vmem>>) semaphore(%arg13 : memref<!tpu.dma_semaphore, #tpu.memory_space<semaphore_mem>>) {add = true}
        %dma_wait3A_179 = arith.constant 0 : i32
        %dma_wait3A_180 = arith.constant 0 : i32
        %dma_wait3A_181 = arith.constant 0 : i32
        %dma_wait3A_182 = arith.constant 0 : i32
        %dma_wait3A_183 = tpu.memref_slice %arg8[%dma_wait3A_179, %dma_wait3A_181, %dma_wait3A_182] : memref<2x80x128xf32, #tpu.memory_space<vmem>> -> memref<1x80x128xf32, #tpu.memory_space<vmem>>
        %dma_wait3A_184 = tpu.memref_squeeze %dma_wait3A_183 : memref<1x80x128xf32, #tpu.memory_space<vmem>> -> memref<80x128xf32, #tpu.memory_space<vmem>>
        %dma_wait3A_185 = arith.constant 0 : i32
        %dma_wait3A_186 = tpu.memref_slice %arg7[%dma_wait3A_180, %dma_wait3A_185] : memref<125x80xi32, #tpu.memory_space<vmem>> -> memref<1x80xi32, #tpu.memory_space<vmem>>
        %dma_wait3A_187 = tpu.memref_squeeze %dma_wait3A_186 : memref<1x80xi32, #tpu.memory_space<vmem>> -> memref<80xi32, #tpu.memory_space<vmem>>
        %dma_wait3A_188 = arith.constant 0 : i32
        %dma_wait3A_189 = arith.constant 0 : i32
        %dma_wait3A_190 = tpu.memref_slice %arg10[%dma_wait3A_188, %dma_wait3A_189] : memref<10000x128xf32, #tpu.memory_space<vmem_shared>> -> memref<10000x128xf32, #tpu.memory_space<vmem_shared>>
        tpu.wait_indirect_dma semaphore(%arg13 : memref<!tpu.dma_semaphore, #tpu.memory_space<semaphore_mem>>) src(%dma_wait3A_184 : memref<80x128xf32, #tpu.memory_space<vmem>>) dst(%dma_wait3A_190 : memref<10000x128xf32, #tpu.memory_space<vmem_shared>>)
        %add3A_191 = arith.constant 2 : i32
        %add3A_192 = arith.addi %mul3A_126, %add3A_191 : i32
        %mul3A_193 = arith.constant 10000 : i32
        %mul3A_194 = arith.muli %arg1, %mul3A_193 : i32
        %mul3A_195 = arith.constant 80 : i32
        %mul3A_196 = arith.muli %add3A_192, %mul3A_195 : i32
        %add3A_197 = arith.addi %mul3A_194, %mul3A_196 : i32
        %dma_start3A_198 = arith.constant 0 : i32
        %dma_start3A_199 = arith.constant 0 : i32
        %dma_start3A_200 = arith.constant 0 : i32
        %dma_start3A_201 = tpu.memref_slice %arg8[%dma_start3A_198, %dma_start3A_199, %dma_start3A_200] : memref<2x80x128xf32, #tpu.memory_space<vmem>> -> memref<1x80x128xf32, #tpu.memory_space<vmem>>
        %dma_start3A_202 = tpu.memref_squeeze %dma_start3A_201 : memref<1x80x128xf32, #tpu.memory_space<vmem>> -> memref<80x128xf32, #tpu.memory_space<vmem>>
        %dma_start3A_203 = arith.constant 0 : i32
        %dma_start3A_204 = tpu.memref_slice %arg3[%add3A_197, %dma_start3A_203] : memref<160000x128xf32, #tpu.memory_space<hbm>> -> memref<80x128xf32, #tpu.memory_space<hbm>>
        %dma_start3A_205 = arith.constant 0 : i32
        %dma_start3A_206 = arith.constant 0 : i32
        %dma_start3A_207 = tpu.memref_slice %arg8[%dma_start3A_198, %dma_start3A_205, %dma_start3A_206] : memref<2x80x128xf32, #tpu.memory_space<vmem>> -> memref<1x80x128xf32, #tpu.memory_space<vmem>>
        %dma_start3A_208 = tpu.memref_squeeze %dma_start3A_207 : memref<1x80x128xf32, #tpu.memory_space<vmem>> -> memref<80x128xf32, #tpu.memory_space<vmem>>
        %dma_start3A_209 = arith.constant 0 : i32
        %dma_start3A_210 = tpu.memref_slice %arg3[%add3A_197, %dma_start3A_209] : memref<160000x128xf32, #tpu.memory_space<hbm>> -> memref<80x128xf32, #tpu.memory_space<hbm>>
        tpu.enqueue_dma source(%dma_start3A_210 : memref<80x128xf32, #tpu.memory_space<hbm>>) target(%dma_start3A_208 : memref<80x128xf32, #tpu.memory_space<vmem>>) target_semaphore(%arg11 : memref<!tpu.dma_semaphore, #tpu.memory_space<semaphore_mem>>)
        %mul3A_211 = arith.constant 10000 : i32
        %mul3A_212 = arith.muli %arg1, %mul3A_211 : i32
        %dma_wait3A_213 = arith.constant 1 : i32
        %dma_wait3A_214 = arith.constant 0 : i32
        %dma_wait3A_215 = arith.constant 0 : i32
        %dma_wait3A_216 = tpu.memref_slice %arg8[%dma_wait3A_213, %dma_wait3A_214, %dma_wait3A_215] : memref<2x80x128xf32, #tpu.memory_space<vmem>> -> memref<1x80x128xf32, #tpu.memory_space<vmem>>
        %dma_wait3A_217 = tpu.memref_squeeze %dma_wait3A_216 : memref<1x80x128xf32, #tpu.memory_space<vmem>> -> memref<80x128xf32, #tpu.memory_space<vmem>>
        %dma_wait3A_218 = arith.constant 0 : i32
        %dma_wait3A_219 = tpu.memref_slice %arg3[%mul3A_212, %dma_wait3A_218] : memref<160000x128xf32, #tpu.memory_space<hbm>> -> memref<80x128xf32, #tpu.memory_space<hbm>>
        %dma_wait3A_220 = arith.constant 0 : i32
        %dma_wait3A_221 = arith.constant 0 : i32
        %dma_wait3A_222 = tpu.memref_slice %arg8[%dma_wait3A_213, %dma_wait3A_220, %dma_wait3A_221] : memref<2x80x128xf32, #tpu.memory_space<vmem>> -> memref<1x80x128xf32, #tpu.memory_space<vmem>>
        %dma_wait3A_223 = tpu.memref_squeeze %dma_wait3A_222 : memref<1x80x128xf32, #tpu.memory_space<vmem>> -> memref<80x128xf32, #tpu.memory_space<vmem>>
        %dma_wait3A_224 = arith.constant 0 : i32
        %dma_wait3A_225 = tpu.memref_slice %arg3[%mul3A_212, %dma_wait3A_224] : memref<160000x128xf32, #tpu.memory_space<hbm>> -> memref<80x128xf32, #tpu.memory_space<hbm>>
        tpu.wait_dma2 semaphore(%arg12 : memref<!tpu.dma_semaphore, #tpu.memory_space<semaphore_mem>>) src(%dma_wait3A_225 : memref<80x128xf32, #tpu.memory_space<hbm>>) dst(%dma_wait3A_223 : memref<80x128xf32, #tpu.memory_space<vmem>>)
        %add3A_226 = arith.constant 1 : i32
        %add3A_227 = arith.addi %mul3A_126, %add3A_226 : i32
        %add3A_228 = arith.constant 0 : i32
        %add3A_229 = arith.addi %add3A_228, %add3A_227 : i32
        %dma_start3A_230 = arith.constant 1 : i32
        %dma_start3A_231 = arith.constant 0 : i32
        %dma_start3A_232 = arith.constant 0 : i32
        %dma_start3A_233 = tpu.memref_slice %arg8[%dma_start3A_230, %dma_start3A_231, %dma_start3A_232] : memref<2x80x128xf32, #tpu.memory_space<vmem>> -> memref<1x80x128xf32, #tpu.memory_space<vmem>>
        %dma_start3A_234 = tpu.memref_squeeze %dma_start3A_233 : memref<1x80x128xf32, #tpu.memory_space<vmem>> -> memref<80x128xf32, #tpu.memory_space<vmem>>
        %dma_start3A_235 = arith.constant 0 : i32
        %dma_start3A_236 = tpu.memref_slice %arg7[%add3A_229, %dma_start3A_235] : memref<125x80xi32, #tpu.memory_space<vmem>> -> memref<1x80xi32, #tpu.memory_space<vmem>>
        %dma_start3A_237 = tpu.memref_squeeze %dma_start3A_236 : memref<1x80xi32, #tpu.memory_space<vmem>> -> memref<80xi32, #tpu.memory_space<vmem>>
        %dma_start3A_238 = arith.constant 0 : i32
        %dma_start3A_239 = arith.constant 0 : i32
        %dma_start3A_240 = tpu.memref_slice %arg10[%dma_start3A_238, %dma_start3A_239] : memref<10000x128xf32, #tpu.memory_space<vmem_shared>> -> memref<10000x128xf32, #tpu.memory_space<vmem_shared>>
        tpu.enqueue_indirect_dma source(%dma_start3A_234 : memref<80x128xf32, #tpu.memory_space<vmem>>) target(%dma_start3A_240 : memref<10000x128xf32, #tpu.memory_space<vmem_shared>>) offsets(%dma_start3A_237 : memref<80xi32, #tpu.memory_space<vmem>>) semaphore(%arg14 : memref<!tpu.dma_semaphore, #tpu.memory_space<semaphore_mem>>) {add = true}
      }
      %scan3A_73 = arith.constant 62 : i32
      %mul3A_74 = arith.constant 10000 : i32
      %mul3A_75 = arith.muli %arg1, %mul3A_74 : i32
      %dma_wait3A = arith.constant 0 : i32
      %dma_wait3A_76 = arith.constant 0 : i32
      %dma_wait3A_77 = arith.constant 0 : i32
      %dma_wait3A_78 = tpu.memref_slice %arg8[%dma_wait3A, %dma_wait3A_76, %dma_wait3A_77] : memref<2x80x128xf32, #tpu.memory_space<vmem>> -> memref<1x80x128xf32, #tpu.memory_space<vmem>>
      %dma_wait3A_79 = tpu.memref_squeeze %dma_wait3A_78 : memref<1x80x128xf32, #tpu.memory_space<vmem>> -> memref<80x128xf32, #tpu.memory_space<vmem>>
      %dma_wait3A_80 = arith.constant 0 : i32
      %dma_wait3A_81 = tpu.memref_slice %arg3[%mul3A_75, %dma_wait3A_80] : memref<160000x128xf32, #tpu.memory_space<hbm>> -> memref<80x128xf32, #tpu.memory_space<hbm>>
      %dma_wait3A_82 = arith.constant 0 : i32
      %dma_wait3A_83 = arith.constant 0 : i32
      %dma_wait3A_84 = tpu.memref_slice %arg8[%dma_wait3A, %dma_wait3A_82, %dma_wait3A_83] : memref<2x80x128xf32, #tpu.memory_space<vmem>> -> memref<1x80x128xf32, #tpu.memory_space<vmem>>
      %dma_wait3A_85 = tpu.memref_squeeze %dma_wait3A_84 : memref<1x80x128xf32, #tpu.memory_space<vmem>> -> memref<80x128xf32, #tpu.memory_space<vmem>>
      %dma_wait3A_86 = arith.constant 0 : i32
      %dma_wait3A_87 = tpu.memref_slice %arg3[%mul3A_75, %dma_wait3A_86] : memref<160000x128xf32, #tpu.memory_space<hbm>> -> memref<80x128xf32, #tpu.memory_space<hbm>>
      tpu.wait_dma2 semaphore(%arg11 : memref<!tpu.dma_semaphore, #tpu.memory_space<semaphore_mem>>) src(%dma_wait3A_87 : memref<80x128xf32, #tpu.memory_space<hbm>>) dst(%dma_wait3A_85 : memref<80x128xf32, #tpu.memory_space<vmem>>)
      %dma_start3A_88 = arith.constant 0 : i32
      %dma_start3A_89 = arith.constant 124 : i32
      %dma_start3A_90 = arith.constant 0 : i32
      %dma_start3A_91 = arith.constant 0 : i32
      %dma_start3A_92 = tpu.memref_slice %arg8[%dma_start3A_88, %dma_start3A_90, %dma_start3A_91] : memref<2x80x128xf32, #tpu.memory_space<vmem>> -> memref<1x80x128xf32, #tpu.memory_space<vmem>>
      %dma_start3A_93 = tpu.memref_squeeze %dma_start3A_92 : memref<1x80x128xf32, #tpu.memory_space<vmem>> -> memref<80x128xf32, #tpu.memory_space<vmem>>
      %dma_start3A_94 = arith.constant 0 : i32
      %dma_start3A_95 = tpu.memref_slice %arg7[%dma_start3A_89, %dma_start3A_94] : memref<125x80xi32, #tpu.memory_space<vmem>> -> memref<1x80xi32, #tpu.memory_space<vmem>>
      %dma_start3A_96 = tpu.memref_squeeze %dma_start3A_95 : memref<1x80xi32, #tpu.memory_space<vmem>> -> memref<80xi32, #tpu.memory_space<vmem>>
      %dma_start3A_97 = arith.constant 0 : i32
      %dma_start3A_98 = arith.constant 0 : i32
      %dma_start3A_99 = tpu.memref_slice %arg10[%dma_start3A_97, %dma_start3A_98] : memref<10000x128xf32, #tpu.memory_space<vmem_shared>> -> memref<10000x128xf32, #tpu.memory_space<vmem_shared>>
      tpu.enqueue_indirect_dma source(%dma_start3A_93 : memref<80x128xf32, #tpu.memory_space<vmem>>) target(%dma_start3A_99 : memref<10000x128xf32, #tpu.memory_space<vmem_shared>>) offsets(%dma_start3A_96 : memref<80xi32, #tpu.memory_space<vmem>>) semaphore(%arg13 : memref<!tpu.dma_semaphore, #tpu.memory_space<semaphore_mem>>) {add = true}
      %dma_wait3A_100 = arith.constant 0 : i32
      %dma_wait3A_101 = arith.constant 0 : i32
      %dma_wait3A_102 = arith.constant 0 : i32
      %dma_wait3A_103 = arith.constant 0 : i32
      %dma_wait3A_104 = tpu.memref_slice %arg8[%dma_wait3A_100, %dma_wait3A_102, %dma_wait3A_103] : memref<2x80x128xf32, #tpu.memory_space<vmem>> -> memref<1x80x128xf32, #tpu.memory_space<vmem>>
      %dma_wait3A_105 = tpu.memref_squeeze %dma_wait3A_104 : memref<1x80x128xf32, #tpu.memory_space<vmem>> -> memref<80x128xf32, #tpu.memory_space<vmem>>
      %dma_wait3A_106 = arith.constant 0 : i32
      %dma_wait3A_107 = tpu.memref_slice %arg7[%dma_wait3A_101, %dma_wait3A_106] : memref<125x80xi32, #tpu.memory_space<vmem>> -> memref<1x80xi32, #tpu.memory_space<vmem>>
      %dma_wait3A_108 = tpu.memref_squeeze %dma_wait3A_107 : memref<1x80xi32, #tpu.memory_space<vmem>> -> memref<80xi32, #tpu.memory_space<vmem>>
      %dma_wait3A_109 = arith.constant 0 : i32
      %dma_wait3A_110 = arith.constant 0 : i32
      %dma_wait3A_111 = tpu.memref_slice %arg10[%dma_wait3A_109, %dma_wait3A_110] : memref<10000x128xf32, #tpu.memory_space<vmem_shared>> -> memref<10000x128xf32, #tpu.memory_space<vmem_shared>>
      tpu.wait_indirect_dma semaphore(%arg13 : memref<!tpu.dma_semaphore, #tpu.memory_space<semaphore_mem>>) src(%dma_wait3A_105 : memref<80x128xf32, #tpu.memory_space<vmem>>) dst(%dma_wait3A_111 : memref<10000x128xf32, #tpu.memory_space<vmem_shared>>)
      %dma_wait3A_112 = arith.constant 1 : i32
      %dma_wait3A_113 = arith.constant 0 : i32
      %dma_wait3A_114 = arith.constant 0 : i32
      %dma_wait3A_115 = arith.constant 0 : i32
      %dma_wait3A_116 = tpu.memref_slice %arg8[%dma_wait3A_112, %dma_wait3A_114, %dma_wait3A_115] : memref<2x80x128xf32, #tpu.memory_space<vmem>> -> memref<1x80x128xf32, #tpu.memory_space<vmem>>
      %dma_wait3A_117 = tpu.memref_squeeze %dma_wait3A_116 : memref<1x80x128xf32, #tpu.memory_space<vmem>> -> memref<80x128xf32, #tpu.memory_space<vmem>>
      %dma_wait3A_118 = arith.constant 0 : i32
      %dma_wait3A_119 = tpu.memref_slice %arg7[%dma_wait3A_113, %dma_wait3A_118] : memref<125x80xi32, #tpu.memory_space<vmem>> -> memref<1x80xi32, #tpu.memory_space<vmem>>
      %dma_wait3A_120 = tpu.memref_squeeze %dma_wait3A_119 : memref<1x80xi32, #tpu.memory_space<vmem>> -> memref<80xi32, #tpu.memory_space<vmem>>
      %dma_wait3A_121 = arith.constant 0 : i32
      %dma_wait3A_122 = arith.constant 0 : i32
      %dma_wait3A_123 = tpu.memref_slice %arg10[%dma_wait3A_121, %dma_wait3A_122] : memref<10000x128xf32, #tpu.memory_space<vmem_shared>> -> memref<10000x128xf32, #tpu.memory_space<vmem_shared>>
      tpu.wait_indirect_dma semaphore(%arg14 : memref<!tpu.dma_semaphore, #tpu.memory_space<semaphore_mem>>) src(%dma_wait3A_117 : memref<80x128xf32, #tpu.memory_space<vmem>>) dst(%dma_wait3A_123 : memref<10000x128xf32, #tpu.memory_space<vmem_shared>>)
    } else {
    }
    %barrier3A_42 = arith.constant 0 : index
    tpu.barrier barrier_id(%barrier3A_42)
    %eq3A_43 = arith.constant 0 : i32
    %eq3A_44 = arith.cmpi eq, %arg0, %eq3A_43 : i32
    %convert_element_type3A_45 = arith.extui %eq3A_44 : i1 to i32
    %cond3A_46 = arith.constant 0 : i32
    %cond3A_47 = arith.cmpi ne, %convert_element_type3A_45, %cond3A_46 : i32
    scf.if %cond3A_47 {
      %while3A_53 = arith.constant 0 : i32
      %while3A_54 = arith.constant 0 : i32
      %while3A_55 = arith.subi %select_n3A, %while3A_54 : i32
      %while3A_56 = arith.addi %while3A_54, %while3A_55 : i32
      %while3A_57 = arith.constant 1 : i32
      %while3A_58 = arith.divsi %while3A_55, %while3A_57 : i32
      %while3A_59 = arith.muli %while3A_58, %while3A_57 : i32
      %while3A_60 = arith.addi %while3A_54, %while3A_59 : i32
      %while3A_61 = arith.constant 1 : i32
      scf.for %while3A_63 = %while3A_54 to %while3A_60 step %while3A_61  : i32 {
        %mul3A = arith.constant 16 : i32
        %mul3A_64 = arith.muli %while3A_63, %mul3A : i32
        %add3A_65 = arith.addi %arg1, %mul3A_64 : i32
        %mul3A_66 = arith.constant 80 : i32
        %mul3A_67 = arith.muli %add3A_65, %mul3A_66 : i32
        "tpu.region"() ({
          %run_scoped3A_68 = tpu.sem_alloc : memref<!tpu.dma_semaphore, #tpu.memory_space<semaphore_mem>>
          %dma_start3A = arith.constant 0 : i32
          %dma_start3A_69 = tpu.memref_slice %arg5[%mul3A_67, %dma_start3A] : memref<10000x128xf32, #tpu.memory_space<hbm>> -> memref<80x128xf32, #tpu.memory_space<hbm>>
          %dma_start3A_70 = arith.constant 0 : i32
          %dma_start3A_71 = tpu.memref_slice %arg10[%mul3A_67, %dma_start3A_70] : memref<10000x128xf32, #tpu.memory_space<vmem_shared>> -> memref<80x128xf32, #tpu.memory_space<vmem_shared>>
          tpu.enqueue_dma source(%dma_start3A_71 : memref<80x128xf32, #tpu.memory_space<vmem_shared>>) target(%dma_start3A_69 : memref<80x128xf32, #tpu.memory_space<hbm>>) target_semaphore(%run_scoped3A_68 : memref<!tpu.dma_semaphore, #tpu.memory_space<semaphore_mem>>)
          %dma_wait3A = arith.constant 0 : i32
          %dma_wait3A_72 = tpu.memref_slice %arg5[%mul3A_67, %dma_wait3A] : memref<10000x128xf32, #tpu.memory_space<hbm>> -> memref<80x128xf32, #tpu.memory_space<hbm>>
          %dma_wait3A_73 = arith.constant 0 : i32
          %dma_wait3A_74 = tpu.memref_slice %arg10[%mul3A_67, %dma_wait3A_73] : memref<10000x128xf32, #tpu.memory_space<vmem_shared>> -> memref<80x128xf32, #tpu.memory_space<vmem_shared>>
          tpu.wait_dma2 semaphore(%run_scoped3A_68 : memref<!tpu.dma_semaphore, #tpu.memory_space<semaphore_mem>>) src(%dma_wait3A_74 : memref<80x128xf32, #tpu.memory_space<vmem_shared>>) dst(%dma_wait3A_72 : memref<80x128xf32, #tpu.memory_space<hbm>>)
          tpu.yield
        }) : () -> ()
      }
      %while3A_62 = arith.constant 1 : i32
      scf.for %while3A_63 = %while3A_60 to %while3A_56 step %while3A_62  : i32 {
        %mul3A = arith.constant 16 : i32
        %mul3A_64 = arith.muli %while3A_63, %mul3A : i32
        %add3A_65 = arith.addi %arg1, %mul3A_64 : i32
        %mul3A_66 = arith.constant 80 : i32
        %mul3A_67 = arith.muli %add3A_65, %mul3A_66 : i32
        "tpu.region"() ({
          %run_scoped3A_68 = tpu.sem_alloc : memref<!tpu.dma_semaphore, #tpu.memory_space<semaphore_mem>>
          %dma_start3A = arith.constant 0 : i32
          %dma_start3A_69 = tpu.memref_slice %arg5[%mul3A_67, %dma_start3A] : memref<10000x128xf32, #tpu.memory_space<hbm>> -> memref<80x128xf32, #tpu.memory_space<hbm>>
          %dma_start3A_70 = arith.constant 0 : i32
          %dma_start3A_71 = tpu.memref_slice %arg10[%mul3A_67, %dma_start3A_70] : memref<10000x128xf32, #tpu.memory_space<vmem_shared>> -> memref<80x128xf32, #tpu.memory_space<vmem_shared>>
          tpu.enqueue_dma source(%dma_start3A_71 : memref<80x128xf32, #tpu.memory_space<vmem_shared>>) target(%dma_start3A_69 : memref<80x128xf32, #tpu.memory_space<hbm>>) target_semaphore(%run_scoped3A_68 : memref<!tpu.dma_semaphore, #tpu.memory_space<semaphore_mem>>)
          %dma_wait3A = arith.constant 0 : i32
          %dma_wait3A_72 = tpu.memref_slice %arg5[%mul3A_67, %dma_wait3A] : memref<10000x128xf32, #tpu.memory_space<hbm>> -> memref<80x128xf32, #tpu.memory_space<hbm>>
          %dma_wait3A_73 = arith.constant 0 : i32
          %dma_wait3A_74 = tpu.memref_slice %arg10[%mul3A_67, %dma_wait3A_73] : memref<10000x128xf32, #tpu.memory_space<vmem_shared>> -> memref<80x128xf32, #tpu.memory_space<vmem_shared>>
          tpu.wait_dma2 semaphore(%run_scoped3A_68 : memref<!tpu.dma_semaphore, #tpu.memory_space<semaphore_mem>>) src(%dma_wait3A_74 : memref<80x128xf32, #tpu.memory_space<vmem_shared>>) dst(%dma_wait3A_72 : memref<80x128xf32, #tpu.memory_space<hbm>>)
          tpu.yield
        }) : () -> ()
      }
    } else {
    }
    %eq3A_48 = arith.constant 1 : i32
    %eq3A_49 = arith.cmpi eq, %arg0, %eq3A_48 : i32
    %convert_element_type3A_50 = arith.extui %eq3A_49 : i1 to i32
    %cond3A_51 = arith.constant 0 : i32
    %cond3A_52 = arith.cmpi ne, %convert_element_type3A_50, %cond3A_51 : i32
    scf.if %cond3A_52 {
      %while3A_53 = arith.constant 0 : i32
      %while3A_54 = arith.constant 0 : i32
      %while3A_55 = arith.subi %select_n3A, %while3A_54 : i32
      %while3A_56 = arith.addi %while3A_54, %while3A_55 : i32
      %while3A_57 = arith.constant 1 : i32
      %while3A_58 = arith.divsi %while3A_55, %while3A_57 : i32
      %while3A_59 = arith.muli %while3A_58, %while3A_57 : i32
      %while3A_60 = arith.addi %while3A_54, %while3A_59 : i32
      %while3A_61 = arith.constant 1 : i32
      scf.for %while3A_63 = %while3A_54 to %while3A_60 step %while3A_61  : i32 {
        %mul3A = arith.constant 16 : i32
        %mul3A_64 = arith.muli %while3A_63, %mul3A : i32
        %add3A_65 = arith.addi %arg1, %mul3A_64 : i32
        %mul3A_66 = arith.constant 80 : i32
        %mul3A_67 = arith.muli %add3A_65, %mul3A_66 : i32
        "tpu.region"() ({
          %run_scoped3A_68 = tpu.sem_alloc : memref<!tpu.dma_semaphore, #tpu.memory_space<semaphore_mem>>
          %dma_start3A = arith.constant 0 : i32
          %dma_start3A_69 = tpu.memref_slice %arg6[%mul3A_67, %dma_start3A] : memref<10000x128xf32, #tpu.memory_space<hbm>> -> memref<80x128xf32, #tpu.memory_space<hbm>>
          %dma_start3A_70 = arith.constant 0 : i32
          %dma_start3A_71 = tpu.memref_slice %arg10[%mul3A_67, %dma_start3A_70] : memref<10000x128xf32, #tpu.memory_space<vmem_shared>> -> memref<80x128xf32, #tpu.memory_space<vmem_shared>>
          tpu.enqueue_dma source(%dma_start3A_71 : memref<80x128xf32, #tpu.memory_space<vmem_shared>>) target(%dma_start3A_69 : memref<80x128xf32, #tpu.memory_space<hbm>>) target_semaphore(%run_scoped3A_68 : memref<!tpu.dma_semaphore, #tpu.memory_space<semaphore_mem>>)
          %dma_wait3A = arith.constant 0 : i32
          %dma_wait3A_72 = tpu.memref_slice %arg6[%mul3A_67, %dma_wait3A] : memref<10000x128xf32, #tpu.memory_space<hbm>> -> memref<80x128xf32, #tpu.memory_space<hbm>>
          %dma_wait3A_73 = arith.constant 0 : i32
          %dma_wait3A_74 = tpu.memref_slice %arg10[%mul3A_67, %dma_wait3A_73] : memref<10000x128xf32, #tpu.memory_space<vmem_shared>> -> memref<80x128xf32, #tpu.memory_space<vmem_shared>>
          tpu.wait_dma2 semaphore(%run_scoped3A_68 : memref<!tpu.dma_semaphore, #tpu.memory_space<semaphore_mem>>) src(%dma_wait3A_74 : memref<80x128xf32, #tpu.memory_space<vmem_shared>>) dst(%dma_wait3A_72 : memref<80x128xf32, #tpu.memory_space<hbm>>)
          tpu.yield
        }) : () -> ()
      }
      %while3A_62 = arith.constant 1 : i32
      scf.for %while3A_63 = %while3A_60 to %while3A_56 step %while3A_62  : i32 {
        %mul3A = arith.constant 16 : i32
        %mul3A_64 = arith.muli %while3A_63, %mul3A : i32
        %add3A_65 = arith.addi %arg1, %mul3A_64 : i32
        %mul3A_66 = arith.constant 80 : i32
        %mul3A_67 = arith.muli %add3A_65, %mul3A_66 : i32
        "tpu.region"() ({
          %run_scoped3A_68 = tpu.sem_alloc : memref<!tpu.dma_semaphore, #tpu.memory_space<semaphore_mem>>
          %dma_start3A = arith.constant 0 : i32
          %dma_start3A_69 = tpu.memref_slice %arg6[%mul3A_67, %dma_start3A] : memref<10000x128xf32, #tpu.memory_space<hbm>> -> memref<80x128xf32, #tpu.memory_space<hbm>>
          %dma_start3A_70 = arith.constant 0 : i32
          %dma_start3A_71 = tpu.memref_slice %arg10[%mul3A_67, %dma_start3A_70] : memref<10000x128xf32, #tpu.memory_space<vmem_shared>> -> memref<80x128xf32, #tpu.memory_space<vmem_shared>>
          tpu.enqueue_dma source(%dma_start3A_71 : memref<80x128xf32, #tpu.memory_space<vmem_shared>>) target(%dma_start3A_69 : memref<80x128xf32, #tpu.memory_space<hbm>>) target_semaphore(%run_scoped3A_68 : memref<!tpu.dma_semaphore, #tpu.memory_space<semaphore_mem>>)
          %dma_wait3A = arith.constant 0 : i32
          %dma_wait3A_72 = tpu.memref_slice %arg6[%mul3A_67, %dma_wait3A] : memref<10000x128xf32, #tpu.memory_space<hbm>> -> memref<80x128xf32, #tpu.memory_space<hbm>>
          %dma_wait3A_73 = arith.constant 0 : i32
          %dma_wait3A_74 = tpu.memref_slice %arg10[%mul3A_67, %dma_wait3A_73] : memref<10000x128xf32, #tpu.memory_space<vmem_shared>> -> memref<80x128xf32, #tpu.memory_space<vmem_shared>>
          tpu.wait_dma2 semaphore(%run_scoped3A_68 : memref<!tpu.dma_semaphore, #tpu.memory_space<semaphore_mem>>) src(%dma_wait3A_74 : memref<80x128xf32, #tpu.memory_space<vmem_shared>>) dst(%dma_wait3A_72 : memref<80x128xf32, #tpu.memory_space<hbm>>)
          tpu.yield
        }) : () -> ()
      }
    } else {
    }
    return
  }
}

module attributes {stable_mosaic.version = 14 : i64} {
  func.func @_packx_body(%arg0: i32, %arg1: memref<2000x256xf32, #tpu.memory_space<vmem>>, %arg2: memref<2000x128xi32, #tpu.memory_space<vmem>>) attributes {dimension_semantics = [#tpu.dimension_semantics<arbitrary>], iteration_bounds = array<i64: 5>, scalar_prefetch = 0 : i64, scratch_operands = 0 : i64, tpu.core_type = #tpu.core_type<tc>, window_params = [{transform_indices = @transform_0, window_bounds = array<i64: 2000, 256>}, {transform_indices = @transform_1, window_bounds = array<i64: 2000, 128>}]} {
    %get3A = arith.constant 0 : index
    %get3A_0 = arith.constant 0 : index
    %get3A_1 = vector.load %arg1[%get3A, %get3A_0] : memref<2000x256xf32, #tpu.memory_space<vmem>>, vector<2000x256xf32>
    %bitcast_convert_type3A = tpu.bitcast %get3A_1 : vector<2000x256xf32> -> vector<2000x256xi32>
    %add3A = arith.constant 32768 : i32
    %add3A_2 = vector.broadcast %add3A : i32 to vector<2000x256xi32>
    %add3A_3 = arith.addi %bitcast_convert_type3A, %add3A_2 : vector<2000x256xi32>
    %slice3A = vector.extract_strided_slice %add3A_3 {offsets = [0, 0], sizes = [2000, 128], strides = [1, 1]} : vector<2000x256xi32> to vector<2000x128xi32>
    %and3A = arith.constant -65536 : i32
    %and3A_4 = vector.broadcast %and3A : i32 to vector<2000x128xi32>
    %and3A_5 = arith.andi %slice3A, %and3A_4 : vector<2000x128xi32>
    %slice3A_6 = vector.extract_strided_slice %add3A_3 {offsets = [0, 128], sizes = [2000, 128], strides = [1, 1]} : vector<2000x256xi32> to vector<2000x128xi32>
    %shift_right_logical3A = arith.constant 16 : i32
    %shift_right_logical3A_7 = vector.broadcast %shift_right_logical3A : i32 to vector<2000x128xi32>
    %shift_right_logical3A_8 = arith.shrui %slice3A_6, %shift_right_logical3A_7 : vector<2000x128xi32>
    %or3A = arith.ori %and3A_5, %shift_right_logical3A_8 : vector<2000x128xi32>
    %bitcast_convert_type3A_9 = tpu.bitcast %or3A : vector<2000x128xi32> -> vector<2000x128xi32>
    %swap3A = arith.constant 0 : index
    %swap3A_10 = arith.constant 0 : index
    %swap3A_11 = vector.load %arg2[%swap3A, %swap3A_10] : memref<2000x128xi32, #tpu.memory_space<vmem>>, vector<2000x128xi32>
    tpu.vector_store %arg2[%swap3A, %swap3A_10], %bitcast_convert_type3A_9 {strides = array<i32>} : memref<2000x128xi32, #tpu.memory_space<vmem>>, vector<2000x128xi32>,
    return
  }
  func.func @transform_0(%arg0: i32) -> (i32, i32) {
    %c0_i32 = arith.constant 0 : i32
    %c0_i32_0 = arith.constant 0 : i32
    return %arg0, %c0_i32 : i32, i32
  }
  func.func @transform_1(%arg0: i32) -> (i32, i32) {
    %c0_i32 = arith.constant 0 : i32
    %c0_i32_0 = arith.constant 0 : i32
    return %arg0, %c0_i32 : i32, i32
  }
}

module attributes {stable_mosaic.version = 14 : i64} {
  func.func @_edge_body(%arg0: i32, %arg1: memref<2000x16xf32, #tpu.memory_space<vmem>>, %arg2: memref<2000x128xi32, #tpu.memory_space<vmem>>, %arg3: memref<2000x128xi32, #tpu.memory_space<vmem>>, %arg4: memref<16x512xf32, #tpu.memory_space<vmem>>, %arg5: memref<1x512xf32, #tpu.memory_space<vmem>>, %arg6: memref<256x512xbf16, #tpu.memory_space<vmem>>, %arg7: memref<256x512xbf16, #tpu.memory_space<vmem>>, %arg8: memref<512x256xbf16, #tpu.memory_space<vmem>>, %arg9: memref<1x256xf32, #tpu.memory_space<vmem>>, %arg10: memref<2000x128xf32, #tpu.memory_space<vmem>>, %arg11: memref<2000x128xf32, #tpu.memory_space<vmem>>) attributes {dimension_semantics = [#tpu.dimension_semantics<arbitrary>], iteration_bounds = array<i64: 80>, scalar_prefetch = 0 : i64, scratch_operands = 0 : i64, tpu.core_type = #tpu.core_type<tc>, window_params = [{transform_indices = @transform_0, window_bounds = array<i64: 2000, 16>}, {transform_indices = @transform_1, window_bounds = array<i64: 2000, 128>}, {transform_indices = @transform_2, window_bounds = array<i64: 2000, 128>}, {pipeline_mode = #tpu.pipeline_mode<synchronous>, transform_indices = @transform_3, window_bounds = array<i64: 16, 512>}, {pipeline_mode = #tpu.pipeline_mode<synchronous>, transform_indices = @transform_4, window_bounds = array<i64: 1, 512>}, {pipeline_mode = #tpu.pipeline_mode<synchronous>, transform_indices = @transform_5, window_bounds = array<i64: 256, 512>}, {pipeline_mode = #tpu.pipeline_mode<synchronous>, transform_indices = @transform_6, window_bounds = array<i64: 256, 512>}, {pipeline_mode = #tpu.pipeline_mode<synchronous>, transform_indices = @transform_7, window_bounds = array<i64: 512, 256>}, {pipeline_mode = #tpu.pipeline_mode<synchronous>, transform_indices = @transform_8, window_bounds = array<i64: 1, 256>}, {transform_indices = @transform_9, window_bounds = array<i64: 2000, 128>}, {transform_indices = @transform_10, window_bounds = array<i64: 2000, 128>}]} {
    %get3A = arith.constant 0 : index
    %get3A_0 = arith.constant 0 : index
    %get3A_1 = vector.load %arg1[%get3A, %get3A_0] : memref<2000x16xf32, #tpu.memory_space<vmem>>, vector<2000x16xf32>
    %get3A_2 = arith.constant 0 : index
    %get3A_3 = arith.constant 0 : index
    %get3A_4 = vector.load %arg4[%get3A_2, %get3A_3] : memref<16x512xf32, #tpu.memory_space<vmem>>, vector<16x512xf32>
    %dot_general3A = arith.constant dense<0.000000e+00> : vector<2000x512xf32>
    %dot_general3A_5 = tpu.matmul %get3A_1, %get3A_4, %dot_general3A {dimension_numbers = #tpu.dot_dimension_numbers<[1], [0], [0], [1], [0, 0, 1, 1], [], []>, transpose_lhs_hint = false} : vector<2000x16xf32>, vector<16x512xf32>, vector<2000x512xf32> -> vector<2000x512xf32>
    %get3A_6 = arith.constant 0 : index
    %get3A_7 = arith.constant 0 : index
    %get3A_8 = vector.load %arg5[%get3A_6, %get3A_7] : memref<1x512xf32, #tpu.memory_space<vmem>>, vector<1x512xf32>
    %add3A = vector.broadcast %get3A_8 : vector<1x512xf32> to vector<2000x512xf32>
    %add3A_9 = arith.addf %dot_general3A_5, %add3A : vector<2000x512xf32>
    %get3A_10 = arith.constant 0 : index
    %get3A_11 = arith.constant 0 : index
    %get3A_12 = vector.load %arg2[%get3A_10, %get3A_11] : memref<2000x128xi32, #tpu.memory_space<vmem>>, vector<2000x128xi32>
    %bitcast_convert_type3A = tpu.bitcast %get3A_12 : vector<2000x128xi32> -> vector<2000x128xi32>
    %and3A = arith.constant -65536 : i32
    %and3A_13 = vector.broadcast %and3A : i32 to vector<2000x128xi32>
    %and3A_14 = arith.andi %bitcast_convert_type3A, %and3A_13 : vector<2000x128xi32>
    %bitcast_convert_type3A_15 = tpu.bitcast %and3A_14 : vector<2000x128xi32> -> vector<2000x128xf32>
    %shift_left3A = arith.constant 16 : i32
    %shift_left3A_16 = vector.broadcast %shift_left3A : i32 to vector<2000x128xi32>
    %shift_left3A_17 = arith.shli %bitcast_convert_type3A, %shift_left3A_16 : vector<2000x128xi32>
    %bitcast_convert_type3A_18 = tpu.bitcast %shift_left3A_17 : vector<2000x128xi32> -> vector<2000x128xf32>
    %convert_element_type3A = arith.truncf %bitcast_convert_type3A_15 : vector<2000x128xf32> to vector<2000x128xbf16>
    %get3A_19 = arith.constant 0 : index
    %get3A_20 = arith.constant 0 : index
    %get3A_21 = vector.load %arg6[%get3A_19, %get3A_20] : memref<256x512xbf16, #tpu.memory_space<vmem>>, vector<128x512xbf16>
    %dot_general3A_22 = arith.constant dense<0.000000e+00> : vector<2000x512xf32>
    %dot_general3A_23 = tpu.matmul %convert_element_type3A, %get3A_21, %dot_general3A_22 {dimension_numbers = #tpu.dot_dimension_numbers<[1], [0], [0], [1], [0, 0, 1, 1], [], []>, transpose_lhs_hint = false} : vector<2000x128xbf16>, vector<128x512xbf16>, vector<2000x512xf32> -> vector<2000x512xf32>
    %add3A_24 = arith.addf %add3A_9, %dot_general3A_23 : vector<2000x512xf32>
    %convert_element_type3A_25 = arith.truncf %bitcast_convert_type3A_18 : vector<2000x128xf32> to vector<2000x128xbf16>
    %get3A_26 = arith.constant 128 : index
    %get3A_27 = arith.constant 0 : index
    %get3A_28 = vector.load %arg6[%get3A_26, %get3A_27] : memref<256x512xbf16, #tpu.memory_space<vmem>>, vector<128x512xbf16>
    %dot_general3A_29 = arith.constant dense<0.000000e+00> : vector<2000x512xf32>
    %dot_general3A_30 = tpu.matmul %convert_element_type3A_25, %get3A_28, %dot_general3A_29 {dimension_numbers = #tpu.dot_dimension_numbers<[1], [0], [0], [1], [0, 0, 1, 1], [], []>, transpose_lhs_hint = false} : vector<2000x128xbf16>, vector<128x512xbf16>, vector<2000x512xf32> -> vector<2000x512xf32>
    %add3A_31 = arith.addf %add3A_24, %dot_general3A_30 : vector<2000x512xf32>
    %get3A_32 = arith.constant 0 : index
    %get3A_33 = arith.constant 0 : index
    %get3A_34 = vector.load %arg3[%get3A_32, %get3A_33] : memref<2000x128xi32, #tpu.memory_space<vmem>>, vector<2000x128xi32>
    %bitcast_convert_type3A_35 = tpu.bitcast %get3A_34 : vector<2000x128xi32> -> vector<2000x128xi32>
    %and3A_36 = arith.constant -65536 : i32
    %and3A_37 = vector.broadcast %and3A_36 : i32 to vector<2000x128xi32>
    %and3A_38 = arith.andi %bitcast_convert_type3A_35, %and3A_37 : vector<2000x128xi32>
    %bitcast_convert_type3A_39 = tpu.bitcast %and3A_38 : vector<2000x128xi32> -> vector<2000x128xf32>
    %shift_left3A_40 = arith.constant 16 : i32
    %shift_left3A_41 = vector.broadcast %shift_left3A_40 : i32 to vector<2000x128xi32>
    %shift_left3A_42 = arith.shli %bitcast_convert_type3A_35, %shift_left3A_41 : vector<2000x128xi32>
    %bitcast_convert_type3A_43 = tpu.bitcast %shift_left3A_42 : vector<2000x128xi32> -> vector<2000x128xf32>
    %convert_element_type3A_44 = arith.truncf %bitcast_convert_type3A_39 : vector<2000x128xf32> to vector<2000x128xbf16>
    %get3A_45 = arith.constant 0 : index
    %get3A_46 = arith.constant 0 : index
    %get3A_47 = vector.load %arg7[%get3A_45, %get3A_46] : memref<256x512xbf16, #tpu.memory_space<vmem>>, vector<128x512xbf16>
    %dot_general3A_48 = arith.constant dense<0.000000e+00> : vector<2000x512xf32>
    %dot_general3A_49 = tpu.matmul %convert_element_type3A_44, %get3A_47, %dot_general3A_48 {dimension_numbers = #tpu.dot_dimension_numbers<[1], [0], [0], [1], [0, 0, 1, 1], [], []>, transpose_lhs_hint = false} : vector<2000x128xbf16>, vector<128x512xbf16>, vector<2000x512xf32> -> vector<2000x512xf32>
    %add3A_50 = arith.addf %add3A_31, %dot_general3A_49 : vector<2000x512xf32>
    %convert_element_type3A_51 = arith.truncf %bitcast_convert_type3A_43 : vector<2000x128xf32> to vector<2000x128xbf16>
    %get3A_52 = arith.constant 128 : index
    %get3A_53 = arith.constant 0 : index
    %get3A_54 = vector.load %arg7[%get3A_52, %get3A_53] : memref<256x512xbf16, #tpu.memory_space<vmem>>, vector<128x512xbf16>
    %dot_general3A_55 = arith.constant dense<0.000000e+00> : vector<2000x512xf32>
    %dot_general3A_56 = tpu.matmul %convert_element_type3A_51, %get3A_54, %dot_general3A_55 {dimension_numbers = #tpu.dot_dimension_numbers<[1], [0], [0], [1], [0, 0, 1, 1], [], []>, transpose_lhs_hint = false} : vector<2000x128xbf16>, vector<128x512xbf16>, vector<2000x512xf32> -> vector<2000x512xf32>
    %add3A_57 = arith.addf %add3A_50, %dot_general3A_56 : vector<2000x512xf32>
    %tanh3A = math.tanh %add3A_57 : vector<2000x512xf32>
    %convert_element_type3A_58 = arith.truncf %tanh3A : vector<2000x512xf32> to vector<2000x512xbf16>
    %get3A_59 = arith.constant 0 : index
    %get3A_60 = arith.constant 0 : index
    %get3A_61 = vector.load %arg8[%get3A_59, %get3A_60] : memref<512x256xbf16, #tpu.memory_space<vmem>>, vector<512x256xbf16>
    %dot_general3A_62 = arith.constant dense<0.000000e+00> : vector<2000x256xf32>
    %dot_general3A_63 = tpu.matmul %convert_element_type3A_58, %get3A_61, %dot_general3A_62 {dimension_numbers = #tpu.dot_dimension_numbers<[1], [0], [0], [1], [0, 0, 1, 1], [], []>, transpose_lhs_hint = false} : vector<2000x512xbf16>, vector<512x256xbf16>, vector<2000x256xf32> -> vector<2000x256xf32>
    %get3A_64 = arith.constant 0 : index
    %get3A_65 = arith.constant 0 : index
    %get3A_66 = vector.load %arg9[%get3A_64, %get3A_65] : memref<1x256xf32, #tpu.memory_space<vmem>>, vector<1x256xf32>
    %add3A_67 = vector.broadcast %get3A_66 : vector<1x256xf32> to vector<2000x256xf32>
    %add3A_68 = arith.addf %dot_general3A_63, %add3A_67 : vector<2000x256xf32>
    %tanh3A_69 = math.tanh %add3A_68 : vector<2000x256xf32>
    %slice3A = vector.extract_strided_slice %tanh3A_69 {offsets = [0, 0], sizes = [2000, 128], strides = [1, 1]} : vector<2000x256xf32> to vector<2000x128xf32>
    %swap3A = arith.constant 0 : index
    %swap3A_70 = arith.constant 0 : index
    %swap3A_71 = vector.load %arg10[%swap3A, %swap3A_70] : memref<2000x128xf32, #tpu.memory_space<vmem>>, vector<2000x128xf32>
    tpu.vector_store %arg10[%swap3A, %swap3A_70], %slice3A {strides = array<i32>} : memref<2000x128xf32, #tpu.memory_space<vmem>>, vector<2000x128xf32>,
    %slice3A_72 = vector.extract_strided_slice %tanh3A_69 {offsets = [0, 128], sizes = [2000, 128], strides = [1, 1]} : vector<2000x256xf32> to vector<2000x128xf32>
    %swap3A_73 = arith.constant 0 : index
    %swap3A_74 = arith.constant 0 : index
    %swap3A_75 = vector.load %arg11[%swap3A_73, %swap3A_74] : memref<2000x128xf32, #tpu.memory_space<vmem>>, vector<2000x128xf32>
    tpu.vector_store %arg11[%swap3A_73, %swap3A_74], %slice3A_72 {strides = array<i32>} : memref<2000x128xf32, #tpu.memory_space<vmem>>, vector<2000x128xf32>,
    return
  }
  func.func @transform_0(%arg0: i32) -> (i32, i32) {
    %c0_i32 = arith.constant 0 : i32
    %c0_i32_0 = arith.constant 0 : i32
    return %arg0, %c0_i32 : i32, i32
  }
  func.func @transform_1(%arg0: i32) -> (i32, i32) {
    %c0_i32 = arith.constant 0 : i32
    %c0_i32_0 = arith.constant 0 : i32
    return %arg0, %c0_i32 : i32, i32
  }
  func.func @transform_2(%arg0: i32) -> (i32, i32) {
    %c0_i32 = arith.constant 0 : i32
    %c0_i32_0 = arith.constant 0 : i32
    return %arg0, %c0_i32 : i32, i32
  }
  func.func @transform_3(%arg0: i32) -> (i32, i32) {
    %c0_i32 = arith.constant 0 : i32
    %c0_i32_0 = arith.constant 0 : i32
    %c0_i32_1 = arith.constant 0 : i32
    return %c0_i32, %c0_i32_0 : i32, i32
  }
  func.func @transform_4(%arg0: i32) -> (i32, i32) {
    %c0_i32 = arith.constant 0 : i32
    %c0_i32_0 = arith.constant 0 : i32
    %c0_i32_1 = arith.constant 0 : i32
    return %c0_i32, %c0_i32_0 : i32, i32
  }
  func.func @transform_5(%arg0: i32) -> (i32, i32) {
    %c0_i32 = arith.constant 0 : i32
    %c0_i32_0 = arith.constant 0 : i32
    %c0_i32_1 = arith.constant 0 : i32
    return %c0_i32, %c0_i32_0 : i32, i32
  }
  func.func @transform_6(%arg0: i32) -> (i32, i32) {
    %c0_i32 = arith.constant 0 : i32
    %c0_i32_0 = arith.constant 0 : i32
    %c0_i32_1 = arith.constant 0 : i32
    return %c0_i32, %c0_i32_0 : i32, i32
  }
  func.func @transform_7(%arg0: i32) -> (i32, i32) {
    %c0_i32 = arith.constant 0 : i32
    %c0_i32_0 = arith.constant 0 : i32
    %c0_i32_1 = arith.constant 0 : i32
    return %c0_i32, %c0_i32_0 : i32, i32
  }
  func.func @transform_8(%arg0: i32) -> (i32, i32) {
    %c0_i32 = arith.constant 0 : i32
    %c0_i32_0 = arith.constant 0 : i32
    %c0_i32_1 = arith.constant 0 : i32
    return %c0_i32, %c0_i32_0 : i32, i32
  }
  func.func @transform_9(%arg0: i32) -> (i32, i32) {
    %c0_i32 = arith.constant 0 : i32
    %c0_i32_0 = arith.constant 0 : i32
    return %arg0, %c0_i32 : i32, i32
  }
  func.func @transform_10(%arg0: i32) -> (i32, i32) {
    %c0_i32 = arith.constant 0 : i32
    %c0_i32_0 = arith.constant 0 : i32
    return %arg0, %c0_i32 : i32, i32
  }
}

module attributes {stable_mosaic.version = 14 : i64} {
  func.func @_node_body(%arg0: i32, %arg1: memref<2000x256xf32, #tpu.memory_space<vmem>>, %arg2: memref<2000x128xf32, #tpu.memory_space<vmem>>, %arg3: memref<2000x128xf32, #tpu.memory_space<vmem>>, %arg4: memref<512x512xf32, #tpu.memory_space<vmem>>, %arg5: memref<1x512xf32, #tpu.memory_space<vmem>>, %arg6: memref<512x256xf32, #tpu.memory_space<vmem>>, %arg7: memref<1x256xf32, #tpu.memory_space<vmem>>, %arg8: memref<2000x256xf32, #tpu.memory_space<vmem>>) attributes {dimension_semantics = [#tpu.dimension_semantics<arbitrary>], iteration_bounds = array<i64: 5>, scalar_prefetch = 0 : i64, scratch_operands = 0 : i64, tpu.core_type = #tpu.core_type<tc>, window_params = [{transform_indices = @transform_0, window_bounds = array<i64: 2000, 256>}, {transform_indices = @transform_1, window_bounds = array<i64: 2000, 128>}, {transform_indices = @transform_2, window_bounds = array<i64: 2000, 128>}, {pipeline_mode = #tpu.pipeline_mode<synchronous>, transform_indices = @transform_3, window_bounds = array<i64: 512, 512>}, {pipeline_mode = #tpu.pipeline_mode<synchronous>, transform_indices = @transform_4, window_bounds = array<i64: 1, 512>}, {pipeline_mode = #tpu.pipeline_mode<synchronous>, transform_indices = @transform_5, window_bounds = array<i64: 512, 256>}, {pipeline_mode = #tpu.pipeline_mode<synchronous>, transform_indices = @transform_6, window_bounds = array<i64: 1, 256>}, {transform_indices = @transform_7, window_bounds = array<i64: 2000, 256>}]} {
    %get3A = arith.constant 0 : index
    %get3A_0 = arith.constant 0 : index
    %get3A_1 = vector.load %arg1[%get3A, %get3A_0] : memref<2000x256xf32, #tpu.memory_space<vmem>>, vector<2000x256xf32>
    %get3A_2 = arith.constant 0 : index
    %get3A_3 = arith.constant 0 : index
    %get3A_4 = vector.load %arg2[%get3A_2, %get3A_3] : memref<2000x128xf32, #tpu.memory_space<vmem>>, vector<2000x128xf32>
    %get3A_5 = arith.constant 0 : index
    %get3A_6 = arith.constant 0 : index
    %get3A_7 = vector.load %arg3[%get3A_5, %get3A_6] : memref<2000x128xf32, #tpu.memory_space<vmem>>, vector<2000x128xf32>
    %concatenate3A = tpu.concatenate %get3A_1, %get3A_4, %get3A_7 in 1 : vector<2000x256xf32>, vector<2000x128xf32>, vector<2000x128xf32> -> vector<2000x512xf32>
    %get3A_8 = arith.constant 0 : index
    %get3A_9 = arith.constant 0 : index
    %get3A_10 = vector.load %arg4[%get3A_8, %get3A_9] : memref<512x512xf32, #tpu.memory_space<vmem>>, vector<512x512xf32>
    %dot_general3A = arith.constant dense<0.000000e+00> : vector<2000x512xf32>
    %dot_general3A_11 = tpu.matmul %concatenate3A, %get3A_10, %dot_general3A {dimension_numbers = #tpu.dot_dimension_numbers<[1], [0], [0], [1], [0, 0, 1, 1], [], []>, transpose_lhs_hint = false} : vector<2000x512xf32>, vector<512x512xf32>, vector<2000x512xf32> -> vector<2000x512xf32>
    %get3A_12 = arith.constant 0 : index
    %get3A_13 = arith.constant 0 : index
    %get3A_14 = vector.load %arg5[%get3A_12, %get3A_13] : memref<1x512xf32, #tpu.memory_space<vmem>>, vector<1x512xf32>
    %add3A = vector.broadcast %get3A_14 : vector<1x512xf32> to vector<2000x512xf32>
    %add3A_15 = arith.addf %dot_general3A_11, %add3A : vector<2000x512xf32>
    %tanh3A = math.tanh %add3A_15 : vector<2000x512xf32>
    %get3A_16 = arith.constant 0 : index
    %get3A_17 = arith.constant 0 : index
    %get3A_18 = vector.load %arg6[%get3A_16, %get3A_17] : memref<512x256xf32, #tpu.memory_space<vmem>>, vector<512x256xf32>
    %dot_general3A_19 = arith.constant dense<0.000000e+00> : vector<2000x256xf32>
    %dot_general3A_20 = tpu.matmul %tanh3A, %get3A_18, %dot_general3A_19 {dimension_numbers = #tpu.dot_dimension_numbers<[1], [0], [0], [1], [0, 0, 1, 1], [], []>, transpose_lhs_hint = false} : vector<2000x512xf32>, vector<512x256xf32>, vector<2000x256xf32> -> vector<2000x256xf32>
    %get3A_21 = arith.constant 0 : index
    %get3A_22 = arith.constant 0 : index
    %get3A_23 = vector.load %arg7[%get3A_21, %get3A_22] : memref<1x256xf32, #tpu.memory_space<vmem>>, vector<1x256xf32>
    %add3A_24 = vector.broadcast %get3A_23 : vector<1x256xf32> to vector<2000x256xf32>
    %add3A_25 = arith.addf %dot_general3A_20, %add3A_24 : vector<2000x256xf32>
    %tanh3A_26 = math.tanh %add3A_25 : vector<2000x256xf32>
    %swap3A = arith.constant 0 : index
    %swap3A_27 = arith.constant 0 : index
    %swap3A_28 = vector.load %arg8[%swap3A, %swap3A_27] : memref<2000x256xf32, #tpu.memory_space<vmem>>, vector<2000x256xf32>
    tpu.vector_store %arg8[%swap3A, %swap3A_27], %tanh3A_26 {strides = array<i32>} : memref<2000x256xf32, #tpu.memory_space<vmem>>, vector<2000x256xf32>,
    return
  }
  func.func @transform_0(%arg0: i32) -> (i32, i32) {
    %c0_i32 = arith.constant 0 : i32
    %c0_i32_0 = arith.constant 0 : i32
    return %arg0, %c0_i32 : i32, i32
  }
  func.func @transform_1(%arg0: i32) -> (i32, i32) {
    %c0_i32 = arith.constant 0 : i32
    %c0_i32_0 = arith.constant 0 : i32
    return %arg0, %c0_i32 : i32, i32
  }
  func.func @transform_2(%arg0: i32) -> (i32, i32) {
    %c0_i32 = arith.constant 0 : i32
    %c0_i32_0 = arith.constant 0 : i32
    return %arg0, %c0_i32 : i32, i32
  }
  func.func @transform_3(%arg0: i32) -> (i32, i32) {
    %c0_i32 = arith.constant 0 : i32
    %c0_i32_0 = arith.constant 0 : i32
    %c0_i32_1 = arith.constant 0 : i32
    return %c0_i32, %c0_i32_0 : i32, i32
  }
  func.func @transform_4(%arg0: i32) -> (i32, i32) {
    %c0_i32 = arith.constant 0 : i32
    %c0_i32_0 = arith.constant 0 : i32
    %c0_i32_1 = arith.constant 0 : i32
    return %c0_i32, %c0_i32_0 : i32, i32
  }
  func.func @transform_5(%arg0: i32) -> (i32, i32) {
    %c0_i32 = arith.constant 0 : i32
    %c0_i32_0 = arith.constant 0 : i32
    %c0_i32_1 = arith.constant 0 : i32
    return %c0_i32, %c0_i32_0 : i32, i32
  }
  func.func @transform_6(%arg0: i32) -> (i32, i32) {
    %c0_i32 = arith.constant 0 : i32
    %c0_i32_0 = arith.constant 0 : i32
    %c0_i32_1 = arith.constant 0 : i32
    return %c0_i32, %c0_i32_0 : i32, i32
  }
  func.func @transform_7(%arg0: i32) -> (i32, i32) {
    %c0_i32 = arith.constant 0 : i32
    %c0_i32_0 = arith.constant 0 : i32
    return %arg0, %c0_i32 : i32, i32
  }
}

</mosaic_0001>

<sc_bundles>
// kernel: kernel.10.cloned.1.call-start
scs
__scs_entry_jumppad:
0x0: {  	(pc) =	sbr.rel $0x88, $3  }
0x1: {  	(tag) =	ssettag $0x0;
	lr =	simm.s32 $0x1  }
0x2: {  	[smem:$0x3F96] =	sst lr;
	_ =	strace $0xD0000000  }
0x3: {  	_ = 	snop  }
0x4: {  	_ = 	snop  }
0x5: {  	_ = 	snop  }
0x6: {  	_ = 	snop  }
0x7: {  	_ = 	snop  }
__scs_overlays_trampoline_lowered:
0x8: {  	[smem:$0x3FA5] =	sst s0  }
0x9: {  	[smem:$0x3FA6] =	sst s1  }
0xa: {  	[smem:$0x3FA7] =	sst s2  }
0xb: {  	[smem:$0x3FA8] =	sst s3  }
0xc: {  	[smem:$0x3FA9] =	sst s4  }
0xd: {  	[smem:$0x3FAA] =	sst s5  }
0xe: {  	[smem:$0x3FAB] =	sst s6  }
0xf: {  	[smem:$0x3FAC] =	sst s7  }
0x10: {  	[smem:$0x3FAD] =	sst s8  }
0x11: {  	[smem:$0x3FAE] =	sst s9;
	s0 =	simm.s32 @!p0 $0x0  }
0x12: {  	s1 =	sld [smem:$0x3F94];
	s0 =	simm.s32 @p0 $0x1  }
0x13: {  	[smem:$0x3FAF] =	sst s0;
	s0 =	simm.s32 @!p1 $0x0  }
0x14: {  	s2 =	sld [smem:$0x3F93];
	s0 =	simm.s32 @p1 $0x1  }
0x15: {  	[smem:$0x3FB0] =	sst s0;
	s0 =	simm.s32 @!p2 $0x0  }
0x16: {  	s3 =	sld [smem:$0x3FDB];
	s0 =	simm.s32 @p2 $0x1  }
0x17: {  	s4 =	simm.s32 $0x1BF5;
	[smem:$0x3FB2] =	sst s0  }
0x18: {  	s0 =	sld [smem:$0x3F95];
	_ =	swait.ge [sflag:s4], $0x0  }
0x19: {  	s7 =	sld [smem:$0x3F96]  }
0x1a: {  	s8 =	sadd.s32 $0xFFFFE003, lr  }
0x1b: {  	s9 =	sadd.s32 $0xFFFFFEF7, lr;
	s5 =	simm.s32 $0xFFFFFFFF;
	p2 =	slt.u32 s8, $0xFFFFF086  }
0x1c: {  	p1 =	slt.u32 s9, $0xF7A;
	s5 =	simm.s32 @!p2 $0x0  }
0x1d: {  	s5 =	simm.s32 @p1 $0x1;
	p0 =	seq.s32 s7, s2  }
0x1e: {  	s7 =	smul.u32 @!p0 $0xF7A, s2;
	p2 =	seq.s32 @!p0 s5, $0x0  }
0x1f: {  	s9 =	smul.u32 $0xF7A, s1;
	s8 =	simm.s32 @!p0 $0x1BF5;
	p2 =	por !p2, p0  }
0x20: {  	[sflag:s8] =	ssyncset.s32 @!p0 $0xFFFFF086;
	s6 =	sadd.s32 @!p0 s3, s7;
	s7 =	simm.s32 @!p0 $0x108  }
0x21: {  	s3 =	sadd.s32 s3, s9;
	s6 =	sadd.s32 @!p0 $0x88, s6;
	s7 =	simm.s32 @p2 $0x1082  }
0x22: {  	[simem:s7], [sflag:s8] =	dma.local @!p0 [hbm:s6], $0xF7A  }
0x23: {  	s9 =	sor.u32 $0xD0000000, s2;
	s6 =	simm.s32 $0x108;
	_ =	swait.ge @!p0 [sflag:s8], $0x0  }
0x24: {  	s3 =	sadd.s32 $0x88, s3;
	s6 =	simm.s32 @!p1 $0x1082;
	[sflag:s4] =	ssyncset.s32 $0xFFFFF086  }
0x25: {  	[simem:s6], [sflag:s4] =	dma.local [hbm:s3], $0xF7A  }
0x26: {  	[smem:$0x3F96] =	sst s1;
	(tag) =	ssettag s2;
	_ =	strace s9  }
0x27: {  	s1 =	sld [smem:$0x3FA6]  }
0x28: {  	s2 =	sld [smem:$0x3FA7]  }
0x29: {  	s4 =	sld [smem:$0x3FA9]  }
0x2a: {  	p0 =	seq.s32 s5, $0x0;
	s5 =	sld [smem:$0x3FAA]  }
0x2b: {  	s6 =	sld [smem:$0x3FAB]  }
0x2c: {  	s7 =	sld [smem:$0x3FAC]  }
0x2d: {  	s3 =	simm.s32 $0x108;
	s8 =	sld [smem:$0x3FAD]  }
0x2e: {  	s3 =	simm.s32 @!p0 $0x1082;
	s9 =	sld [smem:$0x3FAE]  }
0x2f: {  	lr =	sadd.s32 s0, s3;
	s0 =	sld [smem:$0x3FA5]  }
0x30: {  	s3 =	sld [smem:$0x3FA8]  }
0x31: {  	[smem:$0x3FB1] =	sst s10  }
0x32: {  	s10 =	sld [smem:$0x3FAF];
	_ =	sdelay $0x3  }
0x33: {  	p0 =	seq.s32 s10, $0x1;
	s10 =	sld [smem:$0x3FB1];
	_ =	sdelay $0x3  }
0x34: {  	[smem:$0x3FB1] =	sst s10  }
0x35: {  	s10 =	sld [smem:$0x3FB0];
	_ =	sdelay $0x3  }
0x36: {  	p1 =	seq.s32 s10, $0x1;
	s10 =	sld [smem:$0x3FB1];
	_ =	sdelay $0x3  }
0x37: {  	[smem:$0x3FB1] =	sst s10  }
0x38: {  	s10 =	sld [smem:$0x3FB2]  }
0x39: {  	_ = 	snop;
	(pc) =	sbr.ind lr, $3  }
0x3a: {  	_ = 	snop  }
0x3b: {  	_ = 	snop  }
0x3c: {  	p2 =	seq.s32 s10, $0x1;
	s10 =	sld [smem:$0x3FB1]  }
0x3d: {  	_ =	shalt  }
0x3e: {  	_ =	shalt  }
0x3f: {  	_ =	shalt  }
0x40: {  	_ =	shalt  }
0x41: {  	_ =	shalt  }
0x42: {  	_ =	shalt  }
0x43: {  	_ =	shalt  }
0x44: {  	_ =	shalt  }
0x45: {  	_ =	shalt  }
0x46: {  	_ =	shalt  }
0x47: {  	_ =	shalt  }
0x48: {  	_ =	shalt  }
0x49: {  	_ =	shalt  }
0x4a: {  	_ =	shalt  }
0x4b: {  	_ =	shalt  }
0x4c: {  	_ =	shalt  }
0x4d: {  	_ =	shalt  }
0x4e: {  	_ =	shalt  }
0x4f: {  	_ =	shalt  }
0x50: {  	_ =	shalt  }
0x51: {  	_ =	shalt  }
0x52: {  	_ =	shalt  }
0x53: {  	_ =	shalt  }
0x54: {  	_ =	shalt  }
0x55: {  	_ =	shalt  }
0x56: {  	_ =	shalt  }
0x57: {  	_ =	shalt  }
0x58: {  	_ =	shalt  }
0x59: {  	_ =	shalt  }
0x5a: {  	_ =	shalt  }
0x5b: {  	_ =	shalt  }
0x5c: {  	_ =	shalt  }
0x5d: {  	_ =	shalt  }
0x5e: {  	_ =	shalt  }
0x5f: {  	_ =	shalt  }
0x60: {  	_ =	shalt  }
0x61: {  	_ =	shalt  }
0x62: {  	_ =	shalt  }
0x63: {  	_ =	shalt  }
0x64: {  	_ =	shalt  }
0x65: {  	_ =	shalt  }
0x66: {  	_ =	shalt  }
0x67: {  	_ =	shalt  }
0x68: {  	_ =	shalt  }
0x69: {  	_ =	shalt  }
0x6a: {  	_ =	shalt  }
0x6b: {  	_ =	shalt  }
0x6c: {  	_ =	shalt  }
0x6d: {  	_ =	shalt  }
0x6e: {  	_ =	shalt  }
0x6f: {  	_ =	shalt  }
0x70: {  	_ =	shalt  }
0x71: {  	_ =	shalt  }
0x72: {  	_ =	shalt  }
0x73: {  	_ =	shalt  }
0x74: {  	_ =	shalt  }
0x75: {  	_ =	shalt  }
0x76: {  	_ =	shalt  }
0x77: {  	_ =	shalt  }
0x78: {  	_ =	shalt  }
0x79: {  	_ =	shalt  }
0x7a: {  	_ =	shalt  }
0x7b: {  	_ =	shalt  }
0x7c: {  	_ =	shalt  }
0x7d: {  	_ =	shalt  }
0x7e: {  	_ =	shalt  }
0x7f: {  	_ =	shalt  }
0x80: {  	_ =	shalt  }
0x81: {  	_ =	shalt  }
0x82: {  	_ =	shalt  }
0x83: {  	_ =	shalt  }
0x84: {  	_ =	shalt  }
0x85: {  	_ =	shalt  }
0x86: {  	_ =	shalt  }
0x87: {  	_ =	shalt  }
.Lfunc_end0:
.L_simem_size_0:
called_computation.1_lowered:
.L_overlay_start_0:
0x88: {  	s2 =	sld [smem:$0x3FD9]  }
0x89: {  	s3 =	sld [smem:$0x3FFE];
	_ =	sdelay $0x1  }
0x8a: {  	s1 =	srdreg.scid  }
0x8b: {  	s0 =	sand.u32 $0x1, s1  }
0x8c: {  	s17 =	sshll.u32 s0, $0xA;
	s2 =	sadd.s32 s3, s2  }
0x8d: {  	s2 =	sadd.s32 s2, s17  }
0x8e: {  	[smem:$0x3FBD] =	sst s2  }
0x8f: {  	_ = 	snop  }
0x90: {  	s2 =	sld [smem:$0x3FD0];
	(tm) =	ssettm $0x1  }
0x91: {  	s18 =	sld [smem:$0x3FFB];
	_ =	sdelay $0x3  }
0x92: {  	_ =	strace s18  }
0x93: {  	s3 =	sld [smem:$0x3FFC];
	_ =	sdelay $0x3  }
0x94: {  	_ =	strace s3  }
0x95: {  	s3 =	sld [smem:$0x3FFD];
	_ =	sdelay $0x3  }
0x96: {  	_ =	strace s3  }
0x97: {  	_ =	strace $0x8FFFFFFF  }
0x98: {  	s19 =	sld [smem:$0x3FDB];
	_ =	sdelay $0x1  }
0x99: {  	s4 =	simm.s32 $_scs_section_size  }
0x9a: {  	s5 =	simm.s32 $_size__tile_overlayer_lowered;
	s6 =	simm.s32 $_tile_overlayer_lowered  }
0x9b: {  	s22 =	simm.s32 $0x1BFF;
	s21 =	sshll.u32 s6, $0x1;
	s3 =	sadd.s32 s4, s19  }
0x9c: {  	s7 =	simm.s32 $0x0;
	s20 =	sshll.u32 s5, $0x1;
	s5 =	sadd.s32 s21, s3  }
0x9d: {  	[timem:s7], [sflag:s22] =	dma.local [hbm:s5], s20  }
0x9e: {  	_ =	swait.ge [sflag:s22], s20  }
0x9f: {  	s4 =	ssub.s32 $0x0, s20;
	[sflag:s22] =	ssyncset.done $0x0  }
0xa0: {  	[sflag:s22] =	ssyncadd.s32 s4;
	_ =	sdelay $0x1  }
0xa1: {  	s23 =	simm.s32 $0x1B8B  }
0xa2: {  	_ =	swait.ge [sflag:s23], $0x1  }
0xa3: {  	[sflag:s23] =	ssyncset.done $0x0  }
0xa4: {  	s25 =	simm.s32 $0x1B8E;
	s24 =	sld [smem:$0x3FFE];
	[sflag:s23] =	ssyncadd.s32 $0xFFFFFFFF  }
0xa5: {  	s26 =	simm.s32 $execute0_lowered;
	[smem:$0x3FD2] =	sst s25  }
0xa6: {  	s5 =	sshll.u32 s26, $0x1;
	_ =	strace $0x80000049;
	[dreg:$0x1] =	wrdreg $0xFFFFFFFF  }
0xa7: {  	s28 =	simm.s32 $_size_execute0_lowered;
	s3 =	sadd.s32 s3, s5;
	[dreg:$0x0] =	wrdreg $0x0  }
0xa8: {  	s5 =	sshll.u32 s28, $0x1;
	[dreg:$0x2] =	wrdreg s3  }
0xa9: {  	[dreg:$0x3] =	wrdreg s5  }
0xaa: {  	[dreg:$0x4] =	wrdreg $0xC0  }
0xab: {  	_ =	task [dreg:s7], $0x5FFFF  }
0xac: {  	[dreg:$0x1] =	wrdreg $0xFFFFFFFF  }
0xad: {  	[dreg:$0x0] =	wrdreg $0x60  }
0xae: {  	[dreg:$0x2] =	wrdreg s24  }
0xaf: {  	[dreg:$0x3] =	wrdreg s2  }
0xb0: {  	[dreg:$0x4] =	wrdreg $0xB8000  }
0xb1: {  	[dreg:$0x5] =	wrdreg $0x9  }
0xb2: {  	_ =	task.clear_ibuf [dreg:s7], $0x6FFFF;
	_ =	strace $0x90000049  }
0xb3: {  	s29 =	simm.s32 $0x9;
	_ =	strace $0x8000004B  }
0xb4: {  	_ =	swait.ge [sflag:s29], $0x1  }
0xb5: {  	[sflag:s29] =	ssyncadd.s32 $0xFFFFFFFF  }
0xb6: {  	_ =	strace $0x9000004B  }
0xb7: {  	_ =	sfence  }
0xb8: {  	s30 =	sld [smem:$0x0];
	_ =	sdelay $0x2  }
0xb9: {  	s31 =	sshll.u32 s1, $0xD;
	s1 =	sshrl.u32 s1, $0x2  }
0xba: {  	s3 =	sand.u32 $0x4000, s31;
	s1 =	sadd.s32 s1, s30  }
0xbb: {  	s0 =	sor.u32 s3, s0;
	s1 =	sshll.u32 s1, $0x11  }
0xbc: {  	s0 =	sor.u32 s1, s0  }
0xbd: {  	s0 =	sadd.s32 $0x8F2B, s0  }
0xbe: {  	[sflag:s0] =	ssyncadd.remote.s32 $0x1  }
0xbf: {  	_ =	sfence.sel $0xFFFF  }
0xc0: {  	[dreg:$0x0] =	wrdreg $0xFFFFFFFF;
	(pc) =	sbr.abs _section_cstart, $3  }
0xc1: {  	[dreg:$0x1] =	wrdreg $0xFFFFFFFF  }
0xc2: {  	_ =	task.clear_ibuf [dreg:s7], $0x2FFFF;
	_ =	strace $0x9FFFFFFF  }
0xc3: {  	(tm) =	ssettm $0x7FFFFFFF  }
tec
execute0_lowered:
.L_overlay_start_1:
0x0: {  	(tag) =	ssettag $0x1  }
0x1: {  	s0 =	rddreg [dreg:$0x0]  }
0x2: {  	s13 =	rddreg [dreg:$0x1]  }
0x3: {  	s1 =	rddreg [dreg:$0x2]  }
0x4: {  	s3 =	simm.s32 $0x0;
	s2 =	stileid.u32;
	s4 =	srdreg.scid  }
0x5: {  	s19 =	simm.s32 $0x6800;
	s20 =	simm.s32 $0x1;
	s21 =	simm.s32 $0x50  }
0x6: {  	s22 =	simm.s32 $0x3;
	s23 =	simm.s32 $0x2;
	s24 =	simm.s32 $0x80  }
0x7: {  	s25 =	simm.s32 $0x4;
	s28 =	simm.s32 $0x0;
	s12 =	sadd.s32 $0x768400, s0  }
0x8: {  	[smem:$0x7FF] =	sst s3;
	s15 =	smul.u32 $0x500, s2;
	s10 =	sadd.s32 $0x9D9400, s0  }
0x9: {  	s5 =	sshll.u32 s2, $0xB;
	s18 =	sand.u32 $0x1, s4;
	s9 =	smul.u32 $0x27100, s2  }
0xa: {  	s6 =	ssub.s32 $0x8C, s2;
	s11 =	smul.u32 $0xA000, s2;
	_ =	strace $0x8000004A  }
0xb: {  	s5 =	sadd.s32 s5, s0;
	s26 =	ssub.s32 $0x2, s18;
	s4 =	sshrl.u32 s6, $0x4  }
0xc: {  	p0 =	sne.s32 s18, $0x0;
	s18 =	simm.s32 $0x4000;
	s14 =	sadd.s32 s15, s0  }
0xd: {  	s29 =	sshrl.u32 s26, $0x1;
	s5 =	sadd.s32 $0x4EF400, s5;
	s6 =	sadd.s32 s10, s9  }
0xe: {  	s7 =	sadd.s32 s12, s9;
	s30 =	sadd.s32 $0x500, s9;
	s16 =	sadd.s32 $0xA00, s9  }
.Ltmp0:
0xf: {  	s17 =	sshrl.u32 s11, $0x2;
	s15 =	sadd.s32 s15, s13;
	(pc) =	sbr.rel .LBB2_1-.Ltmp0, $4  }
0x10: {  	s0 =	ssub.s32 s26, s29;
	s31 =	sadd.s32 s10, s30;
	s10 =	sadd.s32 s10, s16  }
0x11: {  	s11 =	sadd.s32 s12, s30;
	s12 =	sadd.s32 s12, s16;
	s14 =	sadd.s32 $0x4F7400, s14  }
0x12: {  	s16 =	simm.s32 $0x9000;
	s26 =	simm.s32 $0x3E00;
	s8 =	smax.u32 s0, $0x1  }
0x13: {  	v0 =	vimm.f32 $0.0e+00;
	[dreg:$0x4] =	wrdreg s31;
	s0 =	sadd.s32 s17, s1;
	s17 =	simm.s32 $0x5  }
.LBB2_15:
0x14: {  	[sflag:s17] =	ssyncset.done $0x0  }
0x15: {  	[sflag:s17] =	ssyncadd.s32 $0xFFFFFB00  }
.LBB2_16:
0x16: {  	s28 =	sadd.s32 $0x1, s28  }
0x17: {  	p1 =	sne.s32 s28, s8  }
.Ltmp1:
0x18: {  	_ = 	snop;
	(pc) =	sbr.rel @!p1 .LBB2_17-.Ltmp1, $1  }
0x19: {  	_ =	sdelay $0x3  }
.LBB2_1:
0x1a: {  	s29 =	simm.s32 $0x0;
	s30 =	simm.s32 $0x200  }
.LBB2_2:
0x1b: {  	p1 =	sne.s32 s30, $0x9E00;
	[tilespmem:s29+$0x9070] =	vst v0  }
0x1c: {  	[tilespmem:s29+$0x9000] =	vst v0  }
0x1d: {  	[tilespmem:s29+$0x9010] =	vst v0  }
.Ltmp2:
0x1e: {  	[tilespmem:s29+$0x9020] =	vst v0;
	(pc) =	sbr.rel @p1 .LBB2_2-.Ltmp2, $4  }
0x1f: {  	[tilespmem:s29+$0x9030] =	vst v0  }
0x20: {  	[tilespmem:s29+$0x9040] =	vst v0  }
0x21: {  	[tilespmem:s29+$0x9050] =	vst v0  }
0x22: {  	[tilespmem:s29+$0x9060] =	vst v0;
	s29 =	sshra.s32 s30, $0x2;
	s30 =	sadd.s32 $0x200, s30  }
0x23: {  	[tilespmem:s29+$0x9070] =	vst v0  }
0x24: {  	[tilespmem:s29+$0x9000] =	vst v0  }
0x25: {  	[tilespmem:s29+$0x9010] =	vst v0  }
0x26: {  	[tilespmem:s29+$0x9020] =	vst v0  }
0x27: {  	[tilespmem:s29+$0x9030] =	vst v0  }
0x28: {  	[tilespmem:s29+$0x9040] =	vst v0;
	p1 =	sne.s32 s4, $0x1  }
.Ltmp3:
0x29: {  	[tilespmem:s29+$0x9050] =	vst v0;
	(pc) =	sbr.rel @!p1 .LBB2_5-.Ltmp3, $4  }
0x2a: {  	[tilespmem:s29+$0x9060] =	vst v0  }
0x2b: {  	[spmem:s0] =	stream.linear.scatter [tilespmem:s16], [sflag:$0x5], $0x2800, $0x38;
	[tilespmem:$0x1F080] =	vst v63  }
0x2c: {  	_ =	swait.ge [sflag:s17], $0x2800  }
0x2d: {  	s29 =	sadd.s32 $0xFFFFFFFF, s4;
	s13 =	smov.u32 s0;
	[sflag:s17] =	ssyncset.done $0x0  }
.LBB2_4:
0x2e: {  	p2 =	sne.s32 s29, $0x1;
	[sflag:s17] =	ssyncadd.s32 $0xFFFFD800;
	s13 =	sadd.s32 $0x28000, s13  }
.Ltmp4:
0x2f: {  	s29 =	sadd.s32 $0xFFFFFFFF, s29;
	(pc) =	sbr.rel @p2 .LBB2_4-.Ltmp4, $4  }
0x30: {  	_ = 	snop  }
0x31: {  	[spmem:s13] =	stream.linear.scatter [tilespmem:s16], [sflag:$0x5], $0x2800, $0x38;
	[tilespmem:$0x1F080] =	vst v63  }
0x32: {  	_ =	swait.ge [sflag:s17], $0x2800  }
0x33: {  	[sflag:s17] =	ssyncset.done $0x0  }
.LBB2_5:
0x34: {  	[sflag:s17] =	ssyncadd.s32 $0xFFFFD800  }
0x35: {  	[tilespmem:s3], [sflag:$0x5] =	stream.linear.gather [hbm4b:s5+s3], $0x3E80, $0x38;
	[tilespmem:$0x1F080] =	vst v63  }
.Ltmp5:
0x36: {  	_ =	swait.ge [sflag:s17], $0x3E80;
	(pc) =	sbr.rel @p0 .LBB2_11-.Ltmp5, $3  }
0x37: {  	[sflag:s17] =	ssyncset.done $0x0  }
0x38: {  	[sflag:s17] =	ssyncadd.s32 $0xFFFFC180  }
0x39: {  	[bflag:$0x0] =	sbarrier.arrive $0xFFFF;
	_ =	sdelay $0x1  }
0x3a: {  	[tilespmem:s18], [sflag:$0x1] =	stream.linear.gather [hbm4b:s7+s3], $0x2800, $0x38;
	[tilespmem:$0x1F080] =	vst v63  }
0x3b: {  	_ = 	snop  }
0x3c: {  	[tilespmem:s19], [sflag:$0x2] =	stream.linear.gather [hbm4b:s11+s3], $0x2800, $0x38;
	[tilespmem:$0x1F080] =	vst v63  }
0x3d: {  	_ =	swait.ge [sflag:s20], $0x2800  }
0x3e: {  	[sflag:s20] =	ssyncset.done $0x0  }
0x3f: {  	[sflag:s20] =	ssyncadd.s32 $0xFFFFD800  }
0x40: {  	[spmem:s1] =	stream.indirect.scatter.add.f32 [tilespmem:s18], [sflag:$0x3], $0x80, s3, s21, $0xb8;
	[tilespmem:$0x1F080] =	vst v63  }
0x41: {  	_ =	swait.ge [sflag:s22], $0x2800  }
0x42: {  	[sflag:s22] =	ssyncset.done $0x0  }
0x43: {  	[sflag:s22] =	ssyncadd.s32 $0xFFFFD800  }
0x44: {  	[tilespmem:s18], [sflag:$0x1] =	stream.linear.gather [hbm4b:s12+s3], $0x2800, $0x38;
	[tilespmem:$0x1F080] =	vst v63  }
0x45: {  	_ =	swait.ge [sflag:s23], $0x2800  }
0x46: {  	[sflag:s23] =	ssyncset.done $0x0  }
0x47: {  	[sflag:s23] =	ssyncadd.s32 $0xFFFFD800  }
0x48: {  	[spmem:s1] =	stream.indirect.scatter.add.f32 [tilespmem:s19], [sflag:$0x4], $0x80, s24, s21, $0xb8;
	[tilespmem:$0x1F080] =	vst v63  }
0x49: {  	_ =	swait.ge [sflag:s25], $0x2800  }
0x4a: {  	s13 =	sadd.s32 $0xFFFD9E00, s7;
	[sflag:s25] =	ssyncset.done $0x0  }
0x4b: {  	s29 =	sadd.s32 $0x27100, s13;
	[sflag:s25] =	ssyncadd.s32 $0xFFFFD800  }
0x4c: {  	[tilespmem:s19], [sflag:$0x2] =	stream.linear.gather [hbm4b:s29+s3], $0x2800, $0x38;
	[tilespmem:$0x1F080] =	vst v63  }
0x4d: {  	_ =	swait.ge [sflag:s20], $0x2800  }
0x4e: {  	[sflag:s20] =	ssyncset.done $0x0  }
0x4f: {  	s29 =	simm.s32 $0x100;
	[sflag:s20] =	ssyncadd.s32 $0xFFFFD800  }
0x50: {  	[spmem:s1] =	stream.indirect.scatter.add.f32 [tilespmem:s18], [sflag:$0x3], $0x80, s29, s21, $0xb8;
	[tilespmem:$0x1F080] =	vst v63  }
0x51: {  	_ =	swait.ge [sflag:s22], $0x2800  }
0x52: {  	[sflag:s22] =	ssyncset.done $0x0  }
0x53: {  	s13 =	sadd.s32 $0x27600, s13;
	[sflag:s22] =	ssyncadd.s32 $0xFFFFD800  }
0x54: {  	[tilespmem:s18], [sflag:$0x1] =	stream.linear.gather [hbm4b:s13+s3], $0x2800, $0x38;
	[tilespmem:$0x1F080] =	vst v63  }
0x55: {  	_ =	swait.ge [sflag:s23], $0x2800  }
0x56: {  	s30 =	simm.s32 $0x200;
	[sflag:s23] =	ssyncset.done $0x0  }
0x57: {  	s29 =	simm.s32 $0xFFFDA800;
	s13 =	simm.s32 $0x180;
	[sflag:s23] =	ssyncadd.s32 $0xFFFFD800  }
.LBB2_7:
0x58: {  	[spmem:s1] =	stream.indirect.scatter.add.f32 [tilespmem:s19], [sflag:$0x4], $0x80, s13, s21, $0xb8;
	[tilespmem:$0x1F080] =	vst v63  }
0x59: {  	s13 =	smov.u32 s29  }
0x5a: {  	p1 =	sne.s32 s29, $0xFFFFF600;
	s29 =	sadd.s32 $0xA00, s29;
	_ =	swait.ge [sflag:s25], $0x2800  }
0x5b: {  	s13 =	sadd.s32 s13, s7;
	[sflag:s25] =	ssyncset.done $0x0  }
0x5c: {  	s31 =	sadd.s32 $0x27100, s13;
	[sflag:s25] =	ssyncadd.s32 $0xFFFFD800  }
0x5d: {  	[tilespmem:s19], [sflag:$0x2] =	stream.linear.gather [hbm4b:s31+s3], $0x2800, $0x38;
	[tilespmem:$0x1F080] =	vst v63  }
0x5e: {  	_ =	swait.ge [sflag:s20], $0x2800  }
0x5f: {  	[sflag:s20] =	ssyncset.done $0x0  }
0x60: {  	[sflag:s20] =	ssyncadd.s32 $0xFFFFD800  }
0x61: {  	[spmem:s1] =	stream.indirect.scatter.add.f32 [tilespmem:s18], [sflag:$0x3], $0x80, s30, s21, $0xb8;
	[tilespmem:$0x1F080] =	vst v63  }
0x62: {  	_ =	swait.ge [sflag:s22], $0x2800  }
0x63: {  	[sflag:s22] =	ssyncset.done $0x0  }
.Ltmp6:
0x64: {  	s13 =	sadd.s32 $0x27600, s13;
	[sflag:s22] =	ssyncadd.s32 $0xFFFFD800;
	(pc) =	sbr.rel @p1 .LBB2_7-.Ltmp6, $4  }
0x65: {  	[tilespmem:s18], [sflag:$0x1] =	stream.linear.gather [hbm4b:s13+s3], $0x2800, $0x38;
	[tilespmem:$0x1F080] =	vst v63  }
0x66: {  	_ =	swait.ge [sflag:s23], $0x2800  }
0x67: {  	[sflag:s23] =	ssyncset.done $0x0  }
0x68: {  	s13 =	sadd.s32 $0x80, s30;
	s30 =	sadd.s32 $0x100, s30;
	[sflag:s23] =	ssyncadd.s32 $0xFFFFD800  }
0x69: {  	[spmem:s1] =	stream.indirect.scatter.add.f32 [tilespmem:s19], [sflag:$0x4], $0x80, s13, s21, $0xb8;
	[tilespmem:$0x1F080] =	vst v63  }
0x6a: {  	_ =	swait.ge [sflag:s20], $0x2800  }
0x6b: {  	[sflag:s20] =	ssyncset.done $0x0  }
0x6c: {  	[sflag:s20] =	ssyncadd.s32 $0xFFFFD800  }
0x6d: {  	[spmem:s1] =	stream.indirect.scatter.add.f32 [tilespmem:s18], [sflag:$0x3], $0x80, s26, s21, $0xb8;
	[tilespmem:$0x1F080] =	vst v63  }
0x6e: {  	_ =	swait.ge [sflag:s22], $0x2800  }
0x6f: {  	[sflag:s22] =	ssyncset.done $0x0  }
0x70: {  	[sflag:s22] =	ssyncadd.s32 $0xFFFFD800  }
0x71: {  	p1 =	seq.s32 s4, $0x1;
	_ =	swait.ge [sflag:s25], $0x2800  }
.Ltmp7:
0x72: {  	[sflag:s25] =	ssyncset.done $0x0;
	(pc) =	sbr.rel @p1 .LBB2_10-.Ltmp7, $4  }
0x73: {  	s9 =	sshll.u32 s2, $0x6;
	s30 =	sadd.s32 $0xFFFFFFFF, s4;
	[sflag:s25] =	ssyncadd.s32 $0xFFFFD800  }
0x74: {  	s29 =	sor.u32 $0x1C05, s9;
	s9 =	sshrl.u32 s0, $0x3;
	[bflag:$0x0] =	sbarrier.arrive $0xFFFF  }
0x75: {  	[hbm:s15], [sflag:s29] =	dma.local [spmem:s9], $0x500  }
0x76: {  	s31 =	sadd.s32 $0x5000, s15;
	s13 =	smov.u32 s0;
	_ =	swait.ge [sflag:s17], $0x500  }
.LBB2_9:
0x77: {  	[sflag:s17] =	ssyncset.done $0x0;
	s13 =	sadd.s32 $0x28000, s13;
	p1 =	seq.s32 s30, $0x1  }
.Ltmp8:
0x78: {  	s9 =	sshrl.u32 s13, $0x3;
	[sflag:s17] =	ssyncadd.s32 $0xFFFFFB00;
	(pc) =	sbr.rel @!p1 .LBB2_9-.Ltmp8, $3  }
0x79: {  	[hbm:s31], [sflag:s29] =	dma.local [spmem:s9], $0x500  }
0x7a: {  	s30 =	sadd.s32 $0xFFFFFFFF, s30;
	_ =	sdelay $0x1  }
0x7b: {  	s31 =	sadd.s32 $0x5000, s31;
	_ =	swait.ge [sflag:s17], $0x500  }
.LBB2_10:
.Ltmp9:
0x7c: {  	(pc) =	sbr.rel .LBB2_16-.Ltmp9, $3  }
0x7d: {  	_ =	sdelay $0x1  }
0x7e: {  	[sflag:s17] =	ssyncset.done $0x0  }
0x7f: {  	[sflag:s17] =	ssyncadd.s32 $0xFFFFFB00  }
.LBB2_11:
0x80: {  	[tilespmem:s18], [sflag:$0x1] =	stream.linear.gather [hbm4b:s6+s3], $0x2800, $0x38;
	[tilespmem:$0x1F080] =	vst v63  }
0x81: {  	s9 =	rddreg [dreg:$0x4]  }
0x82: {  	[tilespmem:s19], [sflag:$0x2] =	stream.linear.gather [hbm4b:s9+s3], $0x2800, $0x38;
	[tilespmem:$0x1F080] =	vst v63  }
0x83: {  	_ =	swait.ge [sflag:s20], $0x2800  }
0x84: {  	[sflag:s20] =	ssyncset.done $0x0  }
0x85: {  	[sflag:s20] =	ssyncadd.s32 $0xFFFFD800  }
0x86: {  	[spmem:s1] =	stream.indirect.scatter.add.f32 [tilespmem:s18], [sflag:$0x3], $0x80, s3, s21, $0xb8;
	[tilespmem:$0x1F080] =	vst v63  }
0x87: {  	_ =	swait.ge [sflag:s22], $0x2800  }
0x88: {  	[sflag:s22] =	ssyncset.done $0x0  }
0x89: {  	[sflag:s22] =	ssyncadd.s32 $0xFFFFD800  }
0x8a: {  	[tilespmem:s18], [sflag:$0x1] =	stream.linear.gather [hbm4b:s10+s3], $0x2800, $0x38;
	[tilespmem:$0x1F080] =	vst v63  }
0x8b: {  	_ =	swait.ge [sflag:s23], $0x2800  }
0x8c: {  	[sflag:s23] =	ssyncset.done $0x0  }
0x8d: {  	[sflag:s23] =	ssyncadd.s32 $0xFFFFD800  }
0x8e: {  	[spmem:s1] =	stream.indirect.scatter.add.f32 [tilespmem:s19], [sflag:$0x4], $0x80, s24, s21, $0xb8;
	[tilespmem:$0x1F080] =	vst v63  }
0x8f: {  	_ =	swait.ge [sflag:s25], $0x2800  }
0x90: {  	s13 =	sadd.s32 $0xFFFD9E00, s6;
	[sflag:s25] =	ssyncset.done $0x0  }
0x91: {  	s29 =	sadd.s32 $0x27100, s13;
	[sflag:s25] =	ssyncadd.s32 $0xFFFFD800  }
0x92: {  	[tilespmem:s19], [sflag:$0x2] =	stream.linear.gather [hbm4b:s29+s3], $0x2800, $0x38;
	[tilespmem:$0x1F080] =	vst v63  }
0x93: {  	_ =	swait.ge [sflag:s20], $0x2800  }
0x94: {  	[sflag:s20] =	ssyncset.done $0x0  }
0x95: {  	s29 =	simm.s32 $0x100;
	[sflag:s20] =	ssyncadd.s32 $0xFFFFD800  }
0x96: {  	[spmem:s1] =	stream.indirect.scatter.add.f32 [tilespmem:s18], [sflag:$0x3], $0x80, s29, s21, $0xb8;
	[tilespmem:$0x1F080] =	vst v63  }
0x97: {  	_ =	swait.ge [sflag:s22], $0x2800  }
0x98: {  	[sflag:s22] =	ssyncset.done $0x0  }
0x99: {  	s13 =	sadd.s32 $0x27600, s13;
	[sflag:s22] =	ssyncadd.s32 $0xFFFFD800  }
0x9a: {  	[tilespmem:s18], [sflag:$0x1] =	stream.linear.gather [hbm4b:s13+s3], $0x2800, $0x38;
	[tilespmem:$0x1F080] =	vst v63  }
0x9b: {  	_ =	swait.ge [sflag:s23], $0x2800  }
0x9c: {  	s30 =	simm.s32 $0x200;
	[sflag:s23] =	ssyncset.done $0x0  }
0x9d: {  	s29 =	simm.s32 $0xFFFDA800;
	s13 =	simm.s32 $0x180;
	[sflag:s23] =	ssyncadd.s32 $0xFFFFD800  }
.LBB2_12:
0x9e: {  	[spmem:s1] =	stream.indirect.scatter.add.f32 [tilespmem:s19], [sflag:$0x4], $0x80, s13, s21, $0xb8;
	[tilespmem:$0x1F080] =	vst v63  }
0x9f: {  	s13 =	smov.u32 s29  }
0xa0: {  	p2 =	seq.s32 s29, $0xFFFFF600;
	s29 =	sadd.s32 $0xA00, s29;
	_ =	swait.ge [sflag:s25], $0x2800  }
0xa1: {  	s13 =	sadd.s32 s13, s6;
	[sflag:s25] =	ssyncset.done $0x0  }
0xa2: {  	s31 =	sadd.s32 $0x27100, s13;
	[sflag:s25] =	ssyncadd.s32 $0xFFFFD800  }
0xa3: {  	[tilespmem:s19], [sflag:$0x2] =	stream.linear.gather [hbm4b:s31+s3], $0x2800, $0x38;
	[tilespmem:$0x1F080] =	vst v63  }
0xa4: {  	_ =	swait.ge [sflag:s20], $0x2800  }
0xa5: {  	[sflag:s20] =	ssyncset.done $0x0  }
0xa6: {  	[sflag:s20] =	ssyncadd.s32 $0xFFFFD800  }
0xa7: {  	[spmem:s1] =	stream.indirect.scatter.add.f32 [tilespmem:s18], [sflag:$0x3], $0x80, s30, s21, $0xb8;
	[tilespmem:$0x1F080] =	vst v63  }
0xa8: {  	_ =	swait.ge [sflag:s22], $0x2800  }
0xa9: {  	[sflag:s22] =	ssyncset.done $0x0  }
.Ltmp10:
0xaa: {  	s13 =	sadd.s32 $0x27600, s13;
	[sflag:s22] =	ssyncadd.s32 $0xFFFFD800;
	(pc) =	sbr.rel @!p2 .LBB2_12-.Ltmp10, $4  }
0xab: {  	[tilespmem:s18], [sflag:$0x1] =	stream.linear.gather [hbm4b:s13+s3], $0x2800, $0x38;
	[tilespmem:$0x1F080] =	vst v63  }
0xac: {  	_ =	swait.ge [sflag:s23], $0x2800  }
0xad: {  	[sflag:s23] =	ssyncset.done $0x0  }
0xae: {  	s13 =	sadd.s32 $0x80, s30;
	s30 =	sadd.s32 $0x100, s30;
	[sflag:s23] =	ssyncadd.s32 $0xFFFFD800  }
0xaf: {  	[spmem:s1] =	stream.indirect.scatter.add.f32 [tilespmem:s19], [sflag:$0x4], $0x80, s13, s21, $0xb8;
	[tilespmem:$0x1F080] =	vst v63  }
0xb0: {  	_ =	swait.ge [sflag:s20], $0x2800  }
0xb1: {  	[sflag:s20] =	ssyncset.done $0x0  }
0xb2: {  	[sflag:s20] =	ssyncadd.s32 $0xFFFFD800  }
0xb3: {  	[spmem:s1] =	stream.indirect.scatter.add.f32 [tilespmem:s18], [sflag:$0x3], $0x80, s26, s21, $0xb8;
	[tilespmem:$0x1F080] =	vst v63  }
0xb4: {  	_ =	swait.ge [sflag:s22], $0x2800  }
0xb5: {  	[sflag:s22] =	ssyncset.done $0x0  }
0xb6: {  	[sflag:s22] =	ssyncadd.s32 $0xFFFFD800  }
0xb7: {  	_ =	swait.ge [sflag:s25], $0x2800  }
.Ltmp11:
0xb8: {  	[sflag:s25] =	ssyncset.done $0x0;
	(pc) =	sbr.rel @!p1 .LBB2_15-.Ltmp11, $4  }
0xb9: {  	s9 =	sshll.u32 s2, $0x6;
	s13 =	sshrl.u32 s0, $0x3;
	[sflag:s25] =	ssyncadd.s32 $0xFFFFD800  }
0xba: {  	s30 =	sadd.s32 $0xFFFFFFFF, s4;
	s29 =	sor.u32 $0x1C05, s9;
	[bflag:$0x0] =	sbarrier.arrive $0xFFFF  }
0xbb: {  	[hbm:s14], [sflag:s29] =	dma.local [spmem:s13], $0x500  }
0xbc: {  	s31 =	sadd.s32 $0x5000, s14;
	s13 =	smov.u32 s0;
	_ =	swait.ge [sflag:s17], $0x500  }
.LBB2_14:
0xbd: {  	[sflag:s17] =	ssyncset.done $0x0;
	s13 =	sadd.s32 $0x28000, s13;
	p1 =	sne.s32 s30, $0x1  }
.Ltmp12:
0xbe: {  	s9 =	sshrl.u32 s13, $0x3;
	[sflag:s17] =	ssyncadd.s32 $0xFFFFFB00;
	(pc) =	sbr.rel @p1 .LBB2_14-.Ltmp12, $3  }
0xbf: {  	[hbm:s31], [sflag:s29] =	dma.local [spmem:s9], $0x500  }
0xc0: {  	s30 =	sadd.s32 $0xFFFFFFFF, s30;
	_ =	sdelay $0x1  }
0xc1: {  	s31 =	sadd.s32 $0x5000, s31;
	_ =	swait.ge [sflag:s17], $0x500  }
.Ltmp13:
0xc2: {  	_ = 	snop;
	(pc) =	sbr.rel .LBB2_15-.Ltmp13, $1  }
0xc3: {  	_ =	sdelay $0x3  }
.LBB2_17:
0xc4: {  	_ =	sfence.sel $0x180000  }
0xc5: {  	[bflag:$0x0] =	sbarrier.arrive $0xFFFF  }
0xc6: {  	_ =	strace $0x9000004A  }
0xc7: {  	[bflag:$0x2] =	sbarrier.arrive $0xFFFF  }
0xc8: {  	p0 =	sne.s32 s2, $0x0;
	s0 =	rddreg [dreg:$0x3]  }
0xc9: {  	s0 =	sadd.s32 @!p0 $0x100000, s0  }
0xca: {  	[sflag:s0] =	ssyncadd.tile.s32 @!p0 $0x1;
	_ =	shalt  }
.Lfunc_end2:
_tile_overlayer_lowered:
.L_overlay_start_2:
0xcb: {  	(tag) =	ssettag $0x2  }
0xcc: {  	s0 =	rddreg [dreg:$0x0];
	s2 =	stileid.u32  }
0xcd: {  	s1 =	rddreg [dreg:$0x1];
	p0 =	sne.s32 s2, $0x0  }
0xce: {  	s3 =	rddreg [dreg:$0x2];
	[bflag:$0x3] =	sbarrier.arrive $0xFFFF;
	s2 =	simm.s32 @!p0 $0x1C05  }
0xcf: {  	[timem:s3], [sflag:s2] =	dma.local @!p0 [hbm:s0], s1  }
0xd0: {  	s0 =	simm.s32 @!p0 $0x5  }
0xd1: {  	_ =	swait.ge @!p0 [sflag:s0], s1  }
0xd2: {  	s1 =	ssub.s32 @!p0 $0x0, s1;
	[sflag:s0] =	ssyncset.done @!p0 $0x0  }
0xd3: {  	[sflag:s0] =	ssyncadd.s32 @!p0 s1  }
0xd4: {  	[bflag:$0x3] =	sbarrier.arrive $0xFFFF  }
0xd5: {  	_ =	shalt  }

// kernel: kernel.7.cloned.1.call-start
scs
__scs_entry_jumppad:
0x0: {  	(pc) =	sbr.rel $0x88, $3  }
0x1: {  	(tag) =	ssettag $0x0;
	lr =	simm.s32 $0x1  }
0x2: {  	[smem:$0x3F96] =	sst lr;
	_ =	strace $0xD0000000  }
0x3: {  	_ = 	snop  }
0x4: {  	_ = 	snop  }
0x5: {  	_ = 	snop  }
0x6: {  	_ = 	snop  }
0x7: {  	_ = 	snop  }
__scs_overlays_trampoline_lowered:
0x8: {  	[smem:$0x3FA5] =	sst s0  }
0x9: {  	[smem:$0x3FA6] =	sst s1  }
0xa: {  	[smem:$0x3FA7] =	sst s2  }
0xb: {  	[smem:$0x3FA8] =	sst s3  }
0xc: {  	[smem:$0x3FA9] =	sst s4  }
0xd: {  	[smem:$0x3FAA] =	sst s5  }
0xe: {  	[smem:$0x3FAB] =	sst s6  }
0xf: {  	[smem:$0x3FAC] =	sst s7  }
0x10: {  	[smem:$0x3FAD] =	sst s8  }
0x11: {  	[smem:$0x3FAE] =	sst s9;
	s0 =	simm.s32 @!p0 $0x0  }
0x12: {  	s1 =	sld [smem:$0x3F94];
	s0 =	simm.s32 @p0 $0x1  }
0x13: {  	[smem:$0x3FAF] =	sst s0;
	s0 =	simm.s32 @!p1 $0x0  }
0x14: {  	s2 =	sld [smem:$0x3F93];
	s0 =	simm.s32 @p1 $0x1  }
0x15: {  	[smem:$0x3FB0] =	sst s0;
	s0 =	simm.s32 @!p2 $0x0  }
0x16: {  	s3 =	sld [smem:$0x3FDB];
	s0 =	simm.s32 @p2 $0x1  }
0x17: {  	s4 =	simm.s32 $0x1BF5;
	[smem:$0x3FB2] =	sst s0  }
0x18: {  	s0 =	sld [smem:$0x3F95];
	_ =	swait.ge [sflag:s4], $0x0  }
0x19: {  	s7 =	sld [smem:$0x3F96]  }
0x1a: {  	s8 =	sadd.s32 $0xFFFFE003, lr  }
0x1b: {  	s9 =	sadd.s32 $0xFFFFFEF7, lr;
	s5 =	simm.s32 $0xFFFFFFFF;
	p2 =	slt.u32 s8, $0xFFFFF086  }
0x1c: {  	p1 =	slt.u32 s9, $0xF7A;
	s5 =	simm.s32 @!p2 $0x0  }
0x1d: {  	s5 =	simm.s32 @p1 $0x1;
	p0 =	seq.s32 s7, s2  }
0x1e: {  	s7 =	smul.u32 @!p0 $0xF7A, s2;
	p2 =	seq.s32 @!p0 s5, $0x0  }
0x1f: {  	s9 =	smul.u32 $0xF7A, s1;
	s8 =	simm.s32 @!p0 $0x1BF5;
	p2 =	por !p2, p0  }
0x20: {  	[sflag:s8] =	ssyncset.s32 @!p0 $0xFFFFF086;
	s6 =	sadd.s32 @!p0 s3, s7;
	s7 =	simm.s32 @!p0 $0x108  }
0x21: {  	s3 =	sadd.s32 s3, s9;
	s6 =	sadd.s32 @!p0 $0x88, s6;
	s7 =	simm.s32 @p2 $0x1082  }
0x22: {  	[simem:s7], [sflag:s8] =	dma.local @!p0 [hbm:s6], $0xF7A  }
0x23: {  	s9 =	sor.u32 $0xD0000000, s2;
	s6 =	simm.s32 $0x108;
	_ =	swait.ge @!p0 [sflag:s8], $0x0  }
0x24: {  	s3 =	sadd.s32 $0x88, s3;
	s6 =	simm.s32 @!p1 $0x1082;
	[sflag:s4] =	ssyncset.s32 $0xFFFFF086  }
0x25: {  	[simem:s6], [sflag:s4] =	dma.local [hbm:s3], $0xF7A  }
0x26: {  	[smem:$0x3F96] =	sst s1;
	(tag) =	ssettag s2;
	_ =	strace s9  }
0x27: {  	s1 =	sld [smem:$0x3FA6]  }
0x28: {  	s2 =	sld [smem:$0x3FA7]  }
0x29: {  	s4 =	sld [smem:$0x3FA9]  }
0x2a: {  	p0 =	seq.s32 s5, $0x0;
	s5 =	sld [smem:$0x3FAA]  }
0x2b: {  	s6 =	sld [smem:$0x3FAB]  }
0x2c: {  	s7 =	sld [smem:$0x3FAC]  }
0x2d: {  	s3 =	simm.s32 $0x108;
	s8 =	sld [smem:$0x3FAD]  }
0x2e: {  	s3 =	simm.s32 @!p0 $0x1082;
	s9 =	sld [smem:$0x3FAE]  }
0x2f: {  	lr =	sadd.s32 s0, s3;
	s0 =	sld [smem:$0x3FA5]  }
0x30: {  	s3 =	sld [smem:$0x3FA8]  }
0x31: {  	[smem:$0x3FB1] =	sst s10  }
0x32: {  	s10 =	sld [smem:$0x3FAF];
	_ =	sdelay $0x3  }
0x33: {  	p0 =	seq.s32 s10, $0x1;
	s10 =	sld [smem:$0x3FB1];
	_ =	sdelay $0x3  }
0x34: {  	[smem:$0x3FB1] =	sst s10  }
0x35: {  	s10 =	sld [smem:$0x3FB0];
	_ =	sdelay $0x3  }
0x36: {  	p1 =	seq.s32 s10, $0x1;
	s10 =	sld [smem:$0x3FB1];
	_ =	sdelay $0x3  }
0x37: {  	[smem:$0x3FB1] =	sst s10  }
0x38: {  	s10 =	sld [smem:$0x3FB2]  }
0x39: {  	_ = 	snop;
	(pc) =	sbr.ind lr, $3  }
0x3a: {  	_ = 	snop  }
0x3b: {  	_ = 	snop  }
0x3c: {  	p2 =	seq.s32 s10, $0x1;
	s10 =	sld [smem:$0x3FB1]  }
0x3d: {  	_ =	shalt  }
0x3e: {  	_ =	shalt  }
0x3f: {  	_ =	shalt  }
0x40: {  	_ =	shalt  }
0x41: {  	_ =	shalt  }
0x42: {  	_ =	shalt  }
0x43: {  	_ =	shalt  }
0x44: {  	_ =	shalt  }
0x45: {  	_ =	shalt  }
0x46: {  	_ =	shalt  }
0x47: {  	_ =	shalt  }
0x48: {  	_ =	shalt  }
0x49: {  	_ =	shalt  }
0x4a: {  	_ =	shalt  }
0x4b: {  	_ =	shalt  }
0x4c: {  	_ =	shalt  }
0x4d: {  	_ =	shalt  }
0x4e: {  	_ =	shalt  }
0x4f: {  	_ =	shalt  }
0x50: {  	_ =	shalt  }
0x51: {  	_ =	shalt  }
0x52: {  	_ =	shalt  }
0x53: {  	_ =	shalt  }
0x54: {  	_ =	shalt  }
0x55: {  	_ =	shalt  }
0x56: {  	_ =	shalt  }
0x57: {  	_ =	shalt  }
0x58: {  	_ =	shalt  }
0x59: {  	_ =	shalt  }
0x5a: {  	_ =	shalt  }
0x5b: {  	_ =	shalt  }
0x5c: {  	_ =	shalt  }
0x5d: {  	_ =	shalt  }
0x5e: {  	_ =	shalt  }
0x5f: {  	_ =	shalt  }
0x60: {  	_ =	shalt  }
0x61: {  	_ =	shalt  }
0x62: {  	_ =	shalt  }
0x63: {  	_ =	shalt  }
0x64: {  	_ =	shalt  }
0x65: {  	_ =	shalt  }
0x66: {  	_ =	shalt  }
0x67: {  	_ =	shalt  }
0x68: {  	_ =	shalt  }
0x69: {  	_ =	shalt  }
0x6a: {  	_ =	shalt  }
0x6b: {  	_ =	shalt  }
0x6c: {  	_ =	shalt  }
0x6d: {  	_ =	shalt  }
0x6e: {  	_ =	shalt  }
0x6f: {  	_ =	shalt  }
0x70: {  	_ =	shalt  }
0x71: {  	_ =	shalt  }
0x72: {  	_ =	shalt  }
0x73: {  	_ =	shalt  }
0x74: {  	_ =	shalt  }
0x75: {  	_ =	shalt  }
0x76: {  	_ =	shalt  }
0x77: {  	_ =	shalt  }
0x78: {  	_ =	shalt  }
0x79: {  	_ =	shalt  }
0x7a: {  	_ =	shalt  }
0x7b: {  	_ =	shalt  }
0x7c: {  	_ =	shalt  }
0x7d: {  	_ =	shalt  }
0x7e: {  	_ =	shalt  }
0x7f: {  	_ =	shalt  }
0x80: {  	_ =	shalt  }
0x81: {  	_ =	shalt  }
0x82: {  	_ =	shalt  }
0x83: {  	_ =	shalt  }
0x84: {  	_ =	shalt  }
0x85: {  	_ =	shalt  }
0x86: {  	_ =	shalt  }
0x87: {  	_ =	shalt  }
.Lfunc_end0:
.L_simem_size_0:
called_computation_lowered:
.L_overlay_start_0:
0x88: {  	s2 =	sld [smem:$0x3FD9]  }
0x89: {  	s3 =	sld [smem:$0x3FFE];
	_ =	sdelay $0x1  }
0x8a: {  	s1 =	srdreg.scid  }
0x8b: {  	s0 =	sand.u32 $0x1, s1  }
0x8c: {  	s17 =	sshll.u32 s0, $0xA;
	s2 =	sadd.s32 s3, s2  }
0x8d: {  	s2 =	sadd.s32 s2, s17  }
0x8e: {  	[smem:$0x3FBD] =	sst s2  }
0x8f: {  	_ = 	snop  }
0x90: {  	s2 =	sld [smem:$0x3FD0];
	(tm) =	ssettm $0x1  }
0x91: {  	s18 =	sld [smem:$0x3FFB];
	_ =	sdelay $0x3  }
0x92: {  	_ =	strace s18  }
0x93: {  	s3 =	sld [smem:$0x3FFC];
	_ =	sdelay $0x3  }
0x94: {  	_ =	strace s3  }
0x95: {  	s3 =	sld [smem:$0x3FFD];
	_ =	sdelay $0x3  }
0x96: {  	_ =	strace s3  }
0x97: {  	_ =	strace $0x8FFFFFFF  }
0x98: {  	s19 =	sld [smem:$0x3FDB];
	_ =	sdelay $0x1  }
0x99: {  	s4 =	simm.s32 $_scs_section_size  }
0x9a: {  	s5 =	simm.s32 $_size__tile_overlayer_lowered;
	s6 =	simm.s32 $_tile_overlayer_lowered  }
0x9b: {  	s22 =	simm.s32 $0x1BFF;
	s21 =	sshll.u32 s6, $0x1;
	s3 =	sadd.s32 s4, s19  }
0x9c: {  	s7 =	simm.s32 $0x0;
	s20 =	sshll.u32 s5, $0x1;
	s5 =	sadd.s32 s21, s3  }
0x9d: {  	[timem:s7], [sflag:s22] =	dma.local [hbm:s5], s20  }
0x9e: {  	_ =	swait.ge [sflag:s22], s20  }
0x9f: {  	s4 =	ssub.s32 $0x0, s20;
	[sflag:s22] =	ssyncset.done $0x0  }
0xa0: {  	[sflag:s22] =	ssyncadd.s32 s4;
	_ =	sdelay $0x1  }
0xa1: {  	s23 =	simm.s32 $0x1B8B  }
0xa2: {  	_ =	swait.ge [sflag:s23], $0x1  }
0xa3: {  	[sflag:s23] =	ssyncset.done $0x0  }
0xa4: {  	s25 =	simm.s32 $0x1B8E;
	s24 =	sld [smem:$0x3FFE];
	[sflag:s23] =	ssyncadd.s32 $0xFFFFFFFF  }
0xa5: {  	s26 =	simm.s32 $execute0_lowered;
	[smem:$0x3FD2] =	sst s25  }
0xa6: {  	s5 =	sshll.u32 s26, $0x1;
	_ =	strace $0x80000046;
	[dreg:$0x1] =	wrdreg $0xFFFFFFFF  }
0xa7: {  	s28 =	simm.s32 $_size_execute0_lowered;
	s3 =	sadd.s32 s3, s5;
	[dreg:$0x0] =	wrdreg $0x0  }
0xa8: {  	s5 =	sshll.u32 s28, $0x1;
	[dreg:$0x2] =	wrdreg s3  }
0xa9: {  	[dreg:$0x3] =	wrdreg s5  }
0xaa: {  	[dreg:$0x4] =	wrdreg $0xC0  }
0xab: {  	_ =	task [dreg:s7], $0x5FFFF  }
0xac: {  	[dreg:$0x1] =	wrdreg $0xFFFFFFFF  }
0xad: {  	[dreg:$0x0] =	wrdreg $0x60  }
0xae: {  	[dreg:$0x2] =	wrdreg s2  }
0xaf: {  	[dreg:$0x3] =	wrdreg s24  }
0xb0: {  	[dreg:$0x4] =	wrdreg $0x9  }
0xb1: {  	_ =	task.clear_ibuf [dreg:s7], $0x5FFFF;
	_ =	strace $0x90000046  }
0xb2: {  	s29 =	simm.s32 $0x9;
	_ =	strace $0x80000048  }
0xb3: {  	_ =	swait.ge [sflag:s29], $0x1  }
0xb4: {  	[sflag:s29] =	ssyncadd.s32 $0xFFFFFFFF  }
0xb5: {  	_ =	strace $0x90000048  }
0xb6: {  	_ =	sfence  }
0xb7: {  	s30 =	sld [smem:$0x0];
	_ =	sdelay $0x2  }
0xb8: {  	s31 =	sshll.u32 s1, $0xD;
	s1 =	sshrl.u32 s1, $0x2  }
0xb9: {  	s3 =	sand.u32 $0x4000, s31;
	s1 =	sadd.s32 s1, s30  }
0xba: {  	s0 =	sor.u32 s3, s0;
	s1 =	sshll.u32 s1, $0x11  }
0xbb: {  	s0 =	sor.u32 s1, s0  }
0xbc: {  	s0 =	sadd.s32 $0x8F2B, s0  }
0xbd: {  	[sflag:s0] =	ssyncadd.remote.s32 $0x1  }
0xbe: {  	_ =	sfence.sel $0xFFFF  }
0xbf: {  	[dreg:$0x0] =	wrdreg $0xFFFFFFFF;
	(pc) =	sbr.abs _section_cstart, $3  }
0xc0: {  	[dreg:$0x1] =	wrdreg $0xFFFFFFFF  }
0xc1: {  	_ =	task.clear_ibuf [dreg:s7], $0x2FFFF;
	_ =	strace $0x9FFFFFFF  }
0xc2: {  	(tm) =	ssettm $0x7FFFFFFF  }
0xc3: {  	_ =	shalt  }
tec
execute0_lowered:
.L_overlay_start_1:
0x0: {  	(tag) =	ssettag $0x1  }
0x1: {  	s0 =	srdreg.scid  }
0x2: {  	s9 =	stileid.u32;
	s2 =	rddreg [dreg:$0x0]  }
0x3: {  	s4 =	rddreg [dreg:$0x1];
	s3 =	simm.s32 $0x0;
	s14 =	simm.s32 $0xD  }
0x4: {  	s16 =	simm.s32 $0x28;
	s17 =	simm.s32 $0x2800;
	s18 =	simm.s32 $0x6400  }
0x5: {  	s19 =	simm.s32 $0x3C00;
	s28 =	simm.s32 $0x4;
	s29 =	simm.s32 $0xA  }
0x6: {  	s30 =	simm.s32 $0x3;
	s31 =	simm.s32 $0x9;
	s0 =	sand.u32 $0x1, s0  }
0x7: {  	s1 =	sshll.u32 s9, $0x1;
	[smem:$0x7FF] =	sst s3;
	s23 =	smul.u32 $0x27100, s9  }
0x8: {  	s7 =	sadd.s32 $0xD400, s4;
	s1 =	sor.u32 s0, s1;
	s11 =	smul.u32 $0x13880, s0  }
0x9: {  	_ =	strace $0x80000047;
	s6 =	ssub.s32 $0x2, s0;
	s5 =	smul.u32 $0x1388, s1  }
0xa: {  	s0 =	simm.s32 $0xB;
	s1 =	smul.u32 $0x9C400, s1;
	s8 =	sshrl.u32 s6, $0x1  }
0xb: {  	s6 =	ssub.s32 s6, s8;
	s8 =	sadd.s32 s23, s7;
	s5 =	sshrl.u32 s5, $0x3  }
0xc: {  	s1 =	sshrl.u32 s1, $0x3;
	s25 =	smax.u32 s6, $0x1;
	s5 =	sadd.s32 s5, s4  }
0xd: {  	s6 =	simm.s32 $0x0;
	[dreg:$0x9] =	wrdreg s25;
	s10 =	sadd.s32 $0x8400, s5  }
0xe: {  	s20 =	sadd.s32 $0x13380, s1;
	s5 =	sadd.s32 $0x3400, s5;
	[dreg:$0x3] =	wrdreg s10  }
0xf: {  	s4 =	sadd.s32 $0x27E400, s4;
	s21 =	sadd.s32 s7, s20;
	[dreg:$0x4] =	wrdreg s5  }
0x10: {  	s1 =	sadd.s32 $0x13600, s1;
	s22 =	sadd.s32 s4, s20;
	[dreg:$0x5] =	wrdreg s21  }
0x11: {  	s25 =	simm.s32 $0x2;
	s24 =	sadd.s32 s7, s1;
	[dreg:$0x6] =	wrdreg s22  }
0x12: {  	s1 =	sadd.s32 s4, s1;
	s26 =	sadd.s32 s23, s4;
	[dreg:$0x7] =	wrdreg s24  }
0x13: {  	s20 =	simm.s32 $0x7800;
	s23 =	simm.s32 $0x5000;
	[dreg:$0x8] =	wrdreg s1  }
0x14: {  	[dreg:$0xa] =	wrdreg s26;
	s21 =	simm.s32 $0x1;
	s22 =	simm.s32 $0x7  }
0x15: {  	s24 =	simm.s32 $0x8C00;
	s26 =	simm.s32 $0x8;
	s1 =	simm.s32 $0x5  }
.LBB2_1:
0x16: {  	s4 =	rddreg [dreg:$0x3]  }
0x17: {  	[tilespmem:s3], [sflag:$0xD] =	stream.linear.gather [hbm4b:s4+s3], $0x1388, $0x38;
	[tilespmem:$0xA000] =	vst v63  }
0x18: {  	_ =	swait.ge [sflag:s14], $0x1388  }
0x19: {  	[sflag:s14] =	ssyncset.done $0x0  }
0x1a: {  	s5 =	simm.s32 $0x1400;
	s9 =	rddreg [dreg:$0x4];
	[sflag:s14] =	ssyncadd.s32 $0xFFFFEC78  }
0x1b: {  	[tilespmem:s5], [sflag:$0xD] =	stream.linear.gather [hbm4b:s9+s3], $0x1388, $0x38;
	[tilespmem:$0xA000] =	vst v63  }
0x1c: {  	_ =	swait.ge [sflag:s14], $0x1388  }
0x1d: {  	[sflag:s14] =	ssyncset.done $0x0  }
0x1e: {  	p0 =	por $0x1, $0x1;
	[sflag:s14] =	ssyncadd.s32 $0xFFFFEC78  }
0x1f: {  	[tilespmem:s17], [sflag:$0x1] =	stream.indirect.gather [hbm4b:s2+s16], $0x80, s3, s16, $0xb8;
	[tilespmem:$0xA000] =	vst v63  }
0x20: {  	s4 =	simm.s32 @!p0 $0x5  }
0x21: {  	[tilespmem:s18], [sflag:$0x7] =	stream.indirect.gather [hbm4b:s2+s16], $0x80, s5, s16, $0xb8;
	[tilespmem:$0xA000] =	vst v63  }
0x22: {  	_ =	swait.ge @!p0 [sflag:s4], $0x1400  }
0x23: {  	[sflag:s4] =	ssyncset.done @!p0 $0x0  }
0x24: {  	[sflag:s4] =	ssyncadd.s32 @!p0 $0xFFFFEC00;
	s4 =	simm.s32 @!p0 $0xB  }
0x25: {  	_ =	swait.ge @!p0 [sflag:s4], $0x1400  }
0x26: {  	[sflag:s4] =	ssyncset.done @!p0 $0x0  }
0x27: {  	s10 =	simm.s32 $0x28;
	[sflag:s4] =	ssyncadd.s32 @!p0 $0xFFFFEC00  }
0x28: {  	[tilespmem:s19], [sflag:$0x2] =	stream.indirect.gather [hbm4b:s2+s16], $0x80, s10, s16, $0xb8;
	[tilespmem:$0xA000] =	vst v63  }
0x29: {  	s12 =	simm.s32 $0x1428  }
0x2a: {  	[tilespmem:s20], [sflag:$0x8] =	stream.indirect.gather [hbm4b:s2+s16], $0x80, s12, s16, $0xb8;
	[tilespmem:$0xA000] =	vst v63  }
0x2b: {  	_ =	swait.ge [sflag:s21], $0x1400  }
0x2c: {  	[sflag:s21] =	ssyncset.done $0x0  }
0x2d: {  	[sflag:s21] =	ssyncadd.s32 $0xFFFFEC00  }
0x2e: {  	_ =	swait.ge [sflag:s22], $0x1400  }
0x2f: {  	[sflag:s22] =	ssyncset.done $0x0  }
0x30: {  	s4 =	sadd.s32 s8, s11;
	s10 =	rddreg [dreg:$0xa];
	[sflag:s22] =	ssyncadd.s32 $0xFFFFEC00  }
0x31: {  	[hbm4b:s4+s3] =	stream.linear.scatter [tilespmem:s17], [sflag:$0x4], $0x1400, $0x38;
	[tilespmem:$0xA000] =	vst v63  }
0x32: {  	s7 =	simm.s32 @!p0 $0x6;
	s5 =	sadd.s32 s10, s11  }
0x33: {  	[hbm4b:s5+s3] =	stream.linear.scatter [tilespmem:s18], [sflag:$0xA], $0x1400, $0x38;
	[tilespmem:$0xA000] =	vst v63  }
0x34: {  	_ =	swait.ge @!p0 [sflag:s7], $0x1400  }
0x35: {  	[sflag:s7] =	ssyncset.done @!p0 $0x0  }
0x36: {  	[sflag:s7] =	ssyncadd.s32 @!p0 $0xFFFFEC00;
	s7 =	simm.s32 @!p0 $0xC  }
0x37: {  	_ =	swait.ge @!p0 [sflag:s7], $0x1400  }
0x38: {  	[sflag:s7] =	ssyncset.done @!p0 $0x0  }
0x39: {  	s13 =	simm.s32 $0x50;
	[sflag:s7] =	ssyncadd.s32 @!p0 $0xFFFFEC00  }
0x3a: {  	[tilespmem:s23], [sflag:$0x3] =	stream.indirect.gather [hbm4b:s2+s16], $0x80, s13, s16, $0xb8;
	[tilespmem:$0xA000] =	vst v63  }
0x3b: {  	s15 =	simm.s32 $0x1450  }
0x3c: {  	[tilespmem:s24], [sflag:$0x9] =	stream.indirect.gather [hbm4b:s2+s16], $0x80, s15, s16, $0xb8;
	[tilespmem:$0xA000] =	vst v63  }
0x3d: {  	_ =	swait.ge [sflag:s25], $0x1400  }
0x3e: {  	[sflag:s25] =	ssyncset.done $0x0  }
0x3f: {  	[sflag:s25] =	ssyncadd.s32 $0xFFFFEC00  }
0x40: {  	_ =	swait.ge [sflag:s26], $0x1400  }
0x41: {  	[sflag:s26] =	ssyncset.done $0x0  }
0x42: {  	s9 =	sadd.s32 $0x280, s4;
	[sflag:s26] =	ssyncadd.s32 $0xFFFFEC00  }
0x43: {  	[hbm4b:s9+s3] =	stream.linear.scatter [tilespmem:s19], [sflag:$0x5], $0x1400, $0x38;
	[tilespmem:$0xA000] =	vst v63  }
0x44: {  	s12 =	sadd.s32 $0x280, s5  }
0x45: {  	[hbm4b:s12+s3] =	stream.linear.scatter [tilespmem:s20], [sflag:$0xB], $0x1400, $0x38;
	[tilespmem:$0xA000] =	vst v63  }
0x46: {  	_ =	swait.ge [sflag:s28], $0x1400  }
0x47: {  	[sflag:s28] =	ssyncset.done $0x0  }
0x48: {  	[sflag:s28] =	ssyncadd.s32 $0xFFFFEC00  }
0x49: {  	_ =	swait.ge [sflag:s29], $0x1400  }
0x4a: {  	[sflag:s29] =	ssyncset.done $0x0  }
0x4b: {  	s13 =	simm.s32 $0x78;
	[sflag:s29] =	ssyncadd.s32 $0xFFFFEC00  }
0x4c: {  	[tilespmem:s17], [sflag:$0x1] =	stream.indirect.gather [hbm4b:s2+s16], $0x80, s13, s16, $0xb8;
	[tilespmem:$0xA000] =	vst v63  }
0x4d: {  	s15 =	simm.s32 $0x1478  }
0x4e: {  	[tilespmem:s18], [sflag:$0x7] =	stream.indirect.gather [hbm4b:s2+s16], $0x80, s15, s16, $0xb8;
	[tilespmem:$0xA000] =	vst v63  }
0x4f: {  	_ =	swait.ge [sflag:s30], $0x1400  }
0x50: {  	[sflag:s30] =	ssyncset.done $0x0  }
0x51: {  	[sflag:s30] =	ssyncadd.s32 $0xFFFFEC00  }
0x52: {  	_ =	swait.ge [sflag:s31], $0x1400  }
0x53: {  	p1 =	por $0x0, $0x0;
	s4 =	sadd.s32 $0x500, s4;
	[sflag:s31] =	ssyncset.done $0x0  }
0x54: {  	s7 =	sadd.s32 $0x780, s10;
	s9 =	simm.s32 $0x1E0;
	[sflag:s31] =	ssyncadd.s32 $0xFFFFEC00  }
0x55: {  	[hbm4b:s4+s3] =	stream.linear.scatter [tilespmem:s23], [sflag:$0x6], $0x1400, $0x38;
	[tilespmem:$0xA000] =	vst v63  }
0x56: {  	s12 =	smov.u32 s8;
	s15 =	simm.s32 $0x3C0;
	s4 =	sadd.s32 $0x500, s5  }
.LBB2_2:
0x57: {  	s5 =	simm.s32 @!p1 $0x5  }
0x58: {  	s12 =	sadd.s32 $0x780, s12;
	s13 =	smov.u32 s15;
	s15 =	sadd.s32 $0x1E0, s15  }
0x59: {  	[hbm4b:s4+s3] =	stream.linear.scatter [tilespmem:s24], [sflag:$0xC], $0x1400, $0x38;
	[tilespmem:$0xA000] =	vst v63  }
0x5a: {  	p0 =	sne.s32 s15, $0x4CE0;
	_ =	swait.ge @!p1 [sflag:s5], $0x1400  }
0x5b: {  	[sflag:s5] =	ssyncset.done @!p1 $0x0  }
0x5c: {  	s4 =	simm.s32 @!p1 $0xB;
	[sflag:s5] =	ssyncadd.s32 @!p1 $0xFFFFEC00  }
0x5d: {  	_ =	swait.ge @!p1 [sflag:s4], $0x1400  }
0x5e: {  	s10 =	sshra.s32 s9, $0x2;
	s9 =	smov.u32 s13;
	[sflag:s4] =	ssyncset.done @!p1 $0x0  }
0x5f: {  	[sflag:s4] =	ssyncadd.s32 @!p1 $0xFFFFEC00;
	s4 =	sadd.s32 $0x28, s10  }
0x60: {  	[tilespmem:s19], [sflag:$0x2] =	stream.indirect.gather [hbm4b:s2+s16], $0x80, s4, s16, $0xb8;
	[tilespmem:$0xA000] =	vst v63  }
0x61: {  	s4 =	sadd.s32 $0x1428, s10  }
0x62: {  	[tilespmem:s20], [sflag:$0x8] =	stream.indirect.gather [hbm4b:s2+s16], $0x80, s4, s16, $0xb8;
	[tilespmem:$0xA000] =	vst v63  }
0x63: {  	_ =	swait.ge [sflag:s21], $0x1400  }
0x64: {  	[sflag:s21] =	ssyncset.done $0x0  }
0x65: {  	[sflag:s21] =	ssyncadd.s32 $0xFFFFEC00  }
0x66: {  	_ =	swait.ge [sflag:s22], $0x1400  }
0x67: {  	[sflag:s22] =	ssyncset.done $0x0  }
0x68: {  	s5 =	sadd.s32 s12, s11;
	[sflag:s22] =	ssyncadd.s32 $0xFFFFEC00  }
0x69: {  	[hbm4b:s5+s3] =	stream.linear.scatter [tilespmem:s17], [sflag:$0x4], $0x1400, $0x38;
	[tilespmem:$0xA000] =	vst v63  }
0x6a: {  	s13 =	simm.s32 @!p1 $0x6;
	s4 =	sadd.s32 s7, s11  }
0x6b: {  	[hbm4b:s4+s3] =	stream.linear.scatter [tilespmem:s18], [sflag:$0xA], $0x1400, $0x38;
	[tilespmem:$0xA000] =	vst v63  }
0x6c: {  	_ =	swait.ge @!p1 [sflag:s13], $0x1400  }
0x6d: {  	[sflag:s13] =	ssyncset.done @!p1 $0x0  }
0x6e: {  	[sflag:s13] =	ssyncadd.s32 @!p1 $0xFFFFEC00;
	s13 =	simm.s32 @!p1 $0xC  }
0x6f: {  	_ =	swait.ge @!p1 [sflag:s13], $0x1400  }
0x70: {  	[sflag:s13] =	ssyncset.done @!p1 $0x0  }
0x71: {  	[sflag:s13] =	ssyncadd.s32 @!p1 $0xFFFFEC00;
	s13 =	sadd.s32 $0x50, s10  }
0x72: {  	[tilespmem:s23], [sflag:$0x3] =	stream.indirect.gather [hbm4b:s2+s16], $0x80, s13, s16, $0xb8;
	[tilespmem:$0xA000] =	vst v63  }
0x73: {  	s13 =	sadd.s32 $0x1450, s10  }
0x74: {  	[tilespmem:s24], [sflag:$0x9] =	stream.indirect.gather [hbm4b:s2+s16], $0x80, s13, s16, $0xb8;
	[tilespmem:$0xA000] =	vst v63  }
0x75: {  	_ =	swait.ge [sflag:s25], $0x1400  }
0x76: {  	[sflag:s25] =	ssyncset.done $0x0  }
0x77: {  	[sflag:s25] =	ssyncadd.s32 $0xFFFFEC00  }
0x78: {  	_ =	swait.ge [sflag:s26], $0x1400  }
0x79: {  	[sflag:s26] =	ssyncset.done $0x0  }
0x7a: {  	s13 =	sadd.s32 $0x280, s5;
	[sflag:s26] =	ssyncadd.s32 $0xFFFFEC00  }
0x7b: {  	[hbm4b:s13+s3] =	stream.linear.scatter [tilespmem:s19], [sflag:$0x5], $0x1400, $0x38;
	[tilespmem:$0xA000] =	vst v63  }
0x7c: {  	s13 =	sadd.s32 $0x280, s4  }
0x7d: {  	[hbm4b:s13+s3] =	stream.linear.scatter [tilespmem:s20], [sflag:$0xB], $0x1400, $0x38;
	[tilespmem:$0xA000] =	vst v63  }
0x7e: {  	_ =	swait.ge [sflag:s28], $0x1400  }
0x7f: {  	[sflag:s28] =	ssyncset.done $0x0  }
0x80: {  	[sflag:s28] =	ssyncadd.s32 $0xFFFFEC00  }
0x81: {  	_ =	swait.ge [sflag:s29], $0x1400  }
0x82: {  	[sflag:s29] =	ssyncset.done $0x0  }
0x83: {  	s13 =	sadd.s32 $0x78, s10;
	[sflag:s29] =	ssyncadd.s32 $0xFFFFEC00  }
0x84: {  	[tilespmem:s17], [sflag:$0x1] =	stream.indirect.gather [hbm4b:s2+s16], $0x80, s13, s16, $0xb8;
	[tilespmem:$0xA000] =	vst v63  }
0x85: {  	s10 =	sadd.s32 $0x1478, s10  }
0x86: {  	[tilespmem:s18], [sflag:$0x7] =	stream.indirect.gather [hbm4b:s2+s16], $0x80, s10, s16, $0xb8;
	[tilespmem:$0xA000] =	vst v63  }
0x87: {  	_ =	swait.ge [sflag:s30], $0x1400  }
0x88: {  	[sflag:s30] =	ssyncset.done $0x0  }
.Ltmp0:
0x89: {  	[sflag:s30] =	ssyncadd.s32 $0xFFFFEC00;
	(pc) =	sbr.rel @p0 .LBB2_2-.Ltmp0, $4  }
0x8a: {  	_ =	swait.ge [sflag:s31], $0x1400  }
0x8b: {  	s7 =	sadd.s32 $0x780, s7;
	s5 =	sadd.s32 $0x500, s5;
	[sflag:s31] =	ssyncset.done $0x0  }
0x8c: {  	p1 =	seq.s32 s9, $0x0;
	s4 =	sadd.s32 $0x500, s4;
	[sflag:s31] =	ssyncadd.s32 $0xFFFFEC00  }
0x8d: {  	[hbm4b:s5+s3] =	stream.linear.scatter [tilespmem:s23], [sflag:$0x6], $0x1400, $0x38;
	[tilespmem:$0xA000] =	vst v63  }
0x8e: {  	[hbm4b:s4+s3] =	stream.linear.scatter [tilespmem:s24], [sflag:$0xC], $0x1400, $0x38;
	[tilespmem:$0xA000] =	vst v63  }
0x8f: {  	s4 =	simm.s32 @!p1 $0x5  }
0x90: {  	_ =	swait.ge @!p1 [sflag:s4], $0x1400  }
0x91: {  	[sflag:s4] =	ssyncset.done @!p1 $0x0  }
0x92: {  	[sflag:s4] =	ssyncadd.s32 @!p1 $0xFFFFEC00;
	s4 =	simm.s32 @!p1 $0xB  }
0x93: {  	_ =	swait.ge @!p1 [sflag:s4], $0x1400  }
0x94: {  	s5 =	sshra.s32 s9, $0x2;
	[sflag:s4] =	ssyncset.done @!p1 $0x0  }
0x95: {  	s13 =	sadd.s32 $0x28, s5;
	[sflag:s4] =	ssyncadd.s32 @!p1 $0xFFFFEC00  }
0x96: {  	[tilespmem:s19], [sflag:$0x2] =	stream.indirect.gather [hbm4b:s2+s16], $0x80, s13, s16, $0xb8;
	[tilespmem:$0xA000] =	vst v63  }
0x97: {  	s15 =	sadd.s32 $0x1428, s5  }
0x98: {  	[tilespmem:s20], [sflag:$0x8] =	stream.indirect.gather [hbm4b:s2+s16], $0x80, s15, s16, $0xb8;
	[tilespmem:$0xA000] =	vst v63  }
0x99: {  	_ =	swait.ge [sflag:s21], $0x1400  }
0x9a: {  	[sflag:s21] =	ssyncset.done $0x0  }
0x9b: {  	[sflag:s21] =	ssyncadd.s32 $0xFFFFEC00  }
0x9c: {  	_ =	swait.ge [sflag:s22], $0x1400  }
0x9d: {  	s9 =	sadd.s32 $0x780, s12;
	[sflag:s22] =	ssyncset.done $0x0  }
0x9e: {  	s4 =	sadd.s32 s9, s11;
	[sflag:s22] =	ssyncadd.s32 $0xFFFFEC00  }
0x9f: {  	[hbm4b:s4+s3] =	stream.linear.scatter [tilespmem:s17], [sflag:$0x4], $0x1400, $0x38;
	[tilespmem:$0xA000] =	vst v63  }
0xa0: {  	s7 =	sadd.s32 s7, s11;
	s9 =	simm.s32 @!p1 $0x6  }
0xa1: {  	[hbm4b:s7+s3] =	stream.linear.scatter [tilespmem:s18], [sflag:$0xA], $0x1400, $0x38;
	[tilespmem:$0xA000] =	vst v63  }
0xa2: {  	_ =	swait.ge @!p1 [sflag:s9], $0x1400  }
0xa3: {  	[sflag:s9] =	ssyncset.done @!p1 $0x0  }
0xa4: {  	[sflag:s9] =	ssyncadd.s32 @!p1 $0xFFFFEC00;
	s9 =	simm.s32 @!p1 $0xC  }
0xa5: {  	_ =	swait.ge @!p1 [sflag:s9], $0x1400  }
0xa6: {  	[sflag:s9] =	ssyncset.done @!p1 $0x0  }
0xa7: {  	s10 =	sadd.s32 $0x50, s5;
	[sflag:s9] =	ssyncadd.s32 @!p1 $0xFFFFEC00  }
0xa8: {  	[tilespmem:s23], [sflag:$0x3] =	stream.indirect.gather [hbm4b:s2+s16], $0x80, s10, s16, $0xb8;
	[tilespmem:$0xA000] =	vst v63  }
0xa9: {  	s12 =	sadd.s32 $0x1450, s5  }
0xaa: {  	[tilespmem:s24], [sflag:$0x9] =	stream.indirect.gather [hbm4b:s2+s16], $0x80, s12, s16, $0xb8;
	[tilespmem:$0xA000] =	vst v63  }
0xab: {  	_ =	swait.ge [sflag:s25], $0x1400  }
0xac: {  	[sflag:s25] =	ssyncset.done $0x0  }
0xad: {  	[sflag:s25] =	ssyncadd.s32 $0xFFFFEC00  }
0xae: {  	_ =	swait.ge [sflag:s26], $0x1400  }
0xaf: {  	[sflag:s26] =	ssyncset.done $0x0  }
0xb0: {  	s13 =	sadd.s32 $0x280, s4;
	[sflag:s26] =	ssyncadd.s32 $0xFFFFEC00  }
0xb1: {  	[hbm4b:s13+s3] =	stream.linear.scatter [tilespmem:s19], [sflag:$0x5], $0x1400, $0x38;
	[tilespmem:$0xA000] =	vst v63  }
0xb2: {  	s15 =	sadd.s32 $0x280, s7  }
0xb3: {  	[hbm4b:s15+s3] =	stream.linear.scatter [tilespmem:s20], [sflag:$0xB], $0x1400, $0x38;
	[tilespmem:$0xA000] =	vst v63  }
0xb4: {  	_ =	swait.ge [sflag:s28], $0x1400  }
0xb5: {  	[sflag:s28] =	ssyncset.done $0x0  }
0xb6: {  	[sflag:s28] =	ssyncadd.s32 $0xFFFFEC00  }
0xb7: {  	_ =	swait.ge [sflag:s29], $0x1400  }
0xb8: {  	[sflag:s29] =	ssyncset.done $0x0  }
0xb9: {  	s10 =	sadd.s32 $0x78, s5;
	[sflag:s29] =	ssyncadd.s32 $0xFFFFEC00  }
0xba: {  	[tilespmem:s17], [sflag:$0x1] =	stream.indirect.gather [hbm4b:s2+s16], $0x80, s10, s16, $0xb8;
	[tilespmem:$0xA000] =	vst v63  }
0xbb: {  	s5 =	sadd.s32 $0x1478, s5  }
0xbc: {  	[tilespmem:s18], [sflag:$0x7] =	stream.indirect.gather [hbm4b:s2+s16], $0x80, s5, s16, $0xb8;
	[tilespmem:$0xA000] =	vst v63  }
0xbd: {  	_ =	swait.ge [sflag:s30], $0x1400  }
0xbe: {  	[sflag:s30] =	ssyncset.done $0x0  }
0xbf: {  	[sflag:s30] =	ssyncadd.s32 $0xFFFFEC00  }
0xc0: {  	_ =	swait.ge [sflag:s31], $0x1400  }
0xc1: {  	[sflag:s31] =	ssyncset.done $0x0  }
0xc2: {  	s4 =	sadd.s32 $0x500, s4;
	[sflag:s31] =	ssyncadd.s32 $0xFFFFEC00  }
0xc3: {  	[hbm4b:s4+s3] =	stream.linear.scatter [tilespmem:s23], [sflag:$0x6], $0x1400, $0x38;
	[tilespmem:$0xA000] =	vst v63  }
0xc4: {  	s12 =	sadd.s32 $0x500, s7  }
0xc5: {  	[hbm4b:s12+s3] =	stream.linear.scatter [tilespmem:s24], [sflag:$0xC], $0x1400, $0x38;
	[tilespmem:$0xA000] =	vst v63  }
0xc6: {  	_ =	swait.ge [sflag:s1], $0x1400  }
0xc7: {  	[sflag:s1] =	ssyncset.done $0x0  }
0xc8: {  	[sflag:s1] =	ssyncadd.s32 $0xFFFFEC00  }
0xc9: {  	_ =	swait.ge [sflag:s0], $0x1400  }
0xca: {  	[sflag:s0] =	ssyncset.done $0x0  }
0xcb: {  	s13 =	simm.s32 $0x1360;
	[sflag:s0] =	ssyncadd.s32 $0xFFFFEC00  }
0xcc: {  	[tilespmem:s19], [sflag:$0x2] =	stream.indirect.gather [hbm4b:s2+s16], $0x80, s13, s16, $0xb8;
	[tilespmem:$0xA000] =	vst v63  }
0xcd: {  	s15 =	simm.s32 $0x2760  }
0xce: {  	[tilespmem:s20], [sflag:$0x8] =	stream.indirect.gather [hbm4b:s2+s16], $0x80, s15, s16, $0xb8;
	[tilespmem:$0xA000] =	vst v63  }
0xcf: {  	_ =	swait.ge [sflag:s21], $0x1400  }
0xd0: {  	[sflag:s21] =	ssyncset.done $0x0  }
0xd1: {  	[sflag:s21] =	ssyncadd.s32 $0xFFFFEC00  }
0xd2: {  	_ =	swait.ge [sflag:s22], $0x1400  }
0xd3: {  	[sflag:s22] =	ssyncset.done $0x0  }
0xd4: {  	s5 =	rddreg [dreg:$0x5];
	[sflag:s22] =	ssyncadd.s32 $0xFFFFEC00  }
0xd5: {  	[hbm4b:s5+s3] =	stream.linear.scatter [tilespmem:s17], [sflag:$0x4], $0x1400, $0x38;
	[tilespmem:$0xA000] =	vst v63  }
0xd6: {  	s7 =	rddreg [dreg:$0x6]  }
0xd7: {  	[hbm4b:s7+s3] =	stream.linear.scatter [tilespmem:s18], [sflag:$0xA], $0x1400, $0x38;
	[tilespmem:$0xA000] =	vst v63  }
0xd8: {  	_ =	swait.ge [sflag:s25], $0x1400  }
0xd9: {  	[sflag:s25] =	ssyncset.done $0x0  }
0xda: {  	[sflag:s25] =	ssyncadd.s32 $0xFFFFEC00  }
0xdb: {  	_ =	swait.ge [sflag:s26], $0x1400  }
0xdc: {  	[sflag:s26] =	ssyncset.done $0x0  }
0xdd: {  	s9 =	rddreg [dreg:$0x7];
	[sflag:s26] =	ssyncadd.s32 $0xFFFFEC00  }
0xde: {  	[hbm4b:s9+s3] =	stream.linear.scatter [tilespmem:s19], [sflag:$0x5], $0x1400, $0x38;
	[tilespmem:$0xA000] =	vst v63  }
0xdf: {  	s12 =	simm.s32 $0x6;
	s10 =	rddreg [dreg:$0x8]  }
0xe0: {  	[hbm4b:s10+s3] =	stream.linear.scatter [tilespmem:s20], [sflag:$0xB], $0x1400, $0x38;
	[tilespmem:$0xA000] =	vst v63  }
0xe1: {  	_ =	swait.ge [sflag:s12], $0x1400  }
0xe2: {  	[sflag:s12] =	ssyncset.done $0x0  }
0xe3: {  	s13 =	simm.s32 $0xC;
	[sflag:s12] =	ssyncadd.s32 $0xFFFFEC00  }
0xe4: {  	_ =	swait.ge [sflag:s13], $0x1400  }
0xe5: {  	[sflag:s13] =	ssyncset.done $0x0  }
0xe6: {  	[sflag:s13] =	ssyncadd.s32 $0xFFFFEC00  }
0xe7: {  	_ =	swait.ge [sflag:s28], $0x1400  }
0xe8: {  	[sflag:s28] =	ssyncset.done $0x0  }
0xe9: {  	[sflag:s28] =	ssyncadd.s32 $0xFFFFEC00  }
0xea: {  	_ =	swait.ge [sflag:s29], $0x1400  }
0xeb: {  	[sflag:s29] =	ssyncset.done $0x0  }
0xec: {  	[sflag:s29] =	ssyncadd.s32 $0xFFFFEC00  }
0xed: {  	_ =	swait.ge [sflag:s1], $0x1400  }
0xee: {  	[sflag:s1] =	ssyncset.done $0x0  }
0xef: {  	[sflag:s1] =	ssyncadd.s32 $0xFFFFEC00  }
0xf0: {  	_ =	swait.ge [sflag:s0], $0x1400  }
0xf1: {  	s6 =	sadd.s32 $0x1, s6;
	s15 =	rddreg [dreg:$0x9]  }
0xf2: {  	p0 =	sne.s32 s6, s15  }
.Ltmp1:
0xf3: {  	_ = 	snop;
	(pc) =	sbr.rel @p0 .LBB2_1-.Ltmp1, $3  }
0xf4: {  	_ =	sdelay $0x1  }
0xf5: {  	[sflag:s0] =	ssyncset.done $0x0  }
0xf6: {  	[sflag:s0] =	ssyncadd.s32 $0xFFFFEC00  }
0xf7: {  	_ =	sfence.sel $0x180000  }
0xf8: {  	[bflag:$0x0] =	sbarrier.arrive $0xFFFF  }
0xf9: {  	_ =	strace $0x90000047  }
0xfa: {  	s0 =	stileid.u32;
	[bflag:$0x2] =	sbarrier.arrive $0xFFFF  }
0xfb: {  	p0 =	sne.s32 s0, $0x0;
	s0 =	rddreg [dreg:$0x2]  }
0xfc: {  	s0 =	sadd.s32 @!p0 $0x100000, s0  }
0xfd: {  	[sflag:s0] =	ssyncadd.tile.s32 @!p0 $0x1;
	_ =	shalt  }
.Lfunc_end2:
_tile_overlayer_lowered:
.L_overlay_start_2:
0xfe: {  	(tag) =	ssettag $0x2  }
0xff: {  	s0 =	rddreg [dreg:$0x0];
	s2 =	stileid.u32  }
0x100: {  	s1 =	rddreg [dreg:$0x1];
	p0 =	sne.s32 s2, $0x0  }
0x101: {  	s3 =	rddreg [dreg:$0x2];
	[bflag:$0x3] =	sbarrier.arrive $0xFFFF;
	s2 =	simm.s32 @!p0 $0x1C0D  }
0x102: {  	[timem:s3], [sflag:s2] =	dma.local @!p0 [hbm:s0], s1  }
0x103: {  	s0 =	simm.s32 @!p0 $0xD  }
0x104: {  	_ =	swait.ge @!p0 [sflag:s0], s1  }
0x105: {  	s1 =	ssub.s32 @!p0 $0x0, s1;
	[sflag:s0] =	ssyncset.done @!p0 $0x0  }
0x106: {  	[sflag:s0] =	ssyncadd.s32 @!p0 s1  }
0x107: {  	[bflag:$0x3] =	sbarrier.arrive $0xFFFF  }
0x108: {  	_ =	shalt  }

</sc_bundles>
